<compile_context>
chip_gen: v7x
topology: tpu7x:2x2x1
jax: 0.10.2.dev20260603
libtpu: 0.0.44.dev20260713+nightly
codegen_flags: <defaults>
</compile_context>

<pallas_src>
import dataclasses
import functools

import jax
import jax.numpy as jnp
from jax import lax
from jax.experimental import pallas as pl
from jax.experimental.pallas import tpu as pltpu
from jax.experimental.pallas import tpu_sc as plsc

N = 10000
E = 320000
D = 128
H = 128
G = 16

NC = 2
NS = 16
NW = NC * NS
ET = E // NW
K = 128
ETP = 10240
CH = ETP // K
NP = 10240
RPT = NP // NS
BM = 1000

_mesh = plsc.VectorSubcoreMesh(
    core_axis_name="c", subcore_axis_name="s", num_cores=NC, num_subcores=NS)

_sc_params = pltpu.CompilerParams(use_tc_tiling_on_sc=False)
if "needs_layout_passes" in pltpu.CompilerParams.__dataclass_fields__:
    _sc_params = dataclasses.replace(_sc_params, needs_layout_passes=False)


def _splat16(v):
    return jnp.full((16,), v, jnp.int32)



@functools.partial(
    pl.kernel,
    out_type=jax.ShapeDtypeStruct((NC, NP, 16), jnp.float32),
    mesh=_mesh,
    scratch_types=[
        pltpu.VMEM((CH, K), jnp.int32),
        pltpu.VMEM((CH, K), jnp.float32),
        pltpu.VMEM((K, 16), jnp.float32),
        pltpu.VMEM_SHARED((NP, 16), jnp.float32),
    ],
    compiler_params=_sc_params,
)
def _deg_kernel(dst_hbm, w_hbm, zer_hbm, out_hbm, dstv, wv, wrow, acc):
    cid = lax.axis_index("c")
    sid = lax.axis_index("s")
    wid = cid * NS + sid
    pltpu.sync_copy(zer_hbm, acc.at[pl.ds(sid * RPT, RPT)])
    pltpu.sync_copy(dst_hbm.at[wid], dstv)
    pltpu.sync_copy(w_hbm.at[wid], wv)
    plsc.subcore_barrier()

    @pl.loop(0, CH)
    def _chunk(j):
        @pl.loop(0, K)
        def _row(i):
            wb = plsc.load_gather(wv, [_splat16(j), _splat16(i)])
            wrow[i, pl.ds(0, 16)] = wb
        pltpu.sync_copy(wrow, acc.at[dstv.at[j]], add=True)

    plsc.subcore_barrier()
    pltpu.sync_copy(acc.at[pl.ds(sid * RPT, RPT)],
                    out_hbm.at[cid, pl.ds(sid * RPT, RPT)])



DH = D // 2

@functools.partial(
    pl.kernel,
    out_type=jax.ShapeDtypeStruct((NC, 2, NP, DH), jnp.float32),
    mesh=_mesh,
    scratch_types=[
        pltpu.VMEM((CH, K), jnp.int32),
        pltpu.VMEM((CH, K), jnp.int32),
        pltpu.VMEM((CH, K), jnp.float32),
        pltpu.VMEM((K, DH), jnp.float32),
        pltpu.VMEM_SHARED((NP, DH), jnp.float32),
    ],
    compiler_params=_sc_params,
)
def _agg_kernel(hs_lo_hbm, hs_hi_hbm, src_hbm, dst_hbm, w_hbm, zer_hbm,
                out_hbm, srcv, dstv, wv, rows, acc):
    cid = lax.axis_index("c")
    sid = lax.axis_index("s")
    wid = cid * NS + sid
    pltpu.sync_copy(src_hbm.at[wid], srcv)
    pltpu.sync_copy(dst_hbm.at[wid], dstv)
    pltpu.sync_copy(w_hbm.at[wid], wv)

    for phase, hs_hbm in enumerate([hs_lo_hbm, hs_hi_hbm]):
        pltpu.sync_copy(zer_hbm, acc.at[pl.ds(sid * RPT, RPT)])
        plsc.subcore_barrier()

        @pl.loop(0, CH)
        def _chunk(j):
            pltpu.sync_copy(hs_hbm.at[srcv.at[j]], rows)
            jb = _splat16(j)

            @pl.loop(0, K, step=4)
            def _row(i):
                for q in range(4):
                    wb = plsc.load_gather(wv, [jb, _splat16(i + q)])
                    for s in range(DH // 16):
                        sl = (i + q, pl.ds(s * 16, 16))
                        rows[sl] = rows[sl] * wb
            pltpu.sync_copy(rows, acc.at[dstv.at[j]], add=True)

        plsc.subcore_barrier()
        pltpu.sync_copy(acc.at[pl.ds(sid * RPT, RPT)],
                        out_hbm.at[cid, phase, pl.ds(sid * RPT, RPT)])



def _mm_scale_body(x_ref, w_ref, degp_ref, dis_ref, hs_ref):
    dp = degp_ref[...]
    deg = dp[0, :, 0:1] + dp[1, :, 0:1] + 1.0
    dis = lax.rsqrt(deg)
    dis_ref[...] = dis
    hs_ref[...] = jnp.dot(x_ref[...], w_ref[...],
                          preferred_element_type=jnp.float32) * dis


def _layer2_body(p_ref, hs1_ref, dis_ref, b1_ref, w2_ref, hs2_ref):
    p = p_ref[...]
    ps = p[0] + p[1]
    pcat = jnp.concatenate([ps[0], ps[1]], axis=1)
    dis = dis_ref[...]
    x2 = jnp.maximum((pcat + hs1_ref[...]) * dis + b1_ref[...], 0.0)
    hs2_ref[...] = jnp.dot(x2, w2_ref[...],
                           preferred_element_type=jnp.float32) * dis


def _head_body(p_ref, hs2_ref, dis_ref, b2_ref, batch_ref,
               fc1w_ref, fc1b_ref, fc2w_ref, fc2b_ref, o_ref,
               sum_ref, max_ref, cnt_ref):
    i = pl.program_id(0)

    @pl.when(i == 0)
    def _init():
        sum_ref[...] = jnp.zeros_like(sum_ref)
        max_ref[...] = jnp.full_like(max_ref, -jnp.inf)
        cnt_ref[...] = jnp.zeros_like(cnt_ref)

    p = p_ref[...]
    ps = p[0] + p[1]
    pcat = jnp.concatenate([ps[0], ps[1]], axis=1)
    dis = dis_ref[...]
    x3 = jnp.maximum((pcat + hs2_ref[...]) * dis + b2_ref[...], 0.0)
    bt = batch_ref[...]
    for g in range(G):
        m = bt == g
        cnt_ref[g:g + 1, :] += jnp.sum(m.astype(jnp.float32))
        sum_ref[g:g + 1, :] += jnp.sum(jnp.where(m, x3, 0.0), axis=0,
                                       keepdims=True)
        max_ref[g:g + 1, :] = jnp.maximum(
            max_ref[g:g + 1, :],
            jnp.max(jnp.where(m, x3, -jnp.inf), axis=0, keepdims=True))

    @pl.when(i == N // BM - 1)
    def _fin():
        mean = sum_ref[...] / jnp.maximum(cnt_ref[...], 1.0)
        gf = jnp.concatenate([mean, max_ref[...]], axis=1)
        r = jnp.maximum(jnp.dot(gf, fc1w_ref[...],
                                preferred_element_type=jnp.float32)
                        + fc1b_ref[...], 0.0)
        o_ref[...] = jnp.dot(r, fc2w_ref[...],
                             preferred_element_type=jnp.float32) + fc2b_ref[...]


def kernel(x, edge_index, edge_attr, batch, W1, b1, W2, b2,
           fc1_w, fc1_b, fc2_w, fc2_b):
    f32 = jnp.float32
    pad = ((0, 0), (0, ETP - ET))
    src3 = jnp.pad(edge_index[0].astype(jnp.int32).reshape(NW, ET),
                   pad).reshape(NW, CH, K)
    dst3 = jnp.pad(edge_index[1].astype(jnp.int32).reshape(NW, ET),
                   pad).reshape(NW, CH, K)
    w3 = jnp.pad(edge_attr.astype(f32).reshape(NW, ET), pad).reshape(NW, CH, K)
    batch2 = batch.astype(jnp.int32).reshape(N, 1)
    zrow = jnp.zeros((RPT, DH), f32)
    zdeg = jnp.zeros((RPT, 16), f32)

    b1r = b1.reshape(1, H)
    b2r = b2.reshape(1, H)
    fc1_br = fc1_b.reshape(1, 1024)
    fc2_br = fc2_b.reshape(1, 1)

    degp = _deg_kernel(dst3, w3, zdeg)

    dis, hs1 = pl.pallas_call(
        _mm_scale_body,
        grid=(N // BM,),
        in_specs=[pl.BlockSpec((BM, D), lambda i: (i, 0)),
                  pl.BlockSpec((D, H), lambda i: (0, 0)),
                  pl.BlockSpec((NC, BM, 16), lambda i: (0, i, 0))],
        out_specs=[pl.BlockSpec((BM, 1), lambda i: (i, 0)),
                   pl.BlockSpec((BM, H), lambda i: (i, 0))],
        out_shape=[jax.ShapeDtypeStruct((N, 1), f32),
                   jax.ShapeDtypeStruct((N, H), f32)],
    )(x, W1, degp)

    p1 = _agg_kernel(hs1[:, :DH], hs1[:, DH:], src3, dst3, w3, zrow)

    hs2 = pl.pallas_call(
        _layer2_body,
        grid=(N // BM,),
        in_specs=[pl.BlockSpec((NC, 2, BM, DH), lambda i: (0, 0, i, 0)),
                  pl.BlockSpec((BM, H), lambda i: (i, 0)),
                  pl.BlockSpec((BM, 1), lambda i: (i, 0)),
                  pl.BlockSpec((1, H), lambda i: (0, 0)),
                  pl.BlockSpec((H, H), lambda i: (0, 0))],
        out_specs=pl.BlockSpec((BM, H), lambda i: (i, 0)),
        out_shape=jax.ShapeDtypeStruct((N, H), f32),
    )(p1, hs1, dis, b1r, W2)

    p2 = _agg_kernel(hs2[:, :DH], hs2[:, DH:], src3, dst3, w3, zrow)

    out = pl.pallas_call(
        _head_body,
        grid=(N // BM,),
        in_specs=[pl.BlockSpec((NC, 2, BM, DH), lambda i: (0, 0, i, 0)),
                  pl.BlockSpec((BM, H), lambda i: (i, 0)),
                  pl.BlockSpec((BM, 1), lambda i: (i, 0)),
                  pl.BlockSpec((1, H), lambda i: (0, 0)),
                  pl.BlockSpec((BM, 1), lambda i: (i, 0)),
                  pl.BlockSpec((2 * H, 1024), lambda i: (0, 0)),
                  pl.BlockSpec((1, 1024), lambda i: (0, 0)),
                  pl.BlockSpec((1024, 1), lambda i: (0, 0)),
                  pl.BlockSpec((1, 1), lambda i: (0, 0))],
        out_specs=pl.BlockSpec((G, 1), lambda i: (0, 0)),
        out_shape=jax.ShapeDtypeStruct((G, 1), f32),
        scratch_shapes=[pltpu.VMEM((G, H), f32),
                        pltpu.VMEM((G, H), f32),
                        pltpu.VMEM((G, H), f32)],
    )(p2, hs2, dis, b2r, batch2, fc1_w, fc1_br, fc2_w, fc2_br)
    return out

# --- scband reference (transcript-rebuilt; emitter-appended) ---
"""Pipeline reference for scband-gcn-81432579932957 (READ-ONLY COPY).

The authoritative reference and input builder live on the scoring server;
editing this copy changes nothing except your own understanding.
"""

import jax, jax.numpy as jnp
import numpy as np

N = 10000
E = 320000
D = 128
H = 128
G = 16


def gcn_conv(x, edge_index, edge_weight, W, b, num_nodes):
    # PyG GCNConv: add self loops (weight 1), symmetric normalization, scatter-add aggregation
    src = edge_index[0]
    dst = edge_index[1]
    loop = jnp.arange(num_nodes, dtype=src.dtype)
    src2 = jnp.concatenate([src, loop])
    dst2 = jnp.concatenate([dst, loop])
    w2 = jnp.concatenate([edge_weight, jnp.ones((num_nodes,), dtype=x.dtype)])
    deg = jax.ops.segment_sum(w2, dst2, num_segments=num_nodes)
    deg_inv_sqrt = jnp.where(deg > 0, deg ** -0.5, 0.0)
    norm = deg_inv_sqrt[src2] * w2 * deg_inv_sqrt[dst2]
    h = x @ W
    msg = h[src2] * norm[:, None]
    out = jax.ops.segment_sum(msg, dst2, num_segments=num_nodes)
    return out + b


def setup_inputs(seed: int = 0) -> dict:
    key = jax.random.key(seed)
    ks = jax.random.split(key, 12)
    x = jax.random.normal(ks[0], (N, D), dtype=jnp.float32)
    edge_index = jax.random.randint(ks[1], (2, E), 0, N, dtype=jnp.int64)
    edge_attr = jax.random.uniform(ks[2], (E,), dtype=jnp.float32)
    batch = jnp.sort(jax.random.randint(ks[3], (N,), 0, G, dtype=jnp.int64))
    W1 = jax.random.normal(ks[4], (D, H), dtype=jnp.float32) * 0.05
    b1 = jnp.zeros((H,), dtype=jnp.float32)
    W2 = jax.random.normal(ks[5], (H, H), dtype=jnp.float32) * 0.05
    b2 = jnp.zeros((H,), dtype=jnp.float32)
    fc1_w = jax.random.normal(ks[6], (2 * H, 1024), dtype=jnp.float32) * 0.05
    fc1_b = jnp.zeros((1024,), dtype=jnp.float32)
    fc2_w = jax.random.normal(ks[7], (1024, 1), dtype=jnp.float32) * 0.05
    fc2_b = jnp.zeros((1,), dtype=jnp.float32)
    return {"x": x, "edge_index": edge_index, "edge_attr": edge_attr, "batch": batch,
            "W1": W1, "b1": b1, "W2": W2, "b2": b2,
            "fc1_w": fc1_w, "fc1_b": fc1_b, "fc2_w": fc2_w, "fc2_b": fc2_b}


def reference(x, edge_index, edge_attr, batch, W1, b1, W2, b2, fc1_w, fc1_b, fc2_w, fc2_b):
    h = jax.nn.relu(gcn_conv(x, edge_index, edge_attr, W1, b1, N))
    h = jax.nn.relu(gcn_conv(h, edge_index, edge_attr, W2, b2, N))
    counts = jax.ops.segment_sum(jnp.ones((N,), dtype=h.dtype), batch, num_segments=G)
    mean_pool = jax.ops.segment_sum(h, batch, num_segments=G) / jnp.maximum(counts, 1.0)[:, None]
    max_pool = jax.ops.segment_max(h, batch, num_segments=G)
    g = jnp.concatenate([mean_pool, max_pool], axis=1)
    g = jax.nn.relu(g @ fc1_w + fc1_b)
    out = g @ fc2_w + fc2_b
    return out

if __name__ == "__main__":
    import jax
    _d = setup_inputs()
    print(jax.jit(kernel)(*tuple(_d.values())))

</pallas_src>

<mosaic_0001>
#map = affine_map<(d0, d1) -> (0, 0, 0)>
#map1 = affine_map<(d0, d1) -> (0, 0)>
module attributes {stable_mosaic.version = 14 : i64} {
  func.func @_deg_kernel(%arg0: i32, %arg1: i32, %arg2: memref<32x80x128xi32, #tpu.memory_space<hbm>>, %arg3: memref<32x80x128xf32, #tpu.memory_space<hbm>>, %arg4: memref<640x16xf32, #tpu.memory_space<hbm>>, %arg5: memref<2x10240x16xf32, #tpu.memory_space<hbm>>, %arg6: memref<80x128xi32, #tpu.memory_space<vmem>>, %arg7: memref<80x128xf32, #tpu.memory_space<vmem>>, %arg8: memref<128x16xf32, #tpu.memory_space<vmem>>, %arg9: memref<10240x16xf32, #tpu.memory_space<vmem_shared>>) attributes {dimension_semantics = [#tpu.dimension_semantics<core_parallel>, #tpu.dimension_semantics<subcore_parallel>], iteration_bounds = array<i64: 2, 16>, scalar_prefetch = 0 : i64, scratch_operands = 4 : i64, tpu.core_type = #tpu.core_type<sc_vector_subcore>, window_params = [{transform_indices = #map}, {transform_indices = #map}, {transform_indices = #map1}, {transform_indices = #map}]} {
    %mul3A = arith.constant 16 : i32
    %mul3A_0 = arith.muli %arg0, %mul3A : i32
    %add3A = arith.addi %mul3A_0, %arg1 : i32
    %mul3A_1 = arith.constant 640 : i32
    %mul3A_2 = arith.muli %arg1, %mul3A_1 : i32
    "tpu.region"() ({
      %run_scoped3A = tpu.sem_alloc : memref<!tpu.dma_semaphore, #tpu.memory_space<semaphore_mem>>
      %dma_start3A = arith.constant 0 : i32
      %dma_start3A_12 = tpu.memref_slice %arg9[%mul3A_2, %dma_start3A] : memref<10240x16xf32, #tpu.memory_space<vmem_shared>> -> memref<640x16xf32, #tpu.memory_space<vmem_shared>>
      tpu.enqueue_dma source(%arg4 : memref<640x16xf32, #tpu.memory_space<hbm>>) target(%dma_start3A_12 : memref<640x16xf32, #tpu.memory_space<vmem_shared>>) target_semaphore(%run_scoped3A : memref<!tpu.dma_semaphore, #tpu.memory_space<semaphore_mem>>)
      %dma_wait3A = arith.constant 0 : i32
      %dma_wait3A_13 = tpu.memref_slice %arg9[%mul3A_2, %dma_wait3A] : memref<10240x16xf32, #tpu.memory_space<vmem_shared>> -> memref<640x16xf32, #tpu.memory_space<vmem_shared>>
      tpu.wait_dma2 semaphore(%run_scoped3A : memref<!tpu.dma_semaphore, #tpu.memory_space<semaphore_mem>>) src(%arg4 : memref<640x16xf32, #tpu.memory_space<hbm>>) dst(%dma_wait3A_13 : memref<640x16xf32, #tpu.memory_space<vmem_shared>>)
      tpu.yield
    }) : () -> ()
    "tpu.region"() ({
      %run_scoped3A = tpu.sem_alloc : memref<!tpu.dma_semaphore, #tpu.memory_space<semaphore_mem>>
      %dma_start3A = arith.constant 0 : i32
      %dma_start3A_12 = arith.constant 0 : i32
      %dma_start3A_13 = tpu.memref_slice %arg2[%add3A, %dma_start3A, %dma_start3A_12] : memref<32x80x128xi32, #tpu.memory_space<hbm>> -> memref<1x80x128xi32, #tpu.memory_space<hbm>>
      %dma_start3A_14 = tpu.memref_squeeze %dma_start3A_13 : memref<1x80x128xi32, #tpu.memory_space<hbm>> -> memref<80x128xi32, #tpu.memory_space<hbm>>
      %dma_start3A_15 = arith.constant 0 : i32
      %dma_start3A_16 = arith.constant 0 : i32
      %dma_start3A_17 = tpu.memref_slice %arg2[%add3A, %dma_start3A_15, %dma_start3A_16] : memref<32x80x128xi32, #tpu.memory_space<hbm>> -> memref<1x80x128xi32, #tpu.memory_space<hbm>>
      %dma_start3A_18 = tpu.memref_squeeze %dma_start3A_17 : memref<1x80x128xi32, #tpu.memory_space<hbm>> -> memref<80x128xi32, #tpu.memory_space<hbm>>
      tpu.enqueue_dma source(%dma_start3A_18 : memref<80x128xi32, #tpu.memory_space<hbm>>) target(%arg6 : memref<80x128xi32, #tpu.memory_space<vmem>>) target_semaphore(%run_scoped3A : memref<!tpu.dma_semaphore, #tpu.memory_space<semaphore_mem>>)
      %dma_wait3A = arith.constant 0 : i32
      %dma_wait3A_19 = arith.constant 0 : i32
      %dma_wait3A_20 = tpu.memref_slice %arg2[%add3A, %dma_wait3A, %dma_wait3A_19] : memref<32x80x128xi32, #tpu.memory_space<hbm>> -> memref<1x80x128xi32, #tpu.memory_space<hbm>>
      %dma_wait3A_21 = tpu.memref_squeeze %dma_wait3A_20 : memref<1x80x128xi32, #tpu.memory_space<hbm>> -> memref<80x128xi32, #tpu.memory_space<hbm>>
      %dma_wait3A_22 = arith.constant 0 : i32
      %dma_wait3A_23 = arith.constant 0 : i32
      %dma_wait3A_24 = tpu.memref_slice %arg2[%add3A, %dma_wait3A_22, %dma_wait3A_23] : memref<32x80x128xi32, #tpu.memory_space<hbm>> -> memref<1x80x128xi32, #tpu.memory_space<hbm>>
      %dma_wait3A_25 = tpu.memref_squeeze %dma_wait3A_24 : memref<1x80x128xi32, #tpu.memory_space<hbm>> -> memref<80x128xi32, #tpu.memory_space<hbm>>
      tpu.wait_dma2 semaphore(%run_scoped3A : memref<!tpu.dma_semaphore, #tpu.memory_space<semaphore_mem>>) src(%dma_wait3A_25 : memref<80x128xi32, #tpu.memory_space<hbm>>) dst(%arg6 : memref<80x128xi32, #tpu.memory_space<vmem>>)
      tpu.yield
    }) : () -> ()
    "tpu.region"() ({
      %run_scoped3A = tpu.sem_alloc : memref<!tpu.dma_semaphore, #tpu.memory_space<semaphore_mem>>
      %dma_start3A = arith.constant 0 : i32
      %dma_start3A_12 = arith.constant 0 : i32
      %dma_start3A_13 = tpu.memref_slice %arg3[%add3A, %dma_start3A, %dma_start3A_12] : memref<32x80x128xf32, #tpu.memory_space<hbm>> -> memref<1x80x128xf32, #tpu.memory_space<hbm>>
      %dma_start3A_14 = tpu.memref_squeeze %dma_start3A_13 : memref<1x80x128xf32, #tpu.memory_space<hbm>> -> memref<80x128xf32, #tpu.memory_space<hbm>>
      %dma_start3A_15 = arith.constant 0 : i32
      %dma_start3A_16 = arith.constant 0 : i32
      %dma_start3A_17 = tpu.memref_slice %arg3[%add3A, %dma_start3A_15, %dma_start3A_16] : memref<32x80x128xf32, #tpu.memory_space<hbm>> -> memref<1x80x128xf32, #tpu.memory_space<hbm>>
      %dma_start3A_18 = tpu.memref_squeeze %dma_start3A_17 : memref<1x80x128xf32, #tpu.memory_space<hbm>> -> memref<80x128xf32, #tpu.memory_space<hbm>>
      tpu.enqueue_dma source(%dma_start3A_18 : memref<80x128xf32, #tpu.memory_space<hbm>>) target(%arg7 : memref<80x128xf32, #tpu.memory_space<vmem>>) target_semaphore(%run_scoped3A : memref<!tpu.dma_semaphore, #tpu.memory_space<semaphore_mem>>)
      %dma_wait3A = arith.constant 0 : i32
      %dma_wait3A_19 = arith.constant 0 : i32
      %dma_wait3A_20 = tpu.memref_slice %arg3[%add3A, %dma_wait3A, %dma_wait3A_19] : memref<32x80x128xf32, #tpu.memory_space<hbm>> -> memref<1x80x128xf32, #tpu.memory_space<hbm>>
      %dma_wait3A_21 = tpu.memref_squeeze %dma_wait3A_20 : memref<1x80x128xf32, #tpu.memory_space<hbm>> -> memref<80x128xf32, #tpu.memory_space<hbm>>
      %dma_wait3A_22 = arith.constant 0 : i32
      %dma_wait3A_23 = arith.constant 0 : i32
      %dma_wait3A_24 = tpu.memref_slice %arg3[%add3A, %dma_wait3A_22, %dma_wait3A_23] : memref<32x80x128xf32, #tpu.memory_space<hbm>> -> memref<1x80x128xf32, #tpu.memory_space<hbm>>
      %dma_wait3A_25 = tpu.memref_squeeze %dma_wait3A_24 : memref<1x80x128xf32, #tpu.memory_space<hbm>> -> memref<80x128xf32, #tpu.memory_space<hbm>>
      tpu.wait_dma2 semaphore(%run_scoped3A : memref<!tpu.dma_semaphore, #tpu.memory_space<semaphore_mem>>) src(%dma_wait3A_25 : memref<80x128xf32, #tpu.memory_space<hbm>>) dst(%arg7 : memref<80x128xf32, #tpu.memory_space<vmem>>)
      tpu.yield
    }) : () -> ()
    %barrier3A = arith.constant 0 : index
    tpu.barrier barrier_id(%barrier3A)
    %scan3A = arith.constant 0 : i32
    %scan3A_3 = arith.constant 80 : i32
    %scan3A_4 = arith.addi %scan3A, %scan3A_3 : i32
    %scan3A_5 = arith.constant 1 : i32
    scf.for %scan3A_12 = %scan3A to %scan3A_4 step %scan3A_5  : i32 {
      %mul3A_13 = arith.constant 1 : i32
      %mul3A_14 = arith.muli %scan3A_12, %mul3A_13 : i32
      %add3A_15 = arith.constant 0 : i32
      %add3A_16 = arith.addi %add3A_15, %mul3A_14 : i32
      %scan3A_17 = arith.constant 0 : i32
      %scan3A_18 = arith.constant 128 : i32
      %scan3A_19 = arith.addi %scan3A_17, %scan3A_18 : i32
      %scan3A_20 = arith.constant 1 : i32
      scf.for %scan3A_22 = %scan3A_17 to %scan3A_19 step %scan3A_20  : i32 {
        %mul3A_23 = arith.constant 1 : i32
        %mul3A_24 = arith.muli %scan3A_22, %mul3A_23 : i32
        %add3A_25 = arith.constant 0 : i32
        %add3A_26 = arith.addi %add3A_25, %mul3A_24 : i32
        %broadcast_in_dim3A = vector.broadcast %add3A_16 : i32 to vector<16xi32>
        %broadcast_in_dim3A_27 = vector.broadcast %add3A_26 : i32 to vector<16xi32>
        %gather3A = tpu.vector_load_idx %arg7[%broadcast_in_dim3A, %broadcast_in_dim3A_27] : memref<80x128xf32, #tpu.memory_space<vmem>>[vector<16xi32>, vector<16xi32>], vector<16xf32>,
        %swap3A = arith.index_cast %add3A_26 : i32 to index
        %swap3A_28 = arith.constant 0 : index
        %swap3A_29 = tpu.vector_load %arg8[%swap3A, %swap3A_28] {strides = array<i32>} : memref<128x16xf32, #tpu.memory_space<vmem>>, vector<16xf32>,
        tpu.vector_store %arg8[%swap3A, %swap3A_28], %gather3A {strides = array<i32>} : memref<128x16xf32, #tpu.memory_space<vmem>>, vector<16xf32>,
      }
      %scan3A_21 = arith.constant 128 : i32
      "tpu.region"() ({
        %run_scoped3A = tpu.sem_alloc : memref<!tpu.dma_semaphore, #tpu.memory_space<semaphore_mem>>
        %dma_start3A = arith.constant 0 : i32
        %dma_start3A_22 = tpu.memref_slice %arg6[%add3A_16, %dma_start3A] : memref<80x128xi32, #tpu.memory_space<vmem>> -> memref<1x128xi32, #tpu.memory_space<vmem>>
        %dma_start3A_23 = tpu.memref_squeeze %dma_start3A_22 : memref<1x128xi32, #tpu.memory_space<vmem>> -> memref<128xi32, #tpu.memory_space<vmem>>
        %dma_start3A_24 = arith.constant 0 : i32
        %dma_start3A_25 = arith.constant 0 : i32
        %dma_start3A_26 = tpu.memref_slice %arg9[%dma_start3A_24, %dma_start3A_25] : memref<10240x16xf32, #tpu.memory_space<vmem_shared>> -> memref<10240x16xf32, #tpu.memory_space<vmem_shared>>
        tpu.enqueue_indirect_dma source(%arg8 : memref<128x16xf32, #tpu.memory_space<vmem>>) target(%dma_start3A_26 : memref<10240x16xf32, #tpu.memory_space<vmem_shared>>) offsets(%dma_start3A_23 : memref<128xi32, #tpu.memory_space<vmem>>) semaphore(%run_scoped3A : memref<!tpu.dma_semaphore, #tpu.memory_space<semaphore_mem>>) {add = true}
        %dma_wait3A = arith.constant 0 : i32
        %dma_wait3A_27 = tpu.memref_slice %arg6[%add3A_16, %dma_wait3A] : memref<80x128xi32, #tpu.memory_space<vmem>> -> memref<1x128xi32, #tpu.memory_space<vmem>>
        %dma_wait3A_28 = tpu.memref_squeeze %dma_wait3A_27 : memref<1x128xi32, #tpu.memory_space<vmem>> -> memref<128xi32, #tpu.memory_space<vmem>>
        %dma_wait3A_29 = arith.constant 0 : i32
        %dma_wait3A_30 = arith.constant 0 : i32
        %dma_wait3A_31 = tpu.memref_slice %arg9[%dma_wait3A_29, %dma_wait3A_30] : memref<10240x16xf32, #tpu.memory_space<vmem_shared>> -> memref<10240x16xf32, #tpu.memory_space<vmem_shared>>
        tpu.wait_indirect_dma semaphore(%run_scoped3A : memref<!tpu.dma_semaphore, #tpu.memory_space<semaphore_mem>>) src(%arg8 : memref<128x16xf32, #tpu.memory_space<vmem>>) dst(%dma_wait3A_31 : memref<10240x16xf32, #tpu.memory_space<vmem_shared>>)
        tpu.yield
      }) : () -> ()
    }
    %scan3A_6 = arith.constant 80 : i32
    %barrier3A_7 = arith.constant 0 : index
    tpu.barrier barrier_id(%barrier3A_7)
    %mul3A_8 = arith.constant 640 : i32
    %mul3A_9 = arith.muli %arg1, %mul3A_8 : i32
    %mul3A_10 = arith.constant 640 : i32
    %mul3A_11 = arith.muli %arg1, %mul3A_10 : i32
    "tpu.region"() ({
      %run_scoped3A = tpu.sem_alloc : memref<!tpu.dma_semaphore, #tpu.memory_space<semaphore_mem>>
      %dma_start3A = arith.constant 0 : i32
      %dma_start3A_12 = tpu.memref_slice %arg5[%arg0, %mul3A_11, %dma_start3A] : memref<2x10240x16xf32, #tpu.memory_space<hbm>> -> memref<1x640x16xf32, #tpu.memory_space<hbm>>
      %dma_start3A_13 = tpu.memref_squeeze %dma_start3A_12 : memref<1x640x16xf32, #tpu.memory_space<hbm>> -> memref<640x16xf32, #tpu.memory_space<hbm>>
      %dma_start3A_14 = arith.constant 0 : i32
      %dma_start3A_15 = tpu.memref_slice %arg9[%mul3A_9, %dma_start3A_14] : memref<10240x16xf32, #tpu.memory_space<vmem_shared>> -> memref<640x16xf32, #tpu.memory_space<vmem_shared>>
      tpu.enqueue_dma source(%dma_start3A_15 : memref<640x16xf32, #tpu.memory_space<vmem_shared>>) target(%dma_start3A_13 : memref<640x16xf32, #tpu.memory_space<hbm>>) target_semaphore(%run_scoped3A : memref<!tpu.dma_semaphore, #tpu.memory_space<semaphore_mem>>)
      %dma_wait3A = arith.constant 0 : i32
      %dma_wait3A_16 = tpu.memref_slice %arg5[%arg0, %mul3A_11, %dma_wait3A] : memref<2x10240x16xf32, #tpu.memory_space<hbm>> -> memref<1x640x16xf32, #tpu.memory_space<hbm>>
      %dma_wait3A_17 = tpu.memref_squeeze %dma_wait3A_16 : memref<1x640x16xf32, #tpu.memory_space<hbm>> -> memref<640x16xf32, #tpu.memory_space<hbm>>
      %dma_wait3A_18 = arith.constant 0 : i32
      %dma_wait3A_19 = tpu.memref_slice %arg9[%mul3A_9, %dma_wait3A_18] : memref<10240x16xf32, #tpu.memory_space<vmem_shared>> -> memref<640x16xf32, #tpu.memory_space<vmem_shared>>
      tpu.wait_dma2 semaphore(%run_scoped3A : memref<!tpu.dma_semaphore, #tpu.memory_space<semaphore_mem>>) src(%dma_wait3A_19 : memref<640x16xf32, #tpu.memory_space<vmem_shared>>) dst(%dma_wait3A_17 : memref<640x16xf32, #tpu.memory_space<hbm>>)
      tpu.yield
    }) : () -> ()
    return
  }
}

#map = affine_map<(d0, d1) -> (0, 0)>
#map1 = affine_map<(d0, d1) -> (0, 0, 0)>
#map2 = affine_map<(d0, d1) -> (0, 0, 0, 0)>
module attributes {stable_mosaic.version = 14 : i64} {
  func.func @_agg_kernel(%arg0: i32, %arg1: i32, %arg2: memref<10000x64xf32, #tpu.memory_space<hbm>>, %arg3: memref<10000x64xf32, #tpu.memory_space<hbm>>, %arg4: memref<32x80x128xi32, #tpu.memory_space<hbm>>, %arg5: memref<32x80x128xi32, #tpu.memory_space<hbm>>, %arg6: memref<32x80x128xf32, #tpu.memory_space<hbm>>, %arg7: memref<640x64xf32, #tpu.memory_space<hbm>>, %arg8: memref<2x2x10240x64xf32, #tpu.memory_space<hbm>>, %arg9: memref<80x128xi32, #tpu.memory_space<vmem>>, %arg10: memref<80x128xi32, #tpu.memory_space<vmem>>, %arg11: memref<80x128xf32, #tpu.memory_space<vmem>>, %arg12: memref<128x64xf32, #tpu.memory_space<vmem>>, %arg13: memref<10240x64xf32, #tpu.memory_space<vmem_shared>>) attributes {dimension_semantics = [#tpu.dimension_semantics<core_parallel>, #tpu.dimension_semantics<subcore_parallel>], iteration_bounds = array<i64: 2, 16>, scalar_prefetch = 0 : i64, scratch_operands = 5 : i64, tpu.core_type = #tpu.core_type<sc_vector_subcore>, window_params = [{transform_indices = #map}, {transform_indices = #map}, {transform_indices = #map1}, {transform_indices = #map1}, {transform_indices = #map1}, {transform_indices = #map}, {transform_indices = #map2}]} {
    %mul3A = arith.constant 16 : i32
    %mul3A_0 = arith.muli %arg0, %mul3A : i32
    %add3A = arith.addi %mul3A_0, %arg1 : i32
    "tpu.region"() ({
      %run_scoped3A_26 = tpu.sem_alloc : memref<!tpu.dma_semaphore, #tpu.memory_space<semaphore_mem>>
      %dma_start3A = arith.constant 0 : i32
      %dma_start3A_27 = arith.constant 0 : i32
      %dma_start3A_28 = tpu.memref_slice %arg4[%add3A, %dma_start3A, %dma_start3A_27] : memref<32x80x128xi32, #tpu.memory_space<hbm>> -> memref<1x80x128xi32, #tpu.memory_space<hbm>>
      %dma_start3A_29 = tpu.memref_squeeze %dma_start3A_28 : memref<1x80x128xi32, #tpu.memory_space<hbm>> -> memref<80x128xi32, #tpu.memory_space<hbm>>
      %dma_start3A_30 = arith.constant 0 : i32
      %dma_start3A_31 = arith.constant 0 : i32
      %dma_start3A_32 = tpu.memref_slice %arg4[%add3A, %dma_start3A_30, %dma_start3A_31] : memref<32x80x128xi32, #tpu.memory_space<hbm>> -> memref<1x80x128xi32, #tpu.memory_space<hbm>>
      %dma_start3A_33 = tpu.memref_squeeze %dma_start3A_32 : memref<1x80x128xi32, #tpu.memory_space<hbm>> -> memref<80x128xi32, #tpu.memory_space<hbm>>
      tpu.enqueue_dma source(%dma_start3A_33 : memref<80x128xi32, #tpu.memory_space<hbm>>) target(%arg9 : memref<80x128xi32, #tpu.memory_space<vmem>>) target_semaphore(%run_scoped3A_26 : memref<!tpu.dma_semaphore, #tpu.memory_space<semaphore_mem>>)
      %dma_wait3A = arith.constant 0 : i32
      %dma_wait3A_34 = arith.constant 0 : i32
      %dma_wait3A_35 = tpu.memref_slice %arg4[%add3A, %dma_wait3A, %dma_wait3A_34] : memref<32x80x128xi32, #tpu.memory_space<hbm>> -> memref<1x80x128xi32, #tpu.memory_space<hbm>>
      %dma_wait3A_36 = tpu.memref_squeeze %dma_wait3A_35 : memref<1x80x128xi32, #tpu.memory_space<hbm>> -> memref<80x128xi32, #tpu.memory_space<hbm>>
      %dma_wait3A_37 = arith.constant 0 : i32
      %dma_wait3A_38 = arith.constant 0 : i32
      %dma_wait3A_39 = tpu.memref_slice %arg4[%add3A, %dma_wait3A_37, %dma_wait3A_38] : memref<32x80x128xi32, #tpu.memory_space<hbm>> -> memref<1x80x128xi32, #tpu.memory_space<hbm>>
      %dma_wait3A_40 = tpu.memref_squeeze %dma_wait3A_39 : memref<1x80x128xi32, #tpu.memory_space<hbm>> -> memref<80x128xi32, #tpu.memory_space<hbm>>
      tpu.wait_dma2 semaphore(%run_scoped3A_26 : memref<!tpu.dma_semaphore, #tpu.memory_space<semaphore_mem>>) src(%dma_wait3A_40 : memref<80x128xi32, #tpu.memory_space<hbm>>) dst(%arg9 : memref<80x128xi32, #tpu.memory_space<vmem>>)
      tpu.yield
    }) : () -> ()
    "tpu.region"() ({
      %run_scoped3A_26 = tpu.sem_alloc : memref<!tpu.dma_semaphore, #tpu.memory_space<semaphore_mem>>
      %dma_start3A = arith.constant 0 : i32
      %dma_start3A_27 = arith.constant 0 : i32
      %dma_start3A_28 = tpu.memref_slice %arg5[%add3A, %dma_start3A, %dma_start3A_27] : memref<32x80x128xi32, #tpu.memory_space<hbm>> -> memref<1x80x128xi32, #tpu.memory_space<hbm>>
      %dma_start3A_29 = tpu.memref_squeeze %dma_start3A_28 : memref<1x80x128xi32, #tpu.memory_space<hbm>> -> memref<80x128xi32, #tpu.memory_space<hbm>>
      %dma_start3A_30 = arith.constant 0 : i32
      %dma_start3A_31 = arith.constant 0 : i32
      %dma_start3A_32 = tpu.memref_slice %arg5[%add3A, %dma_start3A_30, %dma_start3A_31] : memref<32x80x128xi32, #tpu.memory_space<hbm>> -> memref<1x80x128xi32, #tpu.memory_space<hbm>>
      %dma_start3A_33 = tpu.memref_squeeze %dma_start3A_32 : memref<1x80x128xi32, #tpu.memory_space<hbm>> -> memref<80x128xi32, #tpu.memory_space<hbm>>
      tpu.enqueue_dma source(%dma_start3A_33 : memref<80x128xi32, #tpu.memory_space<hbm>>) target(%arg10 : memref<80x128xi32, #tpu.memory_space<vmem>>) target_semaphore(%run_scoped3A_26 : memref<!tpu.dma_semaphore, #tpu.memory_space<semaphore_mem>>)
      %dma_wait3A = arith.constant 0 : i32
      %dma_wait3A_34 = arith.constant 0 : i32
      %dma_wait3A_35 = tpu.memref_slice %arg5[%add3A, %dma_wait3A, %dma_wait3A_34] : memref<32x80x128xi32, #tpu.memory_space<hbm>> -> memref<1x80x128xi32, #tpu.memory_space<hbm>>
      %dma_wait3A_36 = tpu.memref_squeeze %dma_wait3A_35 : memref<1x80x128xi32, #tpu.memory_space<hbm>> -> memref<80x128xi32, #tpu.memory_space<hbm>>
      %dma_wait3A_37 = arith.constant 0 : i32
      %dma_wait3A_38 = arith.constant 0 : i32
      %dma_wait3A_39 = tpu.memref_slice %arg5[%add3A, %dma_wait3A_37, %dma_wait3A_38] : memref<32x80x128xi32, #tpu.memory_space<hbm>> -> memref<1x80x128xi32, #tpu.memory_space<hbm>>
      %dma_wait3A_40 = tpu.memref_squeeze %dma_wait3A_39 : memref<1x80x128xi32, #tpu.memory_space<hbm>> -> memref<80x128xi32, #tpu.memory_space<hbm>>
      tpu.wait_dma2 semaphore(%run_scoped3A_26 : memref<!tpu.dma_semaphore, #tpu.memory_space<semaphore_mem>>) src(%dma_wait3A_40 : memref<80x128xi32, #tpu.memory_space<hbm>>) dst(%arg10 : memref<80x128xi32, #tpu.memory_space<vmem>>)
      tpu.yield
    }) : () -> ()
    "tpu.region"() ({
      %run_scoped3A_26 = tpu.sem_alloc : memref<!tpu.dma_semaphore, #tpu.memory_space<semaphore_mem>>
      %dma_start3A = arith.constant 0 : i32
      %dma_start3A_27 = arith.constant 0 : i32
      %dma_start3A_28 = tpu.memref_slice %arg6[%add3A, %dma_start3A, %dma_start3A_27] : memref<32x80x128xf32, #tpu.memory_space<hbm>> -> memref<1x80x128xf32, #tpu.memory_space<hbm>>
      %dma_start3A_29 = tpu.memref_squeeze %dma_start3A_28 : memref<1x80x128xf32, #tpu.memory_space<hbm>> -> memref<80x128xf32, #tpu.memory_space<hbm>>
      %dma_start3A_30 = arith.constant 0 : i32
      %dma_start3A_31 = arith.constant 0 : i32
      %dma_start3A_32 = tpu.memref_slice %arg6[%add3A, %dma_start3A_30, %dma_start3A_31] : memref<32x80x128xf32, #tpu.memory_space<hbm>> -> memref<1x80x128xf32, #tpu.memory_space<hbm>>
      %dma_start3A_33 = tpu.memref_squeeze %dma_start3A_32 : memref<1x80x128xf32, #tpu.memory_space<hbm>> -> memref<80x128xf32, #tpu.memory_space<hbm>>
      tpu.enqueue_dma source(%dma_start3A_33 : memref<80x128xf32, #tpu.memory_space<hbm>>) target(%arg11 : memref<80x128xf32, #tpu.memory_space<vmem>>) target_semaphore(%run_scoped3A_26 : memref<!tpu.dma_semaphore, #tpu.memory_space<semaphore_mem>>)
      %dma_wait3A = arith.constant 0 : i32
      %dma_wait3A_34 = arith.constant 0 : i32
      %dma_wait3A_35 = tpu.memref_slice %arg6[%add3A, %dma_wait3A, %dma_wait3A_34] : memref<32x80x128xf32, #tpu.memory_space<hbm>> -> memref<1x80x128xf32, #tpu.memory_space<hbm>>
      %dma_wait3A_36 = tpu.memref_squeeze %dma_wait3A_35 : memref<1x80x128xf32, #tpu.memory_space<hbm>> -> memref<80x128xf32, #tpu.memory_space<hbm>>
      %dma_wait3A_37 = arith.constant 0 : i32
      %dma_wait3A_38 = arith.constant 0 : i32
      %dma_wait3A_39 = tpu.memref_slice %arg6[%add3A, %dma_wait3A_37, %dma_wait3A_38] : memref<32x80x128xf32, #tpu.memory_space<hbm>> -> memref<1x80x128xf32, #tpu.memory_space<hbm>>
      %dma_wait3A_40 = tpu.memref_squeeze %dma_wait3A_39 : memref<1x80x128xf32, #tpu.memory_space<hbm>> -> memref<80x128xf32, #tpu.memory_space<hbm>>
      tpu.wait_dma2 semaphore(%run_scoped3A_26 : memref<!tpu.dma_semaphore, #tpu.memory_space<semaphore_mem>>) src(%dma_wait3A_40 : memref<80x128xf32, #tpu.memory_space<hbm>>) dst(%arg11 : memref<80x128xf32, #tpu.memory_space<vmem>>)
      tpu.yield
    }) : () -> ()
    %mul3A_1 = arith.constant 640 : i32
    %mul3A_2 = arith.muli %arg1, %mul3A_1 : i32
    "tpu.region"() ({
      %run_scoped3A_26 = tpu.sem_alloc : memref<!tpu.dma_semaphore, #tpu.memory_space<semaphore_mem>>
      %dma_start3A = arith.constant 0 : i32
      %dma_start3A_27 = tpu.memref_slice %arg13[%mul3A_2, %dma_start3A] : memref<10240x64xf32, #tpu.memory_space<vmem_shared>> -> memref<640x64xf32, #tpu.memory_space<vmem_shared>>
      tpu.enqueue_dma source(%arg7 : memref<640x64xf32, #tpu.memory_space<hbm>>) target(%dma_start3A_27 : memref<640x64xf32, #tpu.memory_space<vmem_shared>>) target_semaphore(%run_scoped3A_26 : memref<!tpu.dma_semaphore, #tpu.memory_space<semaphore_mem>>)
      %dma_wait3A = arith.constant 0 : i32
      %dma_wait3A_28 = tpu.memref_slice %arg13[%mul3A_2, %dma_wait3A] : memref<10240x64xf32, #tpu.memory_space<vmem_shared>> -> memref<640x64xf32, #tpu.memory_space<vmem_shared>>
      tpu.wait_dma2 semaphore(%run_scoped3A_26 : memref<!tpu.dma_semaphore, #tpu.memory_space<semaphore_mem>>) src(%arg7 : memref<640x64xf32, #tpu.memory_space<hbm>>) dst(%dma_wait3A_28 : memref<640x64xf32, #tpu.memory_space<vmem_shared>>)
      tpu.yield
    }) : () -> ()
    %barrier3A = arith.constant 0 : index
    tpu.barrier barrier_id(%barrier3A)
    %scan3A = arith.constant 0 : i32
    %scan3A_3 = arith.constant 80 : i32
    %scan3A_4 = arith.addi %scan3A, %scan3A_3 : i32
    %scan3A_5 = arith.constant 1 : i32
    scf.for %scan3A_26 = %scan3A to %scan3A_4 step %scan3A_5  : i32 {
      %mul3A_27 = arith.constant 1 : i32
      %mul3A_28 = arith.muli %scan3A_26, %mul3A_27 : i32
      %add3A_29 = arith.constant 0 : i32
      %add3A_30 = arith.addi %add3A_29, %mul3A_28 : i32
      "tpu.region"() ({
        %run_scoped3A_36 = tpu.sem_alloc : memref<!tpu.dma_semaphore, #tpu.memory_space<semaphore_mem>>
        %dma_start3A = arith.constant 0 : i32
        %dma_start3A_37 = tpu.memref_slice %arg9[%add3A_30, %dma_start3A] : memref<80x128xi32, #tpu.memory_space<vmem>> -> memref<1x128xi32, #tpu.memory_space<vmem>>
        %dma_start3A_38 = tpu.memref_squeeze %dma_start3A_37 : memref<1x128xi32, #tpu.memory_space<vmem>> -> memref<128xi32, #tpu.memory_space<vmem>>
        %dma_start3A_39 = arith.constant 0 : i32
        %dma_start3A_40 = arith.constant 0 : i32
        %dma_start3A_41 = tpu.memref_slice %arg2[%dma_start3A_39, %dma_start3A_40] : memref<10000x64xf32, #tpu.memory_space<hbm>> -> memref<10000x64xf32, #tpu.memory_space<hbm>>
        tpu.enqueue_indirect_dma source(%dma_start3A_41 : memref<10000x64xf32, #tpu.memory_space<hbm>>) target(%arg12 : memref<128x64xf32, #tpu.memory_space<vmem>>) offsets(%dma_start3A_38 : memref<128xi32, #tpu.memory_space<vmem>>) semaphore(%run_scoped3A_36 : memref<!tpu.dma_semaphore, #tpu.memory_space<semaphore_mem>>)
        %dma_wait3A = arith.constant 0 : i32
        %dma_wait3A_42 = tpu.memref_slice %arg9[%add3A_30, %dma_wait3A] : memref<80x128xi32, #tpu.memory_space<vmem>> -> memref<1x128xi32, #tpu.memory_space<vmem>>
        %dma_wait3A_43 = tpu.memref_squeeze %dma_wait3A_42 : memref<1x128xi32, #tpu.memory_space<vmem>> -> memref<128xi32, #tpu.memory_space<vmem>>
        %dma_wait3A_44 = arith.constant 0 : i32
        %dma_wait3A_45 = arith.constant 0 : i32
        %dma_wait3A_46 = tpu.memref_slice %arg2[%dma_wait3A_44, %dma_wait3A_45] : memref<10000x64xf32, #tpu.memory_space<hbm>> -> memref<10000x64xf32, #tpu.memory_space<hbm>>
        tpu.wait_indirect_dma semaphore(%run_scoped3A_36 : memref<!tpu.dma_semaphore, #tpu.memory_space<semaphore_mem>>) src(%dma_wait3A_46 : memref<10000x64xf32, #tpu.memory_space<hbm>>) dst(%arg12 : memref<128x64xf32, #tpu.memory_space<vmem>>)
        tpu.yield
      }) : () -> ()
      %broadcast_in_dim3A = vector.broadcast %add3A_30 : i32 to vector<16xi32>
      %scan3A_31 = arith.constant 0 : i32
      %scan3A_32 = arith.constant 32 : i32
      %scan3A_33 = arith.addi %scan3A_31, %scan3A_32 : i32
      %scan3A_34 = arith.constant 1 : i32
      scf.for %scan3A_36 = %scan3A_31 to %scan3A_33 step %scan3A_34  : i32 {
        %mul3A_37 = arith.constant 4 : i32
        %mul3A_38 = arith.muli %scan3A_36, %mul3A_37 : i32
        %add3A_39 = arith.constant 0 : i32
        %add3A_40 = arith.addi %add3A_39, %mul3A_38 : i32
        %add3A_41 = arith.constant 0 : i32
        %add3A_42 = arith.addi %add3A_40, %add3A_41 : i32
        %broadcast_in_dim3A_43 = vector.broadcast %add3A_42 : i32 to vector<16xi32>
        %gather3A = tpu.vector_load_idx %arg11[%broadcast_in_dim3A, %broadcast_in_dim3A_43] : memref<80x128xf32, #tpu.memory_space<vmem>>[vector<16xi32>, vector<16xi32>], vector<16xf32>,
        %add3A_44 = arith.constant 0 : i32
        %add3A_45 = arith.addi %add3A_40, %add3A_44 : i32
        %get3A = arith.index_cast %add3A_45 : i32 to index
        %get3A_46 = arith.constant 0 : index
        %get3A_47 = tpu.vector_load %arg12[%get3A, %get3A_46] {strides = array<i32>} : memref<128x64xf32, #tpu.memory_space<vmem>>, vector<16xf32>,
        %mul3A_48 = arith.mulf %get3A_47, %gather3A : vector<16xf32>
        %swap3A = arith.index_cast %add3A_45 : i32 to index
        %swap3A_49 = arith.constant 0 : index
        %swap3A_50 = tpu.vector_load %arg12[%swap3A, %swap3A_49] {strides = array<i32>} : memref<128x64xf32, #tpu.memory_space<vmem>>, vector<16xf32>,
        tpu.vector_store %arg12[%swap3A, %swap3A_49], %mul3A_48 {strides = array<i32>} : memref<128x64xf32, #tpu.memory_space<vmem>>, vector<16xf32>,
        %add3A_51 = arith.constant 0 : i32
        %add3A_52 = arith.addi %add3A_40, %add3A_51 : i32
        %get3A_53 = arith.index_cast %add3A_52 : i32 to index
        %get3A_54 = arith.constant 16 : index
        %get3A_55 = tpu.vector_load %arg12[%get3A_53, %get3A_54] {strides = array<i32>} : memref<128x64xf32, #tpu.memory_space<vmem>>, vector<16xf32>,
        %mul3A_56 = arith.mulf %get3A_55, %gather3A : vector<16xf32>
        %swap3A_57 = arith.index_cast %add3A_52 : i32 to index
        %swap3A_58 = arith.constant 16 : index
        %swap3A_59 = tpu.vector_load %arg12[%swap3A_57, %swap3A_58] {strides = array<i32>} : memref<128x64xf32, #tpu.memory_space<vmem>>, vector<16xf32>,
        tpu.vector_store %arg12[%swap3A_57, %swap3A_58], %mul3A_56 {strides = array<i32>} : memref<128x64xf32, #tpu.memory_space<vmem>>, vector<16xf32>,
        %add3A_60 = arith.constant 0 : i32
        %add3A_61 = arith.addi %add3A_40, %add3A_60 : i32
        %get3A_62 = arith.index_cast %add3A_61 : i32 to index
        %get3A_63 = arith.constant 32 : index
        %get3A_64 = tpu.vector_load %arg12[%get3A_62, %get3A_63] {strides = array<i32>} : memref<128x64xf32, #tpu.memory_space<vmem>>, vector<16xf32>,
        %mul3A_65 = arith.mulf %get3A_64, %gather3A : vector<16xf32>
        %swap3A_66 = arith.index_cast %add3A_61 : i32 to index
        %swap3A_67 = arith.constant 32 : index
        %swap3A_68 = tpu.vector_load %arg12[%swap3A_66, %swap3A_67] {strides = array<i32>} : memref<128x64xf32, #tpu.memory_space<vmem>>, vector<16xf32>,
        tpu.vector_store %arg12[%swap3A_66, %swap3A_67], %mul3A_65 {strides = array<i32>} : memref<128x64xf32, #tpu.memory_space<vmem>>, vector<16xf32>,
        %add3A_69 = arith.constant 0 : i32
        %add3A_70 = arith.addi %add3A_40, %add3A_69 : i32
        %get3A_71 = arith.index_cast %add3A_70 : i32 to index
        %get3A_72 = arith.constant 48 : index
        %get3A_73 = tpu.vector_load %arg12[%get3A_71, %get3A_72] {strides = array<i32>} : memref<128x64xf32, #tpu.memory_space<vmem>>, vector<16xf32>,
        %mul3A_74 = arith.mulf %get3A_73, %gather3A : vector<16xf32>
        %swap3A_75 = arith.index_cast %add3A_70 : i32 to index
        %swap3A_76 = arith.constant 48 : index
        %swap3A_77 = tpu.vector_load %arg12[%swap3A_75, %swap3A_76] {strides = array<i32>} : memref<128x64xf32, #tpu.memory_space<vmem>>, vector<16xf32>,
        tpu.vector_store %arg12[%swap3A_75, %swap3A_76], %mul3A_74 {strides = array<i32>} : memref<128x64xf32, #tpu.memory_space<vmem>>, vector<16xf32>,
        %add3A_78 = arith.constant 1 : i32
        %add3A_79 = arith.addi %add3A_40, %add3A_78 : i32
        %broadcast_in_dim3A_80 = vector.broadcast %add3A_79 : i32 to vector<16xi32>
        %gather3A_81 = tpu.vector_load_idx %arg11[%broadcast_in_dim3A, %broadcast_in_dim3A_80] : memref<80x128xf32, #tpu.memory_space<vmem>>[vector<16xi32>, vector<16xi32>], vector<16xf32>,
        %add3A_82 = arith.constant 1 : i32
        %add3A_83 = arith.addi %add3A_40, %add3A_82 : i32
        %get3A_84 = arith.index_cast %add3A_83 : i32 to index
        %get3A_85 = arith.constant 0 : index
        %get3A_86 = tpu.vector_load %arg12[%get3A_84, %get3A_85] {strides = array<i32>} : memref<128x64xf32, #tpu.memory_space<vmem>>, vector<16xf32>,
        %mul3A_87 = arith.mulf %get3A_86, %gather3A_81 : vector<16xf32>
        %swap3A_88 = arith.index_cast %add3A_83 : i32 to index
        %swap3A_89 = arith.constant 0 : index
        %swap3A_90 = tpu.vector_load %arg12[%swap3A_88, %swap3A_89] {strides = array<i32>} : memref<128x64xf32, #tpu.memory_space<vmem>>, vector<16xf32>,
        tpu.vector_store %arg12[%swap3A_88, %swap3A_89], %mul3A_87 {strides = array<i32>} : memref<128x64xf32, #tpu.memory_space<vmem>>, vector<16xf32>,
        %add3A_91 = arith.constant 1 : i32
        %add3A_92 = arith.addi %add3A_40, %add3A_91 : i32
        %get3A_93 = arith.index_cast %add3A_92 : i32 to index
        %get3A_94 = arith.constant 16 : index
        %get3A_95 = tpu.vector_load %arg12[%get3A_93, %get3A_94] {strides = array<i32>} : memref<128x64xf32, #tpu.memory_space<vmem>>, vector<16xf32>,
        %mul3A_96 = arith.mulf %get3A_95, %gather3A_81 : vector<16xf32>
        %swap3A_97 = arith.index_cast %add3A_92 : i32 to index
        %swap3A_98 = arith.constant 16 : index
        %swap3A_99 = tpu.vector_load %arg12[%swap3A_97, %swap3A_98] {strides = array<i32>} : memref<128x64xf32, #tpu.memory_space<vmem>>, vector<16xf32>,
        tpu.vector_store %arg12[%swap3A_97, %swap3A_98], %mul3A_96 {strides = array<i32>} : memref<128x64xf32, #tpu.memory_space<vmem>>, vector<16xf32>,
        %add3A_100 = arith.constant 1 : i32
        %add3A_101 = arith.addi %add3A_40, %add3A_100 : i32
        %get3A_102 = arith.index_cast %add3A_101 : i32 to index
        %get3A_103 = arith.constant 32 : index
        %get3A_104 = tpu.vector_load %arg12[%get3A_102, %get3A_103] {strides = array<i32>} : memref<128x64xf32, #tpu.memory_space<vmem>>, vector<16xf32>,
        %mul3A_105 = arith.mulf %get3A_104, %gather3A_81 : vector<16xf32>
        %swap3A_106 = arith.index_cast %add3A_101 : i32 to index
        %swap3A_107 = arith.constant 32 : index
        %swap3A_108 = tpu.vector_load %arg12[%swap3A_106, %swap3A_107] {strides = array<i32>} : memref<128x64xf32, #tpu.memory_space<vmem>>, vector<16xf32>,
        tpu.vector_store %arg12[%swap3A_106, %swap3A_107], %mul3A_105 {strides = array<i32>} : memref<128x64xf32, #tpu.memory_space<vmem>>, vector<16xf32>,
        %add3A_109 = arith.constant 1 : i32
        %add3A_110 = arith.addi %add3A_40, %add3A_109 : i32
        %get3A_111 = arith.index_cast %add3A_110 : i32 to index
        %get3A_112 = arith.constant 48 : index
        %get3A_113 = tpu.vector_load %arg12[%get3A_111, %get3A_112] {strides = array<i32>} : memref<128x64xf32, #tpu.memory_space<vmem>>, vector<16xf32>,
        %mul3A_114 = arith.mulf %get3A_113, %gather3A_81 : vector<16xf32>
        %swap3A_115 = arith.index_cast %add3A_110 : i32 to index
        %swap3A_116 = arith.constant 48 : index
        %swap3A_117 = tpu.vector_load %arg12[%swap3A_115, %swap3A_116] {strides = array<i32>} : memref<128x64xf32, #tpu.memory_space<vmem>>, vector<16xf32>,
        tpu.vector_store %arg12[%swap3A_115, %swap3A_116], %mul3A_114 {strides = array<i32>} : memref<128x64xf32, #tpu.memory_space<vmem>>, vector<16xf32>,
        %add3A_118 = arith.constant 2 : i32
        %add3A_119 = arith.addi %add3A_40, %add3A_118 : i32
        %broadcast_in_dim3A_120 = vector.broadcast %add3A_119 : i32 to vector<16xi32>
        %gather3A_121 = tpu.vector_load_idx %arg11[%broadcast_in_dim3A, %broadcast_in_dim3A_120] : memref<80x128xf32, #tpu.memory_space<vmem>>[vector<16xi32>, vector<16xi32>], vector<16xf32>,
        %add3A_122 = arith.constant 2 : i32
        %add3A_123 = arith.addi %add3A_40, %add3A_122 : i32
        %get3A_124 = arith.index_cast %add3A_123 : i32 to index
        %get3A_125 = arith.constant 0 : index
        %get3A_126 = tpu.vector_load %arg12[%get3A_124, %get3A_125] {strides = array<i32>} : memref<128x64xf32, #tpu.memory_space<vmem>>, vector<16xf32>,
        %mul3A_127 = arith.mulf %get3A_126, %gather3A_121 : vector<16xf32>
        %swap3A_128 = arith.index_cast %add3A_123 : i32 to index
        %swap3A_129 = arith.constant 0 : index
        %swap3A_130 = tpu.vector_load %arg12[%swap3A_128, %swap3A_129] {strides = array<i32>} : memref<128x64xf32, #tpu.memory_space<vmem>>, vector<16xf32>,
        tpu.vector_store %arg12[%swap3A_128, %swap3A_129], %mul3A_127 {strides = array<i32>} : memref<128x64xf32, #tpu.memory_space<vmem>>, vector<16xf32>,
        %add3A_131 = arith.constant 2 : i32
        %add3A_132 = arith.addi %add3A_40, %add3A_131 : i32
        %get3A_133 = arith.index_cast %add3A_132 : i32 to index
        %get3A_134 = arith.constant 16 : index
        %get3A_135 = tpu.vector_load %arg12[%get3A_133, %get3A_134] {strides = array<i32>} : memref<128x64xf32, #tpu.memory_space<vmem>>, vector<16xf32>,
        %mul3A_136 = arith.mulf %get3A_135, %gather3A_121 : vector<16xf32>
        %swap3A_137 = arith.index_cast %add3A_132 : i32 to index
        %swap3A_138 = arith.constant 16 : index
        %swap3A_139 = tpu.vector_load %arg12[%swap3A_137, %swap3A_138] {strides = array<i32>} : memref<128x64xf32, #tpu.memory_space<vmem>>, vector<16xf32>,
        tpu.vector_store %arg12[%swap3A_137, %swap3A_138], %mul3A_136 {strides = array<i32>} : memref<128x64xf32, #tpu.memory_space<vmem>>, vector<16xf32>,
        %add3A_140 = arith.constant 2 : i32
        %add3A_141 = arith.addi %add3A_40, %add3A_140 : i32
        %get3A_142 = arith.index_cast %add3A_141 : i32 to index
        %get3A_143 = arith.constant 32 : index
        %get3A_144 = tpu.vector_load %arg12[%get3A_142, %get3A_143] {strides = array<i32>} : memref<128x64xf32, #tpu.memory_space<vmem>>, vector<16xf32>,
        %mul3A_145 = arith.mulf %get3A_144, %gather3A_121 : vector<16xf32>
        %swap3A_146 = arith.index_cast %add3A_141 : i32 to index
        %swap3A_147 = arith.constant 32 : index
        %swap3A_148 = tpu.vector_load %arg12[%swap3A_146, %swap3A_147] {strides = array<i32>} : memref<128x64xf32, #tpu.memory_space<vmem>>, vector<16xf32>,
        tpu.vector_store %arg12[%swap3A_146, %swap3A_147], %mul3A_145 {strides = array<i32>} : memref<128x64xf32, #tpu.memory_space<vmem>>, vector<16xf32>,
        %add3A_149 = arith.constant 2 : i32
        %add3A_150 = arith.addi %add3A_40, %add3A_149 : i32
        %get3A_151 = arith.index_cast %add3A_150 : i32 to index
        %get3A_152 = arith.constant 48 : index
        %get3A_153 = tpu.vector_load %arg12[%get3A_151, %get3A_152] {strides = array<i32>} : memref<128x64xf32, #tpu.memory_space<vmem>>, vector<16xf32>,
        %mul3A_154 = arith.mulf %get3A_153, %gather3A_121 : vector<16xf32>
        %swap3A_155 = arith.index_cast %add3A_150 : i32 to index
        %swap3A_156 = arith.constant 48 : index
        %swap3A_157 = tpu.vector_load %arg12[%swap3A_155, %swap3A_156] {strides = array<i32>} : memref<128x64xf32, #tpu.memory_space<vmem>>, vector<16xf32>,
        tpu.vector_store %arg12[%swap3A_155, %swap3A_156], %mul3A_154 {strides = array<i32>} : memref<128x64xf32, #tpu.memory_space<vmem>>, vector<16xf32>,
        %add3A_158 = arith.constant 3 : i32
        %add3A_159 = arith.addi %add3A_40, %add3A_158 : i32
        %broadcast_in_dim3A_160 = vector.broadcast %add3A_159 : i32 to vector<16xi32>
        %gather3A_161 = tpu.vector_load_idx %arg11[%broadcast_in_dim3A, %broadcast_in_dim3A_160] : memref<80x128xf32, #tpu.memory_space<vmem>>[vector<16xi32>, vector<16xi32>], vector<16xf32>,
        %add3A_162 = arith.constant 3 : i32
        %add3A_163 = arith.addi %add3A_40, %add3A_162 : i32
        %get3A_164 = arith.index_cast %add3A_163 : i32 to index
        %get3A_165 = arith.constant 0 : index
        %get3A_166 = tpu.vector_load %arg12[%get3A_164, %get3A_165] {strides = array<i32>} : memref<128x64xf32, #tpu.memory_space<vmem>>, vector<16xf32>,
        %mul3A_167 = arith.mulf %get3A_166, %gather3A_161 : vector<16xf32>
        %swap3A_168 = arith.index_cast %add3A_163 : i32 to index
        %swap3A_169 = arith.constant 0 : index
        %swap3A_170 = tpu.vector_load %arg12[%swap3A_168, %swap3A_169] {strides = array<i32>} : memref<128x64xf32, #tpu.memory_space<vmem>>, vector<16xf32>,
        tpu.vector_store %arg12[%swap3A_168, %swap3A_169], %mul3A_167 {strides = array<i32>} : memref<128x64xf32, #tpu.memory_space<vmem>>, vector<16xf32>,
        %add3A_171 = arith.constant 3 : i32
        %add3A_172 = arith.addi %add3A_40, %add3A_171 : i32
        %get3A_173 = arith.index_cast %add3A_172 : i32 to index
        %get3A_174 = arith.constant 16 : index
        %get3A_175 = tpu.vector_load %arg12[%get3A_173, %get3A_174] {strides = array<i32>} : memref<128x64xf32, #tpu.memory_space<vmem>>, vector<16xf32>,
        %mul3A_176 = arith.mulf %get3A_175, %gather3A_161 : vector<16xf32>
        %swap3A_177 = arith.index_cast %add3A_172 : i32 to index
        %swap3A_178 = arith.constant 16 : index
        %swap3A_179 = tpu.vector_load %arg12[%swap3A_177, %swap3A_178] {strides = array<i32>} : memref<128x64xf32, #tpu.memory_space<vmem>>, vector<16xf32>,
        tpu.vector_store %arg12[%swap3A_177, %swap3A_178], %mul3A_176 {strides = array<i32>} : memref<128x64xf32, #tpu.memory_space<vmem>>, vector<16xf32>,
        %add3A_180 = arith.constant 3 : i32
        %add3A_181 = arith.addi %add3A_40, %add3A_180 : i32
        %get3A_182 = arith.index_cast %add3A_181 : i32 to index
        %get3A_183 = arith.constant 32 : index
        %get3A_184 = tpu.vector_load %arg12[%get3A_182, %get3A_183] {strides = array<i32>} : memref<128x64xf32, #tpu.memory_space<vmem>>, vector<16xf32>,
        %mul3A_185 = arith.mulf %get3A_184, %gather3A_161 : vector<16xf32>
        %swap3A_186 = arith.index_cast %add3A_181 : i32 to index
        %swap3A_187 = arith.constant 32 : index
        %swap3A_188 = tpu.vector_load %arg12[%swap3A_186, %swap3A_187] {strides = array<i32>} : memref<128x64xf32, #tpu.memory_space<vmem>>, vector<16xf32>,
        tpu.vector_store %arg12[%swap3A_186, %swap3A_187], %mul3A_185 {strides = array<i32>} : memref<128x64xf32, #tpu.memory_space<vmem>>, vector<16xf32>,
        %add3A_189 = arith.constant 3 : i32
        %add3A_190 = arith.addi %add3A_40, %add3A_189 : i32
        %get3A_191 = arith.index_cast %add3A_190 : i32 to index
        %get3A_192 = arith.constant 48 : index
        %get3A_193 = tpu.vector_load %arg12[%get3A_191, %get3A_192] {strides = array<i32>} : memref<128x64xf32, #tpu.memory_space<vmem>>, vector<16xf32>,
        %mul3A_194 = arith.mulf %get3A_193, %gather3A_161 : vector<16xf32>
        %swap3A_195 = arith.index_cast %add3A_190 : i32 to index
        %swap3A_196 = arith.constant 48 : index
        %swap3A_197 = tpu.vector_load %arg12[%swap3A_195, %swap3A_196] {strides = array<i32>} : memref<128x64xf32, #tpu.memory_space<vmem>>, vector<16xf32>,
        tpu.vector_store %arg12[%swap3A_195, %swap3A_196], %mul3A_194 {strides = array<i32>} : memref<128x64xf32, #tpu.memory_space<vmem>>, vector<16xf32>,
      }
      %scan3A_35 = arith.constant 32 : i32
      "tpu.region"() ({
        %run_scoped3A_36 = tpu.sem_alloc : memref<!tpu.dma_semaphore, #tpu.memory_space<semaphore_mem>>
        %dma_start3A = arith.constant 0 : i32
        %dma_start3A_37 = tpu.memref_slice %arg10[%add3A_30, %dma_start3A] : memref<80x128xi32, #tpu.memory_space<vmem>> -> memref<1x128xi32, #tpu.memory_space<vmem>>
        %dma_start3A_38 = tpu.memref_squeeze %dma_start3A_37 : memref<1x128xi32, #tpu.memory_space<vmem>> -> memref<128xi32, #tpu.memory_space<vmem>>
        %dma_start3A_39 = arith.constant 0 : i32
        %dma_start3A_40 = arith.constant 0 : i32
        %dma_start3A_41 = tpu.memref_slice %arg13[%dma_start3A_39, %dma_start3A_40] : memref<10240x64xf32, #tpu.memory_space<vmem_shared>> -> memref<10240x64xf32, #tpu.memory_space<vmem_shared>>
        tpu.enqueue_indirect_dma source(%arg12 : memref<128x64xf32, #tpu.memory_space<vmem>>) target(%dma_start3A_41 : memref<10240x64xf32, #tpu.memory_space<vmem_shared>>) offsets(%dma_start3A_38 : memref<128xi32, #tpu.memory_space<vmem>>) semaphore(%run_scoped3A_36 : memref<!tpu.dma_semaphore, #tpu.memory_space<semaphore_mem>>) {add = true}
        %dma_wait3A = arith.constant 0 : i32
        %dma_wait3A_42 = tpu.memref_slice %arg10[%add3A_30, %dma_wait3A] : memref<80x128xi32, #tpu.memory_space<vmem>> -> memref<1x128xi32, #tpu.memory_space<vmem>>
        %dma_wait3A_43 = tpu.memref_squeeze %dma_wait3A_42 : memref<1x128xi32, #tpu.memory_space<vmem>> -> memref<128xi32, #tpu.memory_space<vmem>>
        %dma_wait3A_44 = arith.constant 0 : i32
        %dma_wait3A_45 = arith.constant 0 : i32
        %dma_wait3A_46 = tpu.memref_slice %arg13[%dma_wait3A_44, %dma_wait3A_45] : memref<10240x64xf32, #tpu.memory_space<vmem_shared>> -> memref<10240x64xf32, #tpu.memory_space<vmem_shared>>
        tpu.wait_indirect_dma semaphore(%run_scoped3A_36 : memref<!tpu.dma_semaphore, #tpu.memory_space<semaphore_mem>>) src(%arg12 : memref<128x64xf32, #tpu.memory_space<vmem>>) dst(%dma_wait3A_46 : memref<10240x64xf32, #tpu.memory_space<vmem_shared>>)
        tpu.yield
      }) : () -> ()
    }
    %scan3A_6 = arith.constant 80 : i32
    %barrier3A_7 = arith.constant 0 : index
    tpu.barrier barrier_id(%barrier3A_7)
    %mul3A_8 = arith.constant 640 : i32
    %mul3A_9 = arith.muli %arg1, %mul3A_8 : i32
    %mul3A_10 = arith.constant 640 : i32
    %mul3A_11 = arith.muli %arg1, %mul3A_10 : i32
    %run_scoped3A = arith.constant 0 : i32
    "tpu.region"() ({
      %run_scoped3A_26 = tpu.sem_alloc : memref<!tpu.dma_semaphore, #tpu.memory_space<semaphore_mem>>
      %dma_start3A = arith.constant 0 : i32
      %dma_start3A_27 = tpu.memref_slice %arg8[%arg0, %run_scoped3A, %mul3A_11, %dma_start3A] : memref<2x2x10240x64xf32, #tpu.memory_space<hbm>> -> memref<1x1x640x64xf32, #tpu.memory_space<hbm>>
      %dma_start3A_28 = tpu.memref_squeeze %dma_start3A_27 : memref<1x1x640x64xf32, #tpu.memory_space<hbm>> -> memref<640x64xf32, #tpu.memory_space<hbm>>
      %dma_start3A_29 = arith.constant 0 : i32
      %dma_start3A_30 = tpu.memref_slice %arg13[%mul3A_9, %dma_start3A_29] : memref<10240x64xf32, #tpu.memory_space<vmem_shared>> -> memref<640x64xf32, #tpu.memory_space<vmem_shared>>
      tpu.enqueue_dma source(%dma_start3A_30 : memref<640x64xf32, #tpu.memory_space<vmem_shared>>) target(%dma_start3A_28 : memref<640x64xf32, #tpu.memory_space<hbm>>) target_semaphore(%run_scoped3A_26 : memref<!tpu.dma_semaphore, #tpu.memory_space<semaphore_mem>>)
      %dma_wait3A = arith.constant 0 : i32
      %dma_wait3A_31 = tpu.memref_slice %arg8[%arg0, %run_scoped3A, %mul3A_11, %dma_wait3A] : memref<2x2x10240x64xf32, #tpu.memory_space<hbm>> -> memref<1x1x640x64xf32, #tpu.memory_space<hbm>>
      %dma_wait3A_32 = tpu.memref_squeeze %dma_wait3A_31 : memref<1x1x640x64xf32, #tpu.memory_space<hbm>> -> memref<640x64xf32, #tpu.memory_space<hbm>>
      %dma_wait3A_33 = arith.constant 0 : i32
      %dma_wait3A_34 = tpu.memref_slice %arg13[%mul3A_9, %dma_wait3A_33] : memref<10240x64xf32, #tpu.memory_space<vmem_shared>> -> memref<640x64xf32, #tpu.memory_space<vmem_shared>>
      tpu.wait_dma2 semaphore(%run_scoped3A_26 : memref<!tpu.dma_semaphore, #tpu.memory_space<semaphore_mem>>) src(%dma_wait3A_34 : memref<640x64xf32, #tpu.memory_space<vmem_shared>>) dst(%dma_wait3A_32 : memref<640x64xf32, #tpu.memory_space<hbm>>)
      tpu.yield
    }) : () -> ()
    %mul3A_12 = arith.constant 640 : i32
    %mul3A_13 = arith.muli %arg1, %mul3A_12 : i32
    "tpu.region"() ({
      %run_scoped3A_26 = tpu.sem_alloc : memref<!tpu.dma_semaphore, #tpu.memory_space<semaphore_mem>>
      %dma_start3A = arith.constant 0 : i32
      %dma_start3A_27 = tpu.memref_slice %arg13[%mul3A_13, %dma_start3A] : memref<10240x64xf32, #tpu.memory_space<vmem_shared>> -> memref<640x64xf32, #tpu.memory_space<vmem_shared>>
      tpu.enqueue_dma source(%arg7 : memref<640x64xf32, #tpu.memory_space<hbm>>) target(%dma_start3A_27 : memref<640x64xf32, #tpu.memory_space<vmem_shared>>) target_semaphore(%run_scoped3A_26 : memref<!tpu.dma_semaphore, #tpu.memory_space<semaphore_mem>>)
      %dma_wait3A = arith.constant 0 : i32
      %dma_wait3A_28 = tpu.memref_slice %arg13[%mul3A_13, %dma_wait3A] : memref<10240x64xf32, #tpu.memory_space<vmem_shared>> -> memref<640x64xf32, #tpu.memory_space<vmem_shared>>
      tpu.wait_dma2 semaphore(%run_scoped3A_26 : memref<!tpu.dma_semaphore, #tpu.memory_space<semaphore_mem>>) src(%arg7 : memref<640x64xf32, #tpu.memory_space<hbm>>) dst(%dma_wait3A_28 : memref<640x64xf32, #tpu.memory_space<vmem_shared>>)
      tpu.yield
    }) : () -> ()
    %barrier3A_14 = arith.constant 0 : index
    tpu.barrier barrier_id(%barrier3A_14)
    %scan3A_15 = arith.constant 0 : i32
    %scan3A_16 = arith.constant 80 : i32
    %scan3A_17 = arith.addi %scan3A_15, %scan3A_16 : i32
    %scan3A_18 = arith.constant 1 : i32
    scf.for %scan3A_26 = %scan3A_15 to %scan3A_17 step %scan3A_18  : i32 {
      %mul3A_27 = arith.constant 1 : i32
      %mul3A_28 = arith.muli %scan3A_26, %mul3A_27 : i32
      %add3A_29 = arith.constant 0 : i32
      %add3A_30 = arith.addi %add3A_29, %mul3A_28 : i32
      "tpu.region"() ({
        %run_scoped3A_36 = tpu.sem_alloc : memref<!tpu.dma_semaphore, #tpu.memory_space<semaphore_mem>>
        %dma_start3A = arith.constant 0 : i32
        %dma_start3A_37 = tpu.memref_slice %arg9[%add3A_30, %dma_start3A] : memref<80x128xi32, #tpu.memory_space<vmem>> -> memref<1x128xi32, #tpu.memory_space<vmem>>
        %dma_start3A_38 = tpu.memref_squeeze %dma_start3A_37 : memref<1x128xi32, #tpu.memory_space<vmem>> -> memref<128xi32, #tpu.memory_space<vmem>>
        %dma_start3A_39 = arith.constant 0 : i32
        %dma_start3A_40 = arith.constant 0 : i32
        %dma_start3A_41 = tpu.memref_slice %arg3[%dma_start3A_39, %dma_start3A_40] : memref<10000x64xf32, #tpu.memory_space<hbm>> -> memref<10000x64xf32, #tpu.memory_space<hbm>>
        tpu.enqueue_indirect_dma source(%dma_start3A_41 : memref<10000x64xf32, #tpu.memory_space<hbm>>) target(%arg12 : memref<128x64xf32, #tpu.memory_space<vmem>>) offsets(%dma_start3A_38 : memref<128xi32, #tpu.memory_space<vmem>>) semaphore(%run_scoped3A_36 : memref<!tpu.dma_semaphore, #tpu.memory_space<semaphore_mem>>)
        %dma_wait3A = arith.constant 0 : i32
        %dma_wait3A_42 = tpu.memref_slice %arg9[%add3A_30, %dma_wait3A] : memref<80x128xi32, #tpu.memory_space<vmem>> -> memref<1x128xi32, #tpu.memory_space<vmem>>
        %dma_wait3A_43 = tpu.memref_squeeze %dma_wait3A_42 : memref<1x128xi32, #tpu.memory_space<vmem>> -> memref<128xi32, #tpu.memory_space<vmem>>
        %dma_wait3A_44 = arith.constant 0 : i32
        %dma_wait3A_45 = arith.constant 0 : i32
        %dma_wait3A_46 = tpu.memref_slice %arg3[%dma_wait3A_44, %dma_wait3A_45] : memref<10000x64xf32, #tpu.memory_space<hbm>> -> memref<10000x64xf32, #tpu.memory_space<hbm>>
        tpu.wait_indirect_dma semaphore(%run_scoped3A_36 : memref<!tpu.dma_semaphore, #tpu.memory_space<semaphore_mem>>) src(%dma_wait3A_46 : memref<10000x64xf32, #tpu.memory_space<hbm>>) dst(%arg12 : memref<128x64xf32, #tpu.memory_space<vmem>>)
        tpu.yield
      }) : () -> ()
      %broadcast_in_dim3A = vector.broadcast %add3A_30 : i32 to vector<16xi32>
      %scan3A_31 = arith.constant 0 : i32
      %scan3A_32 = arith.constant 32 : i32
      %scan3A_33 = arith.addi %scan3A_31, %scan3A_32 : i32
      %scan3A_34 = arith.constant 1 : i32
      scf.for %scan3A_36 = %scan3A_31 to %scan3A_33 step %scan3A_34  : i32 {
        %mul3A_37 = arith.constant 4 : i32
        %mul3A_38 = arith.muli %scan3A_36, %mul3A_37 : i32
        %add3A_39 = arith.constant 0 : i32
        %add3A_40 = arith.addi %add3A_39, %mul3A_38 : i32
        %add3A_41 = arith.constant 0 : i32
        %add3A_42 = arith.addi %add3A_40, %add3A_41 : i32
        %broadcast_in_dim3A_43 = vector.broadcast %add3A_42 : i32 to vector<16xi32>
        %gather3A = tpu.vector_load_idx %arg11[%broadcast_in_dim3A, %broadcast_in_dim3A_43] : memref<80x128xf32, #tpu.memory_space<vmem>>[vector<16xi32>, vector<16xi32>], vector<16xf32>,
        %add3A_44 = arith.constant 0 : i32
        %add3A_45 = arith.addi %add3A_40, %add3A_44 : i32
        %get3A = arith.index_cast %add3A_45 : i32 to index
        %get3A_46 = arith.constant 0 : index
        %get3A_47 = tpu.vector_load %arg12[%get3A, %get3A_46] {strides = array<i32>} : memref<128x64xf32, #tpu.memory_space<vmem>>, vector<16xf32>,
        %mul3A_48 = arith.mulf %get3A_47, %gather3A : vector<16xf32>
        %swap3A = arith.index_cast %add3A_45 : i32 to index
        %swap3A_49 = arith.constant 0 : index
        %swap3A_50 = tpu.vector_load %arg12[%swap3A, %swap3A_49] {strides = array<i32>} : memref<128x64xf32, #tpu.memory_space<vmem>>, vector<16xf32>,
        tpu.vector_store %arg12[%swap3A, %swap3A_49], %mul3A_48 {strides = array<i32>} : memref<128x64xf32, #tpu.memory_space<vmem>>, vector<16xf32>,
        %add3A_51 = arith.constant 0 : i32
        %add3A_52 = arith.addi %add3A_40, %add3A_51 : i32
        %get3A_53 = arith.index_cast %add3A_52 : i32 to index
        %get3A_54 = arith.constant 16 : index
        %get3A_55 = tpu.vector_load %arg12[%get3A_53, %get3A_54] {strides = array<i32>} : memref<128x64xf32, #tpu.memory_space<vmem>>, vector<16xf32>,
        %mul3A_56 = arith.mulf %get3A_55, %gather3A : vector<16xf32>
        %swap3A_57 = arith.index_cast %add3A_52 : i32 to index
        %swap3A_58 = arith.constant 16 : index
        %swap3A_59 = tpu.vector_load %arg12[%swap3A_57, %swap3A_58] {strides = array<i32>} : memref<128x64xf32, #tpu.memory_space<vmem>>, vector<16xf32>,
        tpu.vector_store %arg12[%swap3A_57, %swap3A_58], %mul3A_56 {strides = array<i32>} : memref<128x64xf32, #tpu.memory_space<vmem>>, vector<16xf32>,
        %add3A_60 = arith.constant 0 : i32
        %add3A_61 = arith.addi %add3A_40, %add3A_60 : i32
        %get3A_62 = arith.index_cast %add3A_61 : i32 to index
        %get3A_63 = arith.constant 32 : index
        %get3A_64 = tpu.vector_load %arg12[%get3A_62, %get3A_63] {strides = array<i32>} : memref<128x64xf32, #tpu.memory_space<vmem>>, vector<16xf32>,
        %mul3A_65 = arith.mulf %get3A_64, %gather3A : vector<16xf32>
        %swap3A_66 = arith.index_cast %add3A_61 : i32 to index
        %swap3A_67 = arith.constant 32 : index
        %swap3A_68 = tpu.vector_load %arg12[%swap3A_66, %swap3A_67] {strides = array<i32>} : memref<128x64xf32, #tpu.memory_space<vmem>>, vector<16xf32>,
        tpu.vector_store %arg12[%swap3A_66, %swap3A_67], %mul3A_65 {strides = array<i32>} : memref<128x64xf32, #tpu.memory_space<vmem>>, vector<16xf32>,
        %add3A_69 = arith.constant 0 : i32
        %add3A_70 = arith.addi %add3A_40, %add3A_69 : i32
        %get3A_71 = arith.index_cast %add3A_70 : i32 to index
        %get3A_72 = arith.constant 48 : index
        %get3A_73 = tpu.vector_load %arg12[%get3A_71, %get3A_72] {strides = array<i32>} : memref<128x64xf32, #tpu.memory_space<vmem>>, vector<16xf32>,
        %mul3A_74 = arith.mulf %get3A_73, %gather3A : vector<16xf32>
        %swap3A_75 = arith.index_cast %add3A_70 : i32 to index
        %swap3A_76 = arith.constant 48 : index
        %swap3A_77 = tpu.vector_load %arg12[%swap3A_75, %swap3A_76] {strides = array<i32>} : memref<128x64xf32, #tpu.memory_space<vmem>>, vector<16xf32>,
        tpu.vector_store %arg12[%swap3A_75, %swap3A_76], %mul3A_74 {strides = array<i32>} : memref<128x64xf32, #tpu.memory_space<vmem>>, vector<16xf32>,
        %add3A_78 = arith.constant 1 : i32
        %add3A_79 = arith.addi %add3A_40, %add3A_78 : i32
        %broadcast_in_dim3A_80 = vector.broadcast %add3A_79 : i32 to vector<16xi32>
        %gather3A_81 = tpu.vector_load_idx %arg11[%broadcast_in_dim3A, %broadcast_in_dim3A_80] : memref<80x128xf32, #tpu.memory_space<vmem>>[vector<16xi32>, vector<16xi32>], vector<16xf32>,
        %add3A_82 = arith.constant 1 : i32
        %add3A_83 = arith.addi %add3A_40, %add3A_82 : i32
        %get3A_84 = arith.index_cast %add3A_83 : i32 to index
        %get3A_85 = arith.constant 0 : index
        %get3A_86 = tpu.vector_load %arg12[%get3A_84, %get3A_85] {strides = array<i32>} : memref<128x64xf32, #tpu.memory_space<vmem>>, vector<16xf32>,
        %mul3A_87 = arith.mulf %get3A_86, %gather3A_81 : vector<16xf32>
        %swap3A_88 = arith.index_cast %add3A_83 : i32 to index
        %swap3A_89 = arith.constant 0 : index
        %swap3A_90 = tpu.vector_load %arg12[%swap3A_88, %swap3A_89] {strides = array<i32>} : memref<128x64xf32, #tpu.memory_space<vmem>>, vector<16xf32>,
        tpu.vector_store %arg12[%swap3A_88, %swap3A_89], %mul3A_87 {strides = array<i32>} : memref<128x64xf32, #tpu.memory_space<vmem>>, vector<16xf32>,
        %add3A_91 = arith.constant 1 : i32
        %add3A_92 = arith.addi %add3A_40, %add3A_91 : i32
        %get3A_93 = arith.index_cast %add3A_92 : i32 to index
        %get3A_94 = arith.constant 16 : index
        %get3A_95 = tpu.vector_load %arg12[%get3A_93, %get3A_94] {strides = array<i32>} : memref<128x64xf32, #tpu.memory_space<vmem>>, vector<16xf32>,
        %mul3A_96 = arith.mulf %get3A_95, %gather3A_81 : vector<16xf32>
        %swap3A_97 = arith.index_cast %add3A_92 : i32 to index
        %swap3A_98 = arith.constant 16 : index
        %swap3A_99 = tpu.vector_load %arg12[%swap3A_97, %swap3A_98] {strides = array<i32>} : memref<128x64xf32, #tpu.memory_space<vmem>>, vector<16xf32>,
        tpu.vector_store %arg12[%swap3A_97, %swap3A_98], %mul3A_96 {strides = array<i32>} : memref<128x64xf32, #tpu.memory_space<vmem>>, vector<16xf32>,
        %add3A_100 = arith.constant 1 : i32
        %add3A_101 = arith.addi %add3A_40, %add3A_100 : i32
        %get3A_102 = arith.index_cast %add3A_101 : i32 to index
        %get3A_103 = arith.constant 32 : index
        %get3A_104 = tpu.vector_load %arg12[%get3A_102, %get3A_103] {strides = array<i32>} : memref<128x64xf32, #tpu.memory_space<vmem>>, vector<16xf32>,
        %mul3A_105 = arith.mulf %get3A_104, %gather3A_81 : vector<16xf32>
        %swap3A_106 = arith.index_cast %add3A_101 : i32 to index
        %swap3A_107 = arith.constant 32 : index
        %swap3A_108 = tpu.vector_load %arg12[%swap3A_106, %swap3A_107] {strides = array<i32>} : memref<128x64xf32, #tpu.memory_space<vmem>>, vector<16xf32>,
        tpu.vector_store %arg12[%swap3A_106, %swap3A_107], %mul3A_105 {strides = array<i32>} : memref<128x64xf32, #tpu.memory_space<vmem>>, vector<16xf32>,
        %add3A_109 = arith.constant 1 : i32
        %add3A_110 = arith.addi %add3A_40, %add3A_109 : i32
        %get3A_111 = arith.index_cast %add3A_110 : i32 to index
        %get3A_112 = arith.constant 48 : index
        %get3A_113 = tpu.vector_load %arg12[%get3A_111, %get3A_112] {strides = array<i32>} : memref<128x64xf32, #tpu.memory_space<vmem>>, vector<16xf32>,
        %mul3A_114 = arith.mulf %get3A_113, %gather3A_81 : vector<16xf32>
        %swap3A_115 = arith.index_cast %add3A_110 : i32 to index
        %swap3A_116 = arith.constant 48 : index
        %swap3A_117 = tpu.vector_load %arg12[%swap3A_115, %swap3A_116] {strides = array<i32>} : memref<128x64xf32, #tpu.memory_space<vmem>>, vector<16xf32>,
        tpu.vector_store %arg12[%swap3A_115, %swap3A_116], %mul3A_114 {strides = array<i32>} : memref<128x64xf32, #tpu.memory_space<vmem>>, vector<16xf32>,
        %add3A_118 = arith.constant 2 : i32
        %add3A_119 = arith.addi %add3A_40, %add3A_118 : i32
        %broadcast_in_dim3A_120 = vector.broadcast %add3A_119 : i32 to vector<16xi32>
        %gather3A_121 = tpu.vector_load_idx %arg11[%broadcast_in_dim3A, %broadcast_in_dim3A_120] : memref<80x128xf32, #tpu.memory_space<vmem>>[vector<16xi32>, vector<16xi32>], vector<16xf32>,
        %add3A_122 = arith.constant 2 : i32
        %add3A_123 = arith.addi %add3A_40, %add3A_122 : i32
        %get3A_124 = arith.index_cast %add3A_123 : i32 to index
        %get3A_125 = arith.constant 0 : index
        %get3A_126 = tpu.vector_load %arg12[%get3A_124, %get3A_125] {strides = array<i32>} : memref<128x64xf32, #tpu.memory_space<vmem>>, vector<16xf32>,
        %mul3A_127 = arith.mulf %get3A_126, %gather3A_121 : vector<16xf32>
        %swap3A_128 = arith.index_cast %add3A_123 : i32 to index
        %swap3A_129 = arith.constant 0 : index
        %swap3A_130 = tpu.vector_load %arg12[%swap3A_128, %swap3A_129] {strides = array<i32>} : memref<128x64xf32, #tpu.memory_space<vmem>>, vector<16xf32>,
        tpu.vector_store %arg12[%swap3A_128, %swap3A_129], %mul3A_127 {strides = array<i32>} : memref<128x64xf32, #tpu.memory_space<vmem>>, vector<16xf32>,
        %add3A_131 = arith.constant 2 : i32
        %add3A_132 = arith.addi %add3A_40, %add3A_131 : i32
        %get3A_133 = arith.index_cast %add3A_132 : i32 to index
        %get3A_134 = arith.constant 16 : index
        %get3A_135 = tpu.vector_load %arg12[%get3A_133, %get3A_134] {strides = array<i32>} : memref<128x64xf32, #tpu.memory_space<vmem>>, vector<16xf32>,
        %mul3A_136 = arith.mulf %get3A_135, %gather3A_121 : vector<16xf32>
        %swap3A_137 = arith.index_cast %add3A_132 : i32 to index
        %swap3A_138 = arith.constant 16 : index
        %swap3A_139 = tpu.vector_load %arg12[%swap3A_137, %swap3A_138] {strides = array<i32>} : memref<128x64xf32, #tpu.memory_space<vmem>>, vector<16xf32>,
        tpu.vector_store %arg12[%swap3A_137, %swap3A_138], %mul3A_136 {strides = array<i32>} : memref<128x64xf32, #tpu.memory_space<vmem>>, vector<16xf32>,
        %add3A_140 = arith.constant 2 : i32
        %add3A_141 = arith.addi %add3A_40, %add3A_140 : i32
        %get3A_142 = arith.index_cast %add3A_141 : i32 to index
        %get3A_143 = arith.constant 32 : index
        %get3A_144 = tpu.vector_load %arg12[%get3A_142, %get3A_143] {strides = array<i32>} : memref<128x64xf32, #tpu.memory_space<vmem>>, vector<16xf32>,
        %mul3A_145 = arith.mulf %get3A_144, %gather3A_121 : vector<16xf32>
        %swap3A_146 = arith.index_cast %add3A_141 : i32 to index
        %swap3A_147 = arith.constant 32 : index
        %swap3A_148 = tpu.vector_load %arg12[%swap3A_146, %swap3A_147] {strides = array<i32>} : memref<128x64xf32, #tpu.memory_space<vmem>>, vector<16xf32>,
        tpu.vector_store %arg12[%swap3A_146, %swap3A_147], %mul3A_145 {strides = array<i32>} : memref<128x64xf32, #tpu.memory_space<vmem>>, vector<16xf32>,
        %add3A_149 = arith.constant 2 : i32
        %add3A_150 = arith.addi %add3A_40, %add3A_149 : i32
        %get3A_151 = arith.index_cast %add3A_150 : i32 to index
        %get3A_152 = arith.constant 48 : index
        %get3A_153 = tpu.vector_load %arg12[%get3A_151, %get3A_152] {strides = array<i32>} : memref<128x64xf32, #tpu.memory_space<vmem>>, vector<16xf32>,
        %mul3A_154 = arith.mulf %get3A_153, %gather3A_121 : vector<16xf32>
        %swap3A_155 = arith.index_cast %add3A_150 : i32 to index
        %swap3A_156 = arith.constant 48 : index
        %swap3A_157 = tpu.vector_load %arg12[%swap3A_155, %swap3A_156] {strides = array<i32>} : memref<128x64xf32, #tpu.memory_space<vmem>>, vector<16xf32>,
        tpu.vector_store %arg12[%swap3A_155, %swap3A_156], %mul3A_154 {strides = array<i32>} : memref<128x64xf32, #tpu.memory_space<vmem>>, vector<16xf32>,
        %add3A_158 = arith.constant 3 : i32
        %add3A_159 = arith.addi %add3A_40, %add3A_158 : i32
        %broadcast_in_dim3A_160 = vector.broadcast %add3A_159 : i32 to vector<16xi32>
        %gather3A_161 = tpu.vector_load_idx %arg11[%broadcast_in_dim3A, %broadcast_in_dim3A_160] : memref<80x128xf32, #tpu.memory_space<vmem>>[vector<16xi32>, vector<16xi32>], vector<16xf32>,
        %add3A_162 = arith.constant 3 : i32
        %add3A_163 = arith.addi %add3A_40, %add3A_162 : i32
        %get3A_164 = arith.index_cast %add3A_163 : i32 to index
        %get3A_165 = arith.constant 0 : index
        %get3A_166 = tpu.vector_load %arg12[%get3A_164, %get3A_165] {strides = array<i32>} : memref<128x64xf32, #tpu.memory_space<vmem>>, vector<16xf32>,
        %mul3A_167 = arith.mulf %get3A_166, %gather3A_161 : vector<16xf32>
        %swap3A_168 = arith.index_cast %add3A_163 : i32 to index
        %swap3A_169 = arith.constant 0 : index
        %swap3A_170 = tpu.vector_load %arg12[%swap3A_168, %swap3A_169] {strides = array<i32>} : memref<128x64xf32, #tpu.memory_space<vmem>>, vector<16xf32>,
        tpu.vector_store %arg12[%swap3A_168, %swap3A_169], %mul3A_167 {strides = array<i32>} : memref<128x64xf32, #tpu.memory_space<vmem>>, vector<16xf32>,
        %add3A_171 = arith.constant 3 : i32
        %add3A_172 = arith.addi %add3A_40, %add3A_171 : i32
        %get3A_173 = arith.index_cast %add3A_172 : i32 to index
        %get3A_174 = arith.constant 16 : index
        %get3A_175 = tpu.vector_load %arg12[%get3A_173, %get3A_174] {strides = array<i32>} : memref<128x64xf32, #tpu.memory_space<vmem>>, vector<16xf32>,
        %mul3A_176 = arith.mulf %get3A_175, %gather3A_161 : vector<16xf32>
        %swap3A_177 = arith.index_cast %add3A_172 : i32 to index
        %swap3A_178 = arith.constant 16 : index
        %swap3A_179 = tpu.vector_load %arg12[%swap3A_177, %swap3A_178] {strides = array<i32>} : memref<128x64xf32, #tpu.memory_space<vmem>>, vector<16xf32>,
        tpu.vector_store %arg12[%swap3A_177, %swap3A_178], %mul3A_176 {strides = array<i32>} : memref<128x64xf32, #tpu.memory_space<vmem>>, vector<16xf32>,
        %add3A_180 = arith.constant 3 : i32
        %add3A_181 = arith.addi %add3A_40, %add3A_180 : i32
        %get3A_182 = arith.index_cast %add3A_181 : i32 to index
        %get3A_183 = arith.constant 32 : index
        %get3A_184 = tpu.vector_load %arg12[%get3A_182, %get3A_183] {strides = array<i32>} : memref<128x64xf32, #tpu.memory_space<vmem>>, vector<16xf32>,
        %mul3A_185 = arith.mulf %get3A_184, %gather3A_161 : vector<16xf32>
        %swap3A_186 = arith.index_cast %add3A_181 : i32 to index
        %swap3A_187 = arith.constant 32 : index
        %swap3A_188 = tpu.vector_load %arg12[%swap3A_186, %swap3A_187] {strides = array<i32>} : memref<128x64xf32, #tpu.memory_space<vmem>>, vector<16xf32>,
        tpu.vector_store %arg12[%swap3A_186, %swap3A_187], %mul3A_185 {strides = array<i32>} : memref<128x64xf32, #tpu.memory_space<vmem>>, vector<16xf32>,
        %add3A_189 = arith.constant 3 : i32
        %add3A_190 = arith.addi %add3A_40, %add3A_189 : i32
        %get3A_191 = arith.index_cast %add3A_190 : i32 to index
        %get3A_192 = arith.constant 48 : index
        %get3A_193 = tpu.vector_load %arg12[%get3A_191, %get3A_192] {strides = array<i32>} : memref<128x64xf32, #tpu.memory_space<vmem>>, vector<16xf32>,
        %mul3A_194 = arith.mulf %get3A_193, %gather3A_161 : vector<16xf32>
        %swap3A_195 = arith.index_cast %add3A_190 : i32 to index
        %swap3A_196 = arith.constant 48 : index
        %swap3A_197 = tpu.vector_load %arg12[%swap3A_195, %swap3A_196] {strides = array<i32>} : memref<128x64xf32, #tpu.memory_space<vmem>>, vector<16xf32>,
        tpu.vector_store %arg12[%swap3A_195, %swap3A_196], %mul3A_194 {strides = array<i32>} : memref<128x64xf32, #tpu.memory_space<vmem>>, vector<16xf32>,
      }
      %scan3A_35 = arith.constant 32 : i32
      "tpu.region"() ({
        %run_scoped3A_36 = tpu.sem_alloc : memref<!tpu.dma_semaphore, #tpu.memory_space<semaphore_mem>>
        %dma_start3A = arith.constant 0 : i32
        %dma_start3A_37 = tpu.memref_slice %arg10[%add3A_30, %dma_start3A] : memref<80x128xi32, #tpu.memory_space<vmem>> -> memref<1x128xi32, #tpu.memory_space<vmem>>
        %dma_start3A_38 = tpu.memref_squeeze %dma_start3A_37 : memref<1x128xi32, #tpu.memory_space<vmem>> -> memref<128xi32, #tpu.memory_space<vmem>>
        %dma_start3A_39 = arith.constant 0 : i32
        %dma_start3A_40 = arith.constant 0 : i32
        %dma_start3A_41 = tpu.memref_slice %arg13[%dma_start3A_39, %dma_start3A_40] : memref<10240x64xf32, #tpu.memory_space<vmem_shared>> -> memref<10240x64xf32, #tpu.memory_space<vmem_shared>>
        tpu.enqueue_indirect_dma source(%arg12 : memref<128x64xf32, #tpu.memory_space<vmem>>) target(%dma_start3A_41 : memref<10240x64xf32, #tpu.memory_space<vmem_shared>>) offsets(%dma_start3A_38 : memref<128xi32, #tpu.memory_space<vmem>>) semaphore(%run_scoped3A_36 : memref<!tpu.dma_semaphore, #tpu.memory_space<semaphore_mem>>) {add = true}
        %dma_wait3A = arith.constant 0 : i32
        %dma_wait3A_42 = tpu.memref_slice %arg10[%add3A_30, %dma_wait3A] : memref<80x128xi32, #tpu.memory_space<vmem>> -> memref<1x128xi32, #tpu.memory_space<vmem>>
        %dma_wait3A_43 = tpu.memref_squeeze %dma_wait3A_42 : memref<1x128xi32, #tpu.memory_space<vmem>> -> memref<128xi32, #tpu.memory_space<vmem>>
        %dma_wait3A_44 = arith.constant 0 : i32
        %dma_wait3A_45 = arith.constant 0 : i32
        %dma_wait3A_46 = tpu.memref_slice %arg13[%dma_wait3A_44, %dma_wait3A_45] : memref<10240x64xf32, #tpu.memory_space<vmem_shared>> -> memref<10240x64xf32, #tpu.memory_space<vmem_shared>>
        tpu.wait_indirect_dma semaphore(%run_scoped3A_36 : memref<!tpu.dma_semaphore, #tpu.memory_space<semaphore_mem>>) src(%arg12 : memref<128x64xf32, #tpu.memory_space<vmem>>) dst(%dma_wait3A_46 : memref<10240x64xf32, #tpu.memory_space<vmem_shared>>)
        tpu.yield
      }) : () -> ()
    }
    %scan3A_19 = arith.constant 80 : i32
    %barrier3A_20 = arith.constant 0 : index
    tpu.barrier barrier_id(%barrier3A_20)
    %mul3A_21 = arith.constant 640 : i32
    %mul3A_22 = arith.muli %arg1, %mul3A_21 : i32
    %mul3A_23 = arith.constant 640 : i32
    %mul3A_24 = arith.muli %arg1, %mul3A_23 : i32
    %run_scoped3A_25 = arith.constant 1 : i32
    "tpu.region"() ({
      %run_scoped3A_26 = tpu.sem_alloc : memref<!tpu.dma_semaphore, #tpu.memory_space<semaphore_mem>>
      %dma_start3A = arith.constant 0 : i32
      %dma_start3A_27 = tpu.memref_slice %arg8[%arg0, %run_scoped3A_25, %mul3A_24, %dma_start3A] : memref<2x2x10240x64xf32, #tpu.memory_space<hbm>> -> memref<1x1x640x64xf32, #tpu.memory_space<hbm>>
      %dma_start3A_28 = tpu.memref_squeeze %dma_start3A_27 : memref<1x1x640x64xf32, #tpu.memory_space<hbm>> -> memref<640x64xf32, #tpu.memory_space<hbm>>
      %dma_start3A_29 = arith.constant 0 : i32
      %dma_start3A_30 = tpu.memref_slice %arg13[%mul3A_22, %dma_start3A_29] : memref<10240x64xf32, #tpu.memory_space<vmem_shared>> -> memref<640x64xf32, #tpu.memory_space<vmem_shared>>
      tpu.enqueue_dma source(%dma_start3A_30 : memref<640x64xf32, #tpu.memory_space<vmem_shared>>) target(%dma_start3A_28 : memref<640x64xf32, #tpu.memory_space<hbm>>) target_semaphore(%run_scoped3A_26 : memref<!tpu.dma_semaphore, #tpu.memory_space<semaphore_mem>>)
      %dma_wait3A = arith.constant 0 : i32
      %dma_wait3A_31 = tpu.memref_slice %arg8[%arg0, %run_scoped3A_25, %mul3A_24, %dma_wait3A] : memref<2x2x10240x64xf32, #tpu.memory_space<hbm>> -> memref<1x1x640x64xf32, #tpu.memory_space<hbm>>
      %dma_wait3A_32 = tpu.memref_squeeze %dma_wait3A_31 : memref<1x1x640x64xf32, #tpu.memory_space<hbm>> -> memref<640x64xf32, #tpu.memory_space<hbm>>
      %dma_wait3A_33 = arith.constant 0 : i32
      %dma_wait3A_34 = tpu.memref_slice %arg13[%mul3A_22, %dma_wait3A_33] : memref<10240x64xf32, #tpu.memory_space<vmem_shared>> -> memref<640x64xf32, #tpu.memory_space<vmem_shared>>
      tpu.wait_dma2 semaphore(%run_scoped3A_26 : memref<!tpu.dma_semaphore, #tpu.memory_space<semaphore_mem>>) src(%dma_wait3A_34 : memref<640x64xf32, #tpu.memory_space<vmem_shared>>) dst(%dma_wait3A_32 : memref<640x64xf32, #tpu.memory_space<hbm>>)
      tpu.yield
    }) : () -> ()
    return
  }
}

#map = affine_map<(d0, d1) -> (0, 0)>
#map1 = affine_map<(d0, d1) -> (0, 0, 0)>
#map2 = affine_map<(d0, d1) -> (0, 0, 0, 0)>
module attributes {stable_mosaic.version = 14 : i64} {
  func.func @_agg_kernel(%arg0: i32, %arg1: i32, %arg2: memref<10000x64xf32, #tpu.memory_space<hbm>>, %arg3: memref<10000x64xf32, #tpu.memory_space<hbm>>, %arg4: memref<32x80x128xi32, #tpu.memory_space<hbm>>, %arg5: memref<32x80x128xi32, #tpu.memory_space<hbm>>, %arg6: memref<32x80x128xf32, #tpu.memory_space<hbm>>, %arg7: memref<640x64xf32, #tpu.memory_space<hbm>>, %arg8: memref<2x2x10240x64xf32, #tpu.memory_space<hbm>>, %arg9: memref<80x128xi32, #tpu.memory_space<vmem>>, %arg10: memref<80x128xi32, #tpu.memory_space<vmem>>, %arg11: memref<80x128xf32, #tpu.memory_space<vmem>>, %arg12: memref<128x64xf32, #tpu.memory_space<vmem>>, %arg13: memref<10240x64xf32, #tpu.memory_space<vmem_shared>>) attributes {dimension_semantics = [#tpu.dimension_semantics<core_parallel>, #tpu.dimension_semantics<subcore_parallel>], iteration_bounds = array<i64: 2, 16>, scalar_prefetch = 0 : i64, scratch_operands = 5 : i64, tpu.core_type = #tpu.core_type<sc_vector_subcore>, window_params = [{transform_indices = #map}, {transform_indices = #map}, {transform_indices = #map1}, {transform_indices = #map1}, {transform_indices = #map1}, {transform_indices = #map}, {transform_indices = #map2}]} {
    %mul3A = arith.constant 16 : i32
    %mul3A_0 = arith.muli %arg0, %mul3A : i32
    %add3A = arith.addi %mul3A_0, %arg1 : i32
    "tpu.region"() ({
      %run_scoped3A_26 = tpu.sem_alloc : memref<!tpu.dma_semaphore, #tpu.memory_space<semaphore_mem>>
      %dma_start3A = arith.constant 0 : i32
      %dma_start3A_27 = arith.constant 0 : i32
      %dma_start3A_28 = tpu.memref_slice %arg4[%add3A, %dma_start3A, %dma_start3A_27] : memref<32x80x128xi32, #tpu.memory_space<hbm>> -> memref<1x80x128xi32, #tpu.memory_space<hbm>>
      %dma_start3A_29 = tpu.memref_squeeze %dma_start3A_28 : memref<1x80x128xi32, #tpu.memory_space<hbm>> -> memref<80x128xi32, #tpu.memory_space<hbm>>
      %dma_start3A_30 = arith.constant 0 : i32
      %dma_start3A_31 = arith.constant 0 : i32
      %dma_start3A_32 = tpu.memref_slice %arg4[%add3A, %dma_start3A_30, %dma_start3A_31] : memref<32x80x128xi32, #tpu.memory_space<hbm>> -> memref<1x80x128xi32, #tpu.memory_space<hbm>>
      %dma_start3A_33 = tpu.memref_squeeze %dma_start3A_32 : memref<1x80x128xi32, #tpu.memory_space<hbm>> -> memref<80x128xi32, #tpu.memory_space<hbm>>
      tpu.enqueue_dma source(%dma_start3A_33 : memref<80x128xi32, #tpu.memory_space<hbm>>) target(%arg9 : memref<80x128xi32, #tpu.memory_space<vmem>>) target_semaphore(%run_scoped3A_26 : memref<!tpu.dma_semaphore, #tpu.memory_space<semaphore_mem>>)
      %dma_wait3A = arith.constant 0 : i32
      %dma_wait3A_34 = arith.constant 0 : i32
      %dma_wait3A_35 = tpu.memref_slice %arg4[%add3A, %dma_wait3A, %dma_wait3A_34] : memref<32x80x128xi32, #tpu.memory_space<hbm>> -> memref<1x80x128xi32, #tpu.memory_space<hbm>>
      %dma_wait3A_36 = tpu.memref_squeeze %dma_wait3A_35 : memref<1x80x128xi32, #tpu.memory_space<hbm>> -> memref<80x128xi32, #tpu.memory_space<hbm>>
      %dma_wait3A_37 = arith.constant 0 : i32
      %dma_wait3A_38 = arith.constant 0 : i32
      %dma_wait3A_39 = tpu.memref_slice %arg4[%add3A, %dma_wait3A_37, %dma_wait3A_38] : memref<32x80x128xi32, #tpu.memory_space<hbm>> -> memref<1x80x128xi32, #tpu.memory_space<hbm>>
      %dma_wait3A_40 = tpu.memref_squeeze %dma_wait3A_39 : memref<1x80x128xi32, #tpu.memory_space<hbm>> -> memref<80x128xi32, #tpu.memory_space<hbm>>
      tpu.wait_dma2 semaphore(%run_scoped3A_26 : memref<!tpu.dma_semaphore, #tpu.memory_space<semaphore_mem>>) src(%dma_wait3A_40 : memref<80x128xi32, #tpu.memory_space<hbm>>) dst(%arg9 : memref<80x128xi32, #tpu.memory_space<vmem>>)
      tpu.yield
    }) : () -> ()
    "tpu.region"() ({
      %run_scoped3A_26 = tpu.sem_alloc : memref<!tpu.dma_semaphore, #tpu.memory_space<semaphore_mem>>
      %dma_start3A = arith.constant 0 : i32
      %dma_start3A_27 = arith.constant 0 : i32
      %dma_start3A_28 = tpu.memref_slice %arg5[%add3A, %dma_start3A, %dma_start3A_27] : memref<32x80x128xi32, #tpu.memory_space<hbm>> -> memref<1x80x128xi32, #tpu.memory_space<hbm>>
      %dma_start3A_29 = tpu.memref_squeeze %dma_start3A_28 : memref<1x80x128xi32, #tpu.memory_space<hbm>> -> memref<80x128xi32, #tpu.memory_space<hbm>>
      %dma_start3A_30 = arith.constant 0 : i32
      %dma_start3A_31 = arith.constant 0 : i32
      %dma_start3A_32 = tpu.memref_slice %arg5[%add3A, %dma_start3A_30, %dma_start3A_31] : memref<32x80x128xi32, #tpu.memory_space<hbm>> -> memref<1x80x128xi32, #tpu.memory_space<hbm>>
      %dma_start3A_33 = tpu.memref_squeeze %dma_start3A_32 : memref<1x80x128xi32, #tpu.memory_space<hbm>> -> memref<80x128xi32, #tpu.memory_space<hbm>>
      tpu.enqueue_dma source(%dma_start3A_33 : memref<80x128xi32, #tpu.memory_space<hbm>>) target(%arg10 : memref<80x128xi32, #tpu.memory_space<vmem>>) target_semaphore(%run_scoped3A_26 : memref<!tpu.dma_semaphore, #tpu.memory_space<semaphore_mem>>)
      %dma_wait3A = arith.constant 0 : i32
      %dma_wait3A_34 = arith.constant 0 : i32
      %dma_wait3A_35 = tpu.memref_slice %arg5[%add3A, %dma_wait3A, %dma_wait3A_34] : memref<32x80x128xi32, #tpu.memory_space<hbm>> -> memref<1x80x128xi32, #tpu.memory_space<hbm>>
      %dma_wait3A_36 = tpu.memref_squeeze %dma_wait3A_35 : memref<1x80x128xi32, #tpu.memory_space<hbm>> -> memref<80x128xi32, #tpu.memory_space<hbm>>
      %dma_wait3A_37 = arith.constant 0 : i32
      %dma_wait3A_38 = arith.constant 0 : i32
      %dma_wait3A_39 = tpu.memref_slice %arg5[%add3A, %dma_wait3A_37, %dma_wait3A_38] : memref<32x80x128xi32, #tpu.memory_space<hbm>> -> memref<1x80x128xi32, #tpu.memory_space<hbm>>
      %dma_wait3A_40 = tpu.memref_squeeze %dma_wait3A_39 : memref<1x80x128xi32, #tpu.memory_space<hbm>> -> memref<80x128xi32, #tpu.memory_space<hbm>>
      tpu.wait_dma2 semaphore(%run_scoped3A_26 : memref<!tpu.dma_semaphore, #tpu.memory_space<semaphore_mem>>) src(%dma_wait3A_40 : memref<80x128xi32, #tpu.memory_space<hbm>>) dst(%arg10 : memref<80x128xi32, #tpu.memory_space<vmem>>)
      tpu.yield
    }) : () -> ()
    "tpu.region"() ({
      %run_scoped3A_26 = tpu.sem_alloc : memref<!tpu.dma_semaphore, #tpu.memory_space<semaphore_mem>>
      %dma_start3A = arith.constant 0 : i32
      %dma_start3A_27 = arith.constant 0 : i32
      %dma_start3A_28 = tpu.memref_slice %arg6[%add3A, %dma_start3A, %dma_start3A_27] : memref<32x80x128xf32, #tpu.memory_space<hbm>> -> memref<1x80x128xf32, #tpu.memory_space<hbm>>
      %dma_start3A_29 = tpu.memref_squeeze %dma_start3A_28 : memref<1x80x128xf32, #tpu.memory_space<hbm>> -> memref<80x128xf32, #tpu.memory_space<hbm>>
      %dma_start3A_30 = arith.constant 0 : i32
      %dma_start3A_31 = arith.constant 0 : i32
      %dma_start3A_32 = tpu.memref_slice %arg6[%add3A, %dma_start3A_30, %dma_start3A_31] : memref<32x80x128xf32, #tpu.memory_space<hbm>> -> memref<1x80x128xf32, #tpu.memory_space<hbm>>
      %dma_start3A_33 = tpu.memref_squeeze %dma_start3A_32 : memref<1x80x128xf32, #tpu.memory_space<hbm>> -> memref<80x128xf32, #tpu.memory_space<hbm>>
      tpu.enqueue_dma source(%dma_start3A_33 : memref<80x128xf32, #tpu.memory_space<hbm>>) target(%arg11 : memref<80x128xf32, #tpu.memory_space<vmem>>) target_semaphore(%run_scoped3A_26 : memref<!tpu.dma_semaphore, #tpu.memory_space<semaphore_mem>>)
      %dma_wait3A = arith.constant 0 : i32
      %dma_wait3A_34 = arith.constant 0 : i32
      %dma_wait3A_35 = tpu.memref_slice %arg6[%add3A, %dma_wait3A, %dma_wait3A_34] : memref<32x80x128xf32, #tpu.memory_space<hbm>> -> memref<1x80x128xf32, #tpu.memory_space<hbm>>
      %dma_wait3A_36 = tpu.memref_squeeze %dma_wait3A_35 : memref<1x80x128xf32, #tpu.memory_space<hbm>> -> memref<80x128xf32, #tpu.memory_space<hbm>>
      %dma_wait3A_37 = arith.constant 0 : i32
      %dma_wait3A_38 = arith.constant 0 : i32
      %dma_wait3A_39 = tpu.memref_slice %arg6[%add3A, %dma_wait3A_37, %dma_wait3A_38] : memref<32x80x128xf32, #tpu.memory_space<hbm>> -> memref<1x80x128xf32, #tpu.memory_space<hbm>>
      %dma_wait3A_40 = tpu.memref_squeeze %dma_wait3A_39 : memref<1x80x128xf32, #tpu.memory_space<hbm>> -> memref<80x128xf32, #tpu.memory_space<hbm>>
      tpu.wait_dma2 semaphore(%run_scoped3A_26 : memref<!tpu.dma_semaphore, #tpu.memory_space<semaphore_mem>>) src(%dma_wait3A_40 : memref<80x128xf32, #tpu.memory_space<hbm>>) dst(%arg11 : memref<80x128xf32, #tpu.memory_space<vmem>>)
      tpu.yield
    }) : () -> ()
    %mul3A_1 = arith.constant 640 : i32
    %mul3A_2 = arith.muli %arg1, %mul3A_1 : i32
    "tpu.region"() ({
      %run_scoped3A_26 = tpu.sem_alloc : memref<!tpu.dma_semaphore, #tpu.memory_space<semaphore_mem>>
      %dma_start3A = arith.constant 0 : i32
      %dma_start3A_27 = tpu.memref_slice %arg13[%mul3A_2, %dma_start3A] : memref<10240x64xf32, #tpu.memory_space<vmem_shared>> -> memref<640x64xf32, #tpu.memory_space<vmem_shared>>
      tpu.enqueue_dma source(%arg7 : memref<640x64xf32, #tpu.memory_space<hbm>>) target(%dma_start3A_27 : memref<640x64xf32, #tpu.memory_space<vmem_shared>>) target_semaphore(%run_scoped3A_26 : memref<!tpu.dma_semaphore, #tpu.memory_space<semaphore_mem>>)
      %dma_wait3A = arith.constant 0 : i32
      %dma_wait3A_28 = tpu.memref_slice %arg13[%mul3A_2, %dma_wait3A] : memref<10240x64xf32, #tpu.memory_space<vmem_shared>> -> memref<640x64xf32, #tpu.memory_space<vmem_shared>>
      tpu.wait_dma2 semaphore(%run_scoped3A_26 : memref<!tpu.dma_semaphore, #tpu.memory_space<semaphore_mem>>) src(%arg7 : memref<640x64xf32, #tpu.memory_space<hbm>>) dst(%dma_wait3A_28 : memref<640x64xf32, #tpu.memory_space<vmem_shared>>)
      tpu.yield
    }) : () -> ()
    %barrier3A = arith.constant 0 : index
    tpu.barrier barrier_id(%barrier3A)
    %scan3A = arith.constant 0 : i32
    %scan3A_3 = arith.constant 80 : i32
    %scan3A_4 = arith.addi %scan3A, %scan3A_3 : i32
    %scan3A_5 = arith.constant 1 : i32
    scf.for %scan3A_26 = %scan3A to %scan3A_4 step %scan3A_5  : i32 {
      %mul3A_27 = arith.constant 1 : i32
      %mul3A_28 = arith.muli %scan3A_26, %mul3A_27 : i32
      %add3A_29 = arith.constant 0 : i32
      %add3A_30 = arith.addi %add3A_29, %mul3A_28 : i32
      "tpu.region"() ({
        %run_scoped3A_36 = tpu.sem_alloc : memref<!tpu.dma_semaphore, #tpu.memory_space<semaphore_mem>>
        %dma_start3A = arith.constant 0 : i32
        %dma_start3A_37 = tpu.memref_slice %arg9[%add3A_30, %dma_start3A] : memref<80x128xi32, #tpu.memory_space<vmem>> -> memref<1x128xi32, #tpu.memory_space<vmem>>
        %dma_start3A_38 = tpu.memref_squeeze %dma_start3A_37 : memref<1x128xi32, #tpu.memory_space<vmem>> -> memref<128xi32, #tpu.memory_space<vmem>>
        %dma_start3A_39 = arith.constant 0 : i32
        %dma_start3A_40 = arith.constant 0 : i32
        %dma_start3A_41 = tpu.memref_slice %arg2[%dma_start3A_39, %dma_start3A_40] : memref<10000x64xf32, #tpu.memory_space<hbm>> -> memref<10000x64xf32, #tpu.memory_space<hbm>>
        tpu.enqueue_indirect_dma source(%dma_start3A_41 : memref<10000x64xf32, #tpu.memory_space<hbm>>) target(%arg12 : memref<128x64xf32, #tpu.memory_space<vmem>>) offsets(%dma_start3A_38 : memref<128xi32, #tpu.memory_space<vmem>>) semaphore(%run_scoped3A_36 : memref<!tpu.dma_semaphore, #tpu.memory_space<semaphore_mem>>)
        %dma_wait3A = arith.constant 0 : i32
        %dma_wait3A_42 = tpu.memref_slice %arg9[%add3A_30, %dma_wait3A] : memref<80x128xi32, #tpu.memory_space<vmem>> -> memref<1x128xi32, #tpu.memory_space<vmem>>
        %dma_wait3A_43 = tpu.memref_squeeze %dma_wait3A_42 : memref<1x128xi32, #tpu.memory_space<vmem>> -> memref<128xi32, #tpu.memory_space<vmem>>
        %dma_wait3A_44 = arith.constant 0 : i32
        %dma_wait3A_45 = arith.constant 0 : i32
        %dma_wait3A_46 = tpu.memref_slice %arg2[%dma_wait3A_44, %dma_wait3A_45] : memref<10000x64xf32, #tpu.memory_space<hbm>> -> memref<10000x64xf32, #tpu.memory_space<hbm>>
        tpu.wait_indirect_dma semaphore(%run_scoped3A_36 : memref<!tpu.dma_semaphore, #tpu.memory_space<semaphore_mem>>) src(%dma_wait3A_46 : memref<10000x64xf32, #tpu.memory_space<hbm>>) dst(%arg12 : memref<128x64xf32, #tpu.memory_space<vmem>>)
        tpu.yield
      }) : () -> ()
      %broadcast_in_dim3A = vector.broadcast %add3A_30 : i32 to vector<16xi32>
      %scan3A_31 = arith.constant 0 : i32
      %scan3A_32 = arith.constant 32 : i32
      %scan3A_33 = arith.addi %scan3A_31, %scan3A_32 : i32
      %scan3A_34 = arith.constant 1 : i32
      scf.for %scan3A_36 = %scan3A_31 to %scan3A_33 step %scan3A_34  : i32 {
        %mul3A_37 = arith.constant 4 : i32
        %mul3A_38 = arith.muli %scan3A_36, %mul3A_37 : i32
        %add3A_39 = arith.constant 0 : i32
        %add3A_40 = arith.addi %add3A_39, %mul3A_38 : i32
        %add3A_41 = arith.constant 0 : i32
        %add3A_42 = arith.addi %add3A_40, %add3A_41 : i32
        %broadcast_in_dim3A_43 = vector.broadcast %add3A_42 : i32 to vector<16xi32>
        %gather3A = tpu.vector_load_idx %arg11[%broadcast_in_dim3A, %broadcast_in_dim3A_43] : memref<80x128xf32, #tpu.memory_space<vmem>>[vector<16xi32>, vector<16xi32>], vector<16xf32>,
        %add3A_44 = arith.constant 0 : i32
        %add3A_45 = arith.addi %add3A_40, %add3A_44 : i32
        %get3A = arith.index_cast %add3A_45 : i32 to index
        %get3A_46 = arith.constant 0 : index
        %get3A_47 = tpu.vector_load %arg12[%get3A, %get3A_46] {strides = array<i32>} : memref<128x64xf32, #tpu.memory_space<vmem>>, vector<16xf32>,
        %mul3A_48 = arith.mulf %get3A_47, %gather3A : vector<16xf32>
        %swap3A = arith.index_cast %add3A_45 : i32 to index
        %swap3A_49 = arith.constant 0 : index
        %swap3A_50 = tpu.vector_load %arg12[%swap3A, %swap3A_49] {strides = array<i32>} : memref<128x64xf32, #tpu.memory_space<vmem>>, vector<16xf32>,
        tpu.vector_store %arg12[%swap3A, %swap3A_49], %mul3A_48 {strides = array<i32>} : memref<128x64xf32, #tpu.memory_space<vmem>>, vector<16xf32>,
        %add3A_51 = arith.constant 0 : i32
        %add3A_52 = arith.addi %add3A_40, %add3A_51 : i32
        %get3A_53 = arith.index_cast %add3A_52 : i32 to index
        %get3A_54 = arith.constant 16 : index
        %get3A_55 = tpu.vector_load %arg12[%get3A_53, %get3A_54] {strides = array<i32>} : memref<128x64xf32, #tpu.memory_space<vmem>>, vector<16xf32>,
        %mul3A_56 = arith.mulf %get3A_55, %gather3A : vector<16xf32>
        %swap3A_57 = arith.index_cast %add3A_52 : i32 to index
        %swap3A_58 = arith.constant 16 : index
        %swap3A_59 = tpu.vector_load %arg12[%swap3A_57, %swap3A_58] {strides = array<i32>} : memref<128x64xf32, #tpu.memory_space<vmem>>, vector<16xf32>,
        tpu.vector_store %arg12[%swap3A_57, %swap3A_58], %mul3A_56 {strides = array<i32>} : memref<128x64xf32, #tpu.memory_space<vmem>>, vector<16xf32>,
        %add3A_60 = arith.constant 0 : i32
        %add3A_61 = arith.addi %add3A_40, %add3A_60 : i32
        %get3A_62 = arith.index_cast %add3A_61 : i32 to index
        %get3A_63 = arith.constant 32 : index
        %get3A_64 = tpu.vector_load %arg12[%get3A_62, %get3A_63] {strides = array<i32>} : memref<128x64xf32, #tpu.memory_space<vmem>>, vector<16xf32>,
        %mul3A_65 = arith.mulf %get3A_64, %gather3A : vector<16xf32>
        %swap3A_66 = arith.index_cast %add3A_61 : i32 to index
        %swap3A_67 = arith.constant 32 : index
        %swap3A_68 = tpu.vector_load %arg12[%swap3A_66, %swap3A_67] {strides = array<i32>} : memref<128x64xf32, #tpu.memory_space<vmem>>, vector<16xf32>,
        tpu.vector_store %arg12[%swap3A_66, %swap3A_67], %mul3A_65 {strides = array<i32>} : memref<128x64xf32, #tpu.memory_space<vmem>>, vector<16xf32>,
        %add3A_69 = arith.constant 0 : i32
        %add3A_70 = arith.addi %add3A_40, %add3A_69 : i32
        %get3A_71 = arith.index_cast %add3A_70 : i32 to index
        %get3A_72 = arith.constant 48 : index
        %get3A_73 = tpu.vector_load %arg12[%get3A_71, %get3A_72] {strides = array<i32>} : memref<128x64xf32, #tpu.memory_space<vmem>>, vector<16xf32>,
        %mul3A_74 = arith.mulf %get3A_73, %gather3A : vector<16xf32>
        %swap3A_75 = arith.index_cast %add3A_70 : i32 to index
        %swap3A_76 = arith.constant 48 : index
        %swap3A_77 = tpu.vector_load %arg12[%swap3A_75, %swap3A_76] {strides = array<i32>} : memref<128x64xf32, #tpu.memory_space<vmem>>, vector<16xf32>,
        tpu.vector_store %arg12[%swap3A_75, %swap3A_76], %mul3A_74 {strides = array<i32>} : memref<128x64xf32, #tpu.memory_space<vmem>>, vector<16xf32>,
        %add3A_78 = arith.constant 1 : i32
        %add3A_79 = arith.addi %add3A_40, %add3A_78 : i32
        %broadcast_in_dim3A_80 = vector.broadcast %add3A_79 : i32 to vector<16xi32>
        %gather3A_81 = tpu.vector_load_idx %arg11[%broadcast_in_dim3A, %broadcast_in_dim3A_80] : memref<80x128xf32, #tpu.memory_space<vmem>>[vector<16xi32>, vector<16xi32>], vector<16xf32>,
        %add3A_82 = arith.constant 1 : i32
        %add3A_83 = arith.addi %add3A_40, %add3A_82 : i32
        %get3A_84 = arith.index_cast %add3A_83 : i32 to index
        %get3A_85 = arith.constant 0 : index
        %get3A_86 = tpu.vector_load %arg12[%get3A_84, %get3A_85] {strides = array<i32>} : memref<128x64xf32, #tpu.memory_space<vmem>>, vector<16xf32>,
        %mul3A_87 = arith.mulf %get3A_86, %gather3A_81 : vector<16xf32>
        %swap3A_88 = arith.index_cast %add3A_83 : i32 to index
        %swap3A_89 = arith.constant 0 : index
        %swap3A_90 = tpu.vector_load %arg12[%swap3A_88, %swap3A_89] {strides = array<i32>} : memref<128x64xf32, #tpu.memory_space<vmem>>, vector<16xf32>,
        tpu.vector_store %arg12[%swap3A_88, %swap3A_89], %mul3A_87 {strides = array<i32>} : memref<128x64xf32, #tpu.memory_space<vmem>>, vector<16xf32>,
        %add3A_91 = arith.constant 1 : i32
        %add3A_92 = arith.addi %add3A_40, %add3A_91 : i32
        %get3A_93 = arith.index_cast %add3A_92 : i32 to index
        %get3A_94 = arith.constant 16 : index
        %get3A_95 = tpu.vector_load %arg12[%get3A_93, %get3A_94] {strides = array<i32>} : memref<128x64xf32, #tpu.memory_space<vmem>>, vector<16xf32>,
        %mul3A_96 = arith.mulf %get3A_95, %gather3A_81 : vector<16xf32>
        %swap3A_97 = arith.index_cast %add3A_92 : i32 to index
        %swap3A_98 = arith.constant 16 : index
        %swap3A_99 = tpu.vector_load %arg12[%swap3A_97, %swap3A_98] {strides = array<i32>} : memref<128x64xf32, #tpu.memory_space<vmem>>, vector<16xf32>,
        tpu.vector_store %arg12[%swap3A_97, %swap3A_98], %mul3A_96 {strides = array<i32>} : memref<128x64xf32, #tpu.memory_space<vmem>>, vector<16xf32>,
        %add3A_100 = arith.constant 1 : i32
        %add3A_101 = arith.addi %add3A_40, %add3A_100 : i32
        %get3A_102 = arith.index_cast %add3A_101 : i32 to index
        %get3A_103 = arith.constant 32 : index
        %get3A_104 = tpu.vector_load %arg12[%get3A_102, %get3A_103] {strides = array<i32>} : memref<128x64xf32, #tpu.memory_space<vmem>>, vector<16xf32>,
        %mul3A_105 = arith.mulf %get3A_104, %gather3A_81 : vector<16xf32>
        %swap3A_106 = arith.index_cast %add3A_101 : i32 to index
        %swap3A_107 = arith.constant 32 : index
        %swap3A_108 = tpu.vector_load %arg12[%swap3A_106, %swap3A_107] {strides = array<i32>} : memref<128x64xf32, #tpu.memory_space<vmem>>, vector<16xf32>,
        tpu.vector_store %arg12[%swap3A_106, %swap3A_107], %mul3A_105 {strides = array<i32>} : memref<128x64xf32, #tpu.memory_space<vmem>>, vector<16xf32>,
        %add3A_109 = arith.constant 1 : i32
        %add3A_110 = arith.addi %add3A_40, %add3A_109 : i32
        %get3A_111 = arith.index_cast %add3A_110 : i32 to index
        %get3A_112 = arith.constant 48 : index
        %get3A_113 = tpu.vector_load %arg12[%get3A_111, %get3A_112] {strides = array<i32>} : memref<128x64xf32, #tpu.memory_space<vmem>>, vector<16xf32>,
        %mul3A_114 = arith.mulf %get3A_113, %gather3A_81 : vector<16xf32>
        %swap3A_115 = arith.index_cast %add3A_110 : i32 to index
        %swap3A_116 = arith.constant 48 : index
        %swap3A_117 = tpu.vector_load %arg12[%swap3A_115, %swap3A_116] {strides = array<i32>} : memref<128x64xf32, #tpu.memory_space<vmem>>, vector<16xf32>,
        tpu.vector_store %arg12[%swap3A_115, %swap3A_116], %mul3A_114 {strides = array<i32>} : memref<128x64xf32, #tpu.memory_space<vmem>>, vector<16xf32>,
        %add3A_118 = arith.constant 2 : i32
        %add3A_119 = arith.addi %add3A_40, %add3A_118 : i32
        %broadcast_in_dim3A_120 = vector.broadcast %add3A_119 : i32 to vector<16xi32>
        %gather3A_121 = tpu.vector_load_idx %arg11[%broadcast_in_dim3A, %broadcast_in_dim3A_120] : memref<80x128xf32, #tpu.memory_space<vmem>>[vector<16xi32>, vector<16xi32>], vector<16xf32>,
        %add3A_122 = arith.constant 2 : i32
        %add3A_123 = arith.addi %add3A_40, %add3A_122 : i32
        %get3A_124 = arith.index_cast %add3A_123 : i32 to index
        %get3A_125 = arith.constant 0 : index
        %get3A_126 = tpu.vector_load %arg12[%get3A_124, %get3A_125] {strides = array<i32>} : memref<128x64xf32, #tpu.memory_space<vmem>>, vector<16xf32>,
        %mul3A_127 = arith.mulf %get3A_126, %gather3A_121 : vector<16xf32>
        %swap3A_128 = arith.index_cast %add3A_123 : i32 to index
        %swap3A_129 = arith.constant 0 : index
        %swap3A_130 = tpu.vector_load %arg12[%swap3A_128, %swap3A_129] {strides = array<i32>} : memref<128x64xf32, #tpu.memory_space<vmem>>, vector<16xf32>,
        tpu.vector_store %arg12[%swap3A_128, %swap3A_129], %mul3A_127 {strides = array<i32>} : memref<128x64xf32, #tpu.memory_space<vmem>>, vector<16xf32>,
        %add3A_131 = arith.constant 2 : i32
        %add3A_132 = arith.addi %add3A_40, %add3A_131 : i32
        %get3A_133 = arith.index_cast %add3A_132 : i32 to index
        %get3A_134 = arith.constant 16 : index
        %get3A_135 = tpu.vector_load %arg12[%get3A_133, %get3A_134] {strides = array<i32>} : memref<128x64xf32, #tpu.memory_space<vmem>>, vector<16xf32>,
        %mul3A_136 = arith.mulf %get3A_135, %gather3A_121 : vector<16xf32>
        %swap3A_137 = arith.index_cast %add3A_132 : i32 to index
        %swap3A_138 = arith.constant 16 : index
        %swap3A_139 = tpu.vector_load %arg12[%swap3A_137, %swap3A_138] {strides = array<i32>} : memref<128x64xf32, #tpu.memory_space<vmem>>, vector<16xf32>,
        tpu.vector_store %arg12[%swap3A_137, %swap3A_138], %mul3A_136 {strides = array<i32>} : memref<128x64xf32, #tpu.memory_space<vmem>>, vector<16xf32>,
        %add3A_140 = arith.constant 2 : i32
        %add3A_141 = arith.addi %add3A_40, %add3A_140 : i32
        %get3A_142 = arith.index_cast %add3A_141 : i32 to index
        %get3A_143 = arith.constant 32 : index
        %get3A_144 = tpu.vector_load %arg12[%get3A_142, %get3A_143] {strides = array<i32>} : memref<128x64xf32, #tpu.memory_space<vmem>>, vector<16xf32>,
        %mul3A_145 = arith.mulf %get3A_144, %gather3A_121 : vector<16xf32>
        %swap3A_146 = arith.index_cast %add3A_141 : i32 to index
        %swap3A_147 = arith.constant 32 : index
        %swap3A_148 = tpu.vector_load %arg12[%swap3A_146, %swap3A_147] {strides = array<i32>} : memref<128x64xf32, #tpu.memory_space<vmem>>, vector<16xf32>,
        tpu.vector_store %arg12[%swap3A_146, %swap3A_147], %mul3A_145 {strides = array<i32>} : memref<128x64xf32, #tpu.memory_space<vmem>>, vector<16xf32>,
        %add3A_149 = arith.constant 2 : i32
        %add3A_150 = arith.addi %add3A_40, %add3A_149 : i32
        %get3A_151 = arith.index_cast %add3A_150 : i32 to index
        %get3A_152 = arith.constant 48 : index
        %get3A_153 = tpu.vector_load %arg12[%get3A_151, %get3A_152] {strides = array<i32>} : memref<128x64xf32, #tpu.memory_space<vmem>>, vector<16xf32>,
        %mul3A_154 = arith.mulf %get3A_153, %gather3A_121 : vector<16xf32>
        %swap3A_155 = arith.index_cast %add3A_150 : i32 to index
        %swap3A_156 = arith.constant 48 : index
        %swap3A_157 = tpu.vector_load %arg12[%swap3A_155, %swap3A_156] {strides = array<i32>} : memref<128x64xf32, #tpu.memory_space<vmem>>, vector<16xf32>,
        tpu.vector_store %arg12[%swap3A_155, %swap3A_156], %mul3A_154 {strides = array<i32>} : memref<128x64xf32, #tpu.memory_space<vmem>>, vector<16xf32>,
        %add3A_158 = arith.constant 3 : i32
        %add3A_159 = arith.addi %add3A_40, %add3A_158 : i32
        %broadcast_in_dim3A_160 = vector.broadcast %add3A_159 : i32 to vector<16xi32>
        %gather3A_161 = tpu.vector_load_idx %arg11[%broadcast_in_dim3A, %broadcast_in_dim3A_160] : memref<80x128xf32, #tpu.memory_space<vmem>>[vector<16xi32>, vector<16xi32>], vector<16xf32>,
        %add3A_162 = arith.constant 3 : i32
        %add3A_163 = arith.addi %add3A_40, %add3A_162 : i32
        %get3A_164 = arith.index_cast %add3A_163 : i32 to index
        %get3A_165 = arith.constant 0 : index
        %get3A_166 = tpu.vector_load %arg12[%get3A_164, %get3A_165] {strides = array<i32>} : memref<128x64xf32, #tpu.memory_space<vmem>>, vector<16xf32>,
        %mul3A_167 = arith.mulf %get3A_166, %gather3A_161 : vector<16xf32>
        %swap3A_168 = arith.index_cast %add3A_163 : i32 to index
        %swap3A_169 = arith.constant 0 : index
        %swap3A_170 = tpu.vector_load %arg12[%swap3A_168, %swap3A_169] {strides = array<i32>} : memref<128x64xf32, #tpu.memory_space<vmem>>, vector<16xf32>,
        tpu.vector_store %arg12[%swap3A_168, %swap3A_169], %mul3A_167 {strides = array<i32>} : memref<128x64xf32, #tpu.memory_space<vmem>>, vector<16xf32>,
        %add3A_171 = arith.constant 3 : i32
        %add3A_172 = arith.addi %add3A_40, %add3A_171 : i32
        %get3A_173 = arith.index_cast %add3A_172 : i32 to index
        %get3A_174 = arith.constant 16 : index
        %get3A_175 = tpu.vector_load %arg12[%get3A_173, %get3A_174] {strides = array<i32>} : memref<128x64xf32, #tpu.memory_space<vmem>>, vector<16xf32>,
        %mul3A_176 = arith.mulf %get3A_175, %gather3A_161 : vector<16xf32>
        %swap3A_177 = arith.index_cast %add3A_172 : i32 to index
        %swap3A_178 = arith.constant 16 : index
        %swap3A_179 = tpu.vector_load %arg12[%swap3A_177, %swap3A_178] {strides = array<i32>} : memref<128x64xf32, #tpu.memory_space<vmem>>, vector<16xf32>,
        tpu.vector_store %arg12[%swap3A_177, %swap3A_178], %mul3A_176 {strides = array<i32>} : memref<128x64xf32, #tpu.memory_space<vmem>>, vector<16xf32>,
        %add3A_180 = arith.constant 3 : i32
        %add3A_181 = arith.addi %add3A_40, %add3A_180 : i32
        %get3A_182 = arith.index_cast %add3A_181 : i32 to index
        %get3A_183 = arith.constant 32 : index
        %get3A_184 = tpu.vector_load %arg12[%get3A_182, %get3A_183] {strides = array<i32>} : memref<128x64xf32, #tpu.memory_space<vmem>>, vector<16xf32>,
        %mul3A_185 = arith.mulf %get3A_184, %gather3A_161 : vector<16xf32>
        %swap3A_186 = arith.index_cast %add3A_181 : i32 to index
        %swap3A_187 = arith.constant 32 : index
        %swap3A_188 = tpu.vector_load %arg12[%swap3A_186, %swap3A_187] {strides = array<i32>} : memref<128x64xf32, #tpu.memory_space<vmem>>, vector<16xf32>,
        tpu.vector_store %arg12[%swap3A_186, %swap3A_187], %mul3A_185 {strides = array<i32>} : memref<128x64xf32, #tpu.memory_space<vmem>>, vector<16xf32>,
        %add3A_189 = arith.constant 3 : i32
        %add3A_190 = arith.addi %add3A_40, %add3A_189 : i32
        %get3A_191 = arith.index_cast %add3A_190 : i32 to index
        %get3A_192 = arith.constant 48 : index
        %get3A_193 = tpu.vector_load %arg12[%get3A_191, %get3A_192] {strides = array<i32>} : memref<128x64xf32, #tpu.memory_space<vmem>>, vector<16xf32>,
        %mul3A_194 = arith.mulf %get3A_193, %gather3A_161 : vector<16xf32>
        %swap3A_195 = arith.index_cast %add3A_190 : i32 to index
        %swap3A_196 = arith.constant 48 : index
        %swap3A_197 = tpu.vector_load %arg12[%swap3A_195, %swap3A_196] {strides = array<i32>} : memref<128x64xf32, #tpu.memory_space<vmem>>, vector<16xf32>,
        tpu.vector_store %arg12[%swap3A_195, %swap3A_196], %mul3A_194 {strides = array<i32>} : memref<128x64xf32, #tpu.memory_space<vmem>>, vector<16xf32>,
      }
      %scan3A_35 = arith.constant 32 : i32
      "tpu.region"() ({
        %run_scoped3A_36 = tpu.sem_alloc : memref<!tpu.dma_semaphore, #tpu.memory_space<semaphore_mem>>
        %dma_start3A = arith.constant 0 : i32
        %dma_start3A_37 = tpu.memref_slice %arg10[%add3A_30, %dma_start3A] : memref<80x128xi32, #tpu.memory_space<vmem>> -> memref<1x128xi32, #tpu.memory_space<vmem>>
        %dma_start3A_38 = tpu.memref_squeeze %dma_start3A_37 : memref<1x128xi32, #tpu.memory_space<vmem>> -> memref<128xi32, #tpu.memory_space<vmem>>
        %dma_start3A_39 = arith.constant 0 : i32
        %dma_start3A_40 = arith.constant 0 : i32
        %dma_start3A_41 = tpu.memref_slice %arg13[%dma_start3A_39, %dma_start3A_40] : memref<10240x64xf32, #tpu.memory_space<vmem_shared>> -> memref<10240x64xf32, #tpu.memory_space<vmem_shared>>
        tpu.enqueue_indirect_dma source(%arg12 : memref<128x64xf32, #tpu.memory_space<vmem>>) target(%dma_start3A_41 : memref<10240x64xf32, #tpu.memory_space<vmem_shared>>) offsets(%dma_start3A_38 : memref<128xi32, #tpu.memory_space<vmem>>) semaphore(%run_scoped3A_36 : memref<!tpu.dma_semaphore, #tpu.memory_space<semaphore_mem>>) {add = true}
        %dma_wait3A = arith.constant 0 : i32
        %dma_wait3A_42 = tpu.memref_slice %arg10[%add3A_30, %dma_wait3A] : memref<80x128xi32, #tpu.memory_space<vmem>> -> memref<1x128xi32, #tpu.memory_space<vmem>>
        %dma_wait3A_43 = tpu.memref_squeeze %dma_wait3A_42 : memref<1x128xi32, #tpu.memory_space<vmem>> -> memref<128xi32, #tpu.memory_space<vmem>>
        %dma_wait3A_44 = arith.constant 0 : i32
        %dma_wait3A_45 = arith.constant 0 : i32
        %dma_wait3A_46 = tpu.memref_slice %arg13[%dma_wait3A_44, %dma_wait3A_45] : memref<10240x64xf32, #tpu.memory_space<vmem_shared>> -> memref<10240x64xf32, #tpu.memory_space<vmem_shared>>
        tpu.wait_indirect_dma semaphore(%run_scoped3A_36 : memref<!tpu.dma_semaphore, #tpu.memory_space<semaphore_mem>>) src(%arg12 : memref<128x64xf32, #tpu.memory_space<vmem>>) dst(%dma_wait3A_46 : memref<10240x64xf32, #tpu.memory_space<vmem_shared>>)
        tpu.yield
      }) : () -> ()
    }
    %scan3A_6 = arith.constant 80 : i32
    %barrier3A_7 = arith.constant 0 : index
    tpu.barrier barrier_id(%barrier3A_7)
    %mul3A_8 = arith.constant 640 : i32
    %mul3A_9 = arith.muli %arg1, %mul3A_8 : i32
    %mul3A_10 = arith.constant 640 : i32
    %mul3A_11 = arith.muli %arg1, %mul3A_10 : i32
    %run_scoped3A = arith.constant 0 : i32
    "tpu.region"() ({
      %run_scoped3A_26 = tpu.sem_alloc : memref<!tpu.dma_semaphore, #tpu.memory_space<semaphore_mem>>
      %dma_start3A = arith.constant 0 : i32
      %dma_start3A_27 = tpu.memref_slice %arg8[%arg0, %run_scoped3A, %mul3A_11, %dma_start3A] : memref<2x2x10240x64xf32, #tpu.memory_space<hbm>> -> memref<1x1x640x64xf32, #tpu.memory_space<hbm>>
      %dma_start3A_28 = tpu.memref_squeeze %dma_start3A_27 : memref<1x1x640x64xf32, #tpu.memory_space<hbm>> -> memref<640x64xf32, #tpu.memory_space<hbm>>
      %dma_start3A_29 = arith.constant 0 : i32
      %dma_start3A_30 = tpu.memref_slice %arg13[%mul3A_9, %dma_start3A_29] : memref<10240x64xf32, #tpu.memory_space<vmem_shared>> -> memref<640x64xf32, #tpu.memory_space<vmem_shared>>
      tpu.enqueue_dma source(%dma_start3A_30 : memref<640x64xf32, #tpu.memory_space<vmem_shared>>) target(%dma_start3A_28 : memref<640x64xf32, #tpu.memory_space<hbm>>) target_semaphore(%run_scoped3A_26 : memref<!tpu.dma_semaphore, #tpu.memory_space<semaphore_mem>>)
      %dma_wait3A = arith.constant 0 : i32
      %dma_wait3A_31 = tpu.memref_slice %arg8[%arg0, %run_scoped3A, %mul3A_11, %dma_wait3A] : memref<2x2x10240x64xf32, #tpu.memory_space<hbm>> -> memref<1x1x640x64xf32, #tpu.memory_space<hbm>>
      %dma_wait3A_32 = tpu.memref_squeeze %dma_wait3A_31 : memref<1x1x640x64xf32, #tpu.memory_space<hbm>> -> memref<640x64xf32, #tpu.memory_space<hbm>>
      %dma_wait3A_33 = arith.constant 0 : i32
      %dma_wait3A_34 = tpu.memref_slice %arg13[%mul3A_9, %dma_wait3A_33] : memref<10240x64xf32, #tpu.memory_space<vmem_shared>> -> memref<640x64xf32, #tpu.memory_space<vmem_shared>>
      tpu.wait_dma2 semaphore(%run_scoped3A_26 : memref<!tpu.dma_semaphore, #tpu.memory_space<semaphore_mem>>) src(%dma_wait3A_34 : memref<640x64xf32, #tpu.memory_space<vmem_shared>>) dst(%dma_wait3A_32 : memref<640x64xf32, #tpu.memory_space<hbm>>)
      tpu.yield
    }) : () -> ()
    %mul3A_12 = arith.constant 640 : i32
    %mul3A_13 = arith.muli %arg1, %mul3A_12 : i32
    "tpu.region"() ({
      %run_scoped3A_26 = tpu.sem_alloc : memref<!tpu.dma_semaphore, #tpu.memory_space<semaphore_mem>>
      %dma_start3A = arith.constant 0 : i32
      %dma_start3A_27 = tpu.memref_slice %arg13[%mul3A_13, %dma_start3A] : memref<10240x64xf32, #tpu.memory_space<vmem_shared>> -> memref<640x64xf32, #tpu.memory_space<vmem_shared>>
      tpu.enqueue_dma source(%arg7 : memref<640x64xf32, #tpu.memory_space<hbm>>) target(%dma_start3A_27 : memref<640x64xf32, #tpu.memory_space<vmem_shared>>) target_semaphore(%run_scoped3A_26 : memref<!tpu.dma_semaphore, #tpu.memory_space<semaphore_mem>>)
      %dma_wait3A = arith.constant 0 : i32
      %dma_wait3A_28 = tpu.memref_slice %arg13[%mul3A_13, %dma_wait3A] : memref<10240x64xf32, #tpu.memory_space<vmem_shared>> -> memref<640x64xf32, #tpu.memory_space<vmem_shared>>
      tpu.wait_dma2 semaphore(%run_scoped3A_26 : memref<!tpu.dma_semaphore, #tpu.memory_space<semaphore_mem>>) src(%arg7 : memref<640x64xf32, #tpu.memory_space<hbm>>) dst(%dma_wait3A_28 : memref<640x64xf32, #tpu.memory_space<vmem_shared>>)
      tpu.yield
    }) : () -> ()
    %barrier3A_14 = arith.constant 0 : index
    tpu.barrier barrier_id(%barrier3A_14)
    %scan3A_15 = arith.constant 0 : i32
    %scan3A_16 = arith.constant 80 : i32
    %scan3A_17 = arith.addi %scan3A_15, %scan3A_16 : i32
    %scan3A_18 = arith.constant 1 : i32
    scf.for %scan3A_26 = %scan3A_15 to %scan3A_17 step %scan3A_18  : i32 {
      %mul3A_27 = arith.constant 1 : i32
      %mul3A_28 = arith.muli %scan3A_26, %mul3A_27 : i32
      %add3A_29 = arith.constant 0 : i32
      %add3A_30 = arith.addi %add3A_29, %mul3A_28 : i32
      "tpu.region"() ({
        %run_scoped3A_36 = tpu.sem_alloc : memref<!tpu.dma_semaphore, #tpu.memory_space<semaphore_mem>>
        %dma_start3A = arith.constant 0 : i32
        %dma_start3A_37 = tpu.memref_slice %arg9[%add3A_30, %dma_start3A] : memref<80x128xi32, #tpu.memory_space<vmem>> -> memref<1x128xi32, #tpu.memory_space<vmem>>
        %dma_start3A_38 = tpu.memref_squeeze %dma_start3A_37 : memref<1x128xi32, #tpu.memory_space<vmem>> -> memref<128xi32, #tpu.memory_space<vmem>>
        %dma_start3A_39 = arith.constant 0 : i32
        %dma_start3A_40 = arith.constant 0 : i32
        %dma_start3A_41 = tpu.memref_slice %arg3[%dma_start3A_39, %dma_start3A_40] : memref<10000x64xf32, #tpu.memory_space<hbm>> -> memref<10000x64xf32, #tpu.memory_space<hbm>>
        tpu.enqueue_indirect_dma source(%dma_start3A_41 : memref<10000x64xf32, #tpu.memory_space<hbm>>) target(%arg12 : memref<128x64xf32, #tpu.memory_space<vmem>>) offsets(%dma_start3A_38 : memref<128xi32, #tpu.memory_space<vmem>>) semaphore(%run_scoped3A_36 : memref<!tpu.dma_semaphore, #tpu.memory_space<semaphore_mem>>)
        %dma_wait3A = arith.constant 0 : i32
        %dma_wait3A_42 = tpu.memref_slice %arg9[%add3A_30, %dma_wait3A] : memref<80x128xi32, #tpu.memory_space<vmem>> -> memref<1x128xi32, #tpu.memory_space<vmem>>
        %dma_wait3A_43 = tpu.memref_squeeze %dma_wait3A_42 : memref<1x128xi32, #tpu.memory_space<vmem>> -> memref<128xi32, #tpu.memory_space<vmem>>
        %dma_wait3A_44 = arith.constant 0 : i32
        %dma_wait3A_45 = arith.constant 0 : i32
        %dma_wait3A_46 = tpu.memref_slice %arg3[%dma_wait3A_44, %dma_wait3A_45] : memref<10000x64xf32, #tpu.memory_space<hbm>> -> memref<10000x64xf32, #tpu.memory_space<hbm>>
        tpu.wait_indirect_dma semaphore(%run_scoped3A_36 : memref<!tpu.dma_semaphore, #tpu.memory_space<semaphore_mem>>) src(%dma_wait3A_46 : memref<10000x64xf32, #tpu.memory_space<hbm>>) dst(%arg12 : memref<128x64xf32, #tpu.memory_space<vmem>>)
        tpu.yield
      }) : () -> ()
      %broadcast_in_dim3A = vector.broadcast %add3A_30 : i32 to vector<16xi32>
      %scan3A_31 = arith.constant 0 : i32
      %scan3A_32 = arith.constant 32 : i32
      %scan3A_33 = arith.addi %scan3A_31, %scan3A_32 : i32
      %scan3A_34 = arith.constant 1 : i32
      scf.for %scan3A_36 = %scan3A_31 to %scan3A_33 step %scan3A_34  : i32 {
        %mul3A_37 = arith.constant 4 : i32
        %mul3A_38 = arith.muli %scan3A_36, %mul3A_37 : i32
        %add3A_39 = arith.constant 0 : i32
        %add3A_40 = arith.addi %add3A_39, %mul3A_38 : i32
        %add3A_41 = arith.constant 0 : i32
        %add3A_42 = arith.addi %add3A_40, %add3A_41 : i32
        %broadcast_in_dim3A_43 = vector.broadcast %add3A_42 : i32 to vector<16xi32>
        %gather3A = tpu.vector_load_idx %arg11[%broadcast_in_dim3A, %broadcast_in_dim3A_43] : memref<80x128xf32, #tpu.memory_space<vmem>>[vector<16xi32>, vector<16xi32>], vector<16xf32>,
        %add3A_44 = arith.constant 0 : i32
        %add3A_45 = arith.addi %add3A_40, %add3A_44 : i32
        %get3A = arith.index_cast %add3A_45 : i32 to index
        %get3A_46 = arith.constant 0 : index
        %get3A_47 = tpu.vector_load %arg12[%get3A, %get3A_46] {strides = array<i32>} : memref<128x64xf32, #tpu.memory_space<vmem>>, vector<16xf32>,
        %mul3A_48 = arith.mulf %get3A_47, %gather3A : vector<16xf32>
        %swap3A = arith.index_cast %add3A_45 : i32 to index
        %swap3A_49 = arith.constant 0 : index
        %swap3A_50 = tpu.vector_load %arg12[%swap3A, %swap3A_49] {strides = array<i32>} : memref<128x64xf32, #tpu.memory_space<vmem>>, vector<16xf32>,
        tpu.vector_store %arg12[%swap3A, %swap3A_49], %mul3A_48 {strides = array<i32>} : memref<128x64xf32, #tpu.memory_space<vmem>>, vector<16xf32>,
        %add3A_51 = arith.constant 0 : i32
        %add3A_52 = arith.addi %add3A_40, %add3A_51 : i32
        %get3A_53 = arith.index_cast %add3A_52 : i32 to index
        %get3A_54 = arith.constant 16 : index
        %get3A_55 = tpu.vector_load %arg12[%get3A_53, %get3A_54] {strides = array<i32>} : memref<128x64xf32, #tpu.memory_space<vmem>>, vector<16xf32>,
        %mul3A_56 = arith.mulf %get3A_55, %gather3A : vector<16xf32>
        %swap3A_57 = arith.index_cast %add3A_52 : i32 to index
        %swap3A_58 = arith.constant 16 : index
        %swap3A_59 = tpu.vector_load %arg12[%swap3A_57, %swap3A_58] {strides = array<i32>} : memref<128x64xf32, #tpu.memory_space<vmem>>, vector<16xf32>,
        tpu.vector_store %arg12[%swap3A_57, %swap3A_58], %mul3A_56 {strides = array<i32>} : memref<128x64xf32, #tpu.memory_space<vmem>>, vector<16xf32>,
        %add3A_60 = arith.constant 0 : i32
        %add3A_61 = arith.addi %add3A_40, %add3A_60 : i32
        %get3A_62 = arith.index_cast %add3A_61 : i32 to index
        %get3A_63 = arith.constant 32 : index
        %get3A_64 = tpu.vector_load %arg12[%get3A_62, %get3A_63] {strides = array<i32>} : memref<128x64xf32, #tpu.memory_space<vmem>>, vector<16xf32>,
        %mul3A_65 = arith.mulf %get3A_64, %gather3A : vector<16xf32>
        %swap3A_66 = arith.index_cast %add3A_61 : i32 to index
        %swap3A_67 = arith.constant 32 : index
        %swap3A_68 = tpu.vector_load %arg12[%swap3A_66, %swap3A_67] {strides = array<i32>} : memref<128x64xf32, #tpu.memory_space<vmem>>, vector<16xf32>,
        tpu.vector_store %arg12[%swap3A_66, %swap3A_67], %mul3A_65 {strides = array<i32>} : memref<128x64xf32, #tpu.memory_space<vmem>>, vector<16xf32>,
        %add3A_69 = arith.constant 0 : i32
        %add3A_70 = arith.addi %add3A_40, %add3A_69 : i32
        %get3A_71 = arith.index_cast %add3A_70 : i32 to index
        %get3A_72 = arith.constant 48 : index
        %get3A_73 = tpu.vector_load %arg12[%get3A_71, %get3A_72] {strides = array<i32>} : memref<128x64xf32, #tpu.memory_space<vmem>>, vector<16xf32>,
        %mul3A_74 = arith.mulf %get3A_73, %gather3A : vector<16xf32>
        %swap3A_75 = arith.index_cast %add3A_70 : i32 to index
        %swap3A_76 = arith.constant 48 : index
        %swap3A_77 = tpu.vector_load %arg12[%swap3A_75, %swap3A_76] {strides = array<i32>} : memref<128x64xf32, #tpu.memory_space<vmem>>, vector<16xf32>,
        tpu.vector_store %arg12[%swap3A_75, %swap3A_76], %mul3A_74 {strides = array<i32>} : memref<128x64xf32, #tpu.memory_space<vmem>>, vector<16xf32>,
        %add3A_78 = arith.constant 1 : i32
        %add3A_79 = arith.addi %add3A_40, %add3A_78 : i32
        %broadcast_in_dim3A_80 = vector.broadcast %add3A_79 : i32 to vector<16xi32>
        %gather3A_81 = tpu.vector_load_idx %arg11[%broadcast_in_dim3A, %broadcast_in_dim3A_80] : memref<80x128xf32, #tpu.memory_space<vmem>>[vector<16xi32>, vector<16xi32>], vector<16xf32>,
        %add3A_82 = arith.constant 1 : i32
        %add3A_83 = arith.addi %add3A_40, %add3A_82 : i32
        %get3A_84 = arith.index_cast %add3A_83 : i32 to index
        %get3A_85 = arith.constant 0 : index
        %get3A_86 = tpu.vector_load %arg12[%get3A_84, %get3A_85] {strides = array<i32>} : memref<128x64xf32, #tpu.memory_space<vmem>>, vector<16xf32>,
        %mul3A_87 = arith.mulf %get3A_86, %gather3A_81 : vector<16xf32>
        %swap3A_88 = arith.index_cast %add3A_83 : i32 to index
        %swap3A_89 = arith.constant 0 : index
        %swap3A_90 = tpu.vector_load %arg12[%swap3A_88, %swap3A_89] {strides = array<i32>} : memref<128x64xf32, #tpu.memory_space<vmem>>, vector<16xf32>,
        tpu.vector_store %arg12[%swap3A_88, %swap3A_89], %mul3A_87 {strides = array<i32>} : memref<128x64xf32, #tpu.memory_space<vmem>>, vector<16xf32>,
        %add3A_91 = arith.constant 1 : i32
        %add3A_92 = arith.addi %add3A_40, %add3A_91 : i32
        %get3A_93 = arith.index_cast %add3A_92 : i32 to index
        %get3A_94 = arith.constant 16 : index
        %get3A_95 = tpu.vector_load %arg12[%get3A_93, %get3A_94] {strides = array<i32>} : memref<128x64xf32, #tpu.memory_space<vmem>>, vector<16xf32>,
        %mul3A_96 = arith.mulf %get3A_95, %gather3A_81 : vector<16xf32>
        %swap3A_97 = arith.index_cast %add3A_92 : i32 to index
        %swap3A_98 = arith.constant 16 : index
        %swap3A_99 = tpu.vector_load %arg12[%swap3A_97, %swap3A_98] {strides = array<i32>} : memref<128x64xf32, #tpu.memory_space<vmem>>, vector<16xf32>,
        tpu.vector_store %arg12[%swap3A_97, %swap3A_98], %mul3A_96 {strides = array<i32>} : memref<128x64xf32, #tpu.memory_space<vmem>>, vector<16xf32>,
        %add3A_100 = arith.constant 1 : i32
        %add3A_101 = arith.addi %add3A_40, %add3A_100 : i32
        %get3A_102 = arith.index_cast %add3A_101 : i32 to index
        %get3A_103 = arith.constant 32 : index
        %get3A_104 = tpu.vector_load %arg12[%get3A_102, %get3A_103] {strides = array<i32>} : memref<128x64xf32, #tpu.memory_space<vmem>>, vector<16xf32>,
        %mul3A_105 = arith.mulf %get3A_104, %gather3A_81 : vector<16xf32>
        %swap3A_106 = arith.index_cast %add3A_101 : i32 to index
        %swap3A_107 = arith.constant 32 : index
        %swap3A_108 = tpu.vector_load %arg12[%swap3A_106, %swap3A_107] {strides = array<i32>} : memref<128x64xf32, #tpu.memory_space<vmem>>, vector<16xf32>,
        tpu.vector_store %arg12[%swap3A_106, %swap3A_107], %mul3A_105 {strides = array<i32>} : memref<128x64xf32, #tpu.memory_space<vmem>>, vector<16xf32>,
        %add3A_109 = arith.constant 1 : i32
        %add3A_110 = arith.addi %add3A_40, %add3A_109 : i32
        %get3A_111 = arith.index_cast %add3A_110 : i32 to index
        %get3A_112 = arith.constant 48 : index
        %get3A_113 = tpu.vector_load %arg12[%get3A_111, %get3A_112] {strides = array<i32>} : memref<128x64xf32, #tpu.memory_space<vmem>>, vector<16xf32>,
        %mul3A_114 = arith.mulf %get3A_113, %gather3A_81 : vector<16xf32>
        %swap3A_115 = arith.index_cast %add3A_110 : i32 to index
        %swap3A_116 = arith.constant 48 : index
        %swap3A_117 = tpu.vector_load %arg12[%swap3A_115, %swap3A_116] {strides = array<i32>} : memref<128x64xf32, #tpu.memory_space<vmem>>, vector<16xf32>,
        tpu.vector_store %arg12[%swap3A_115, %swap3A_116], %mul3A_114 {strides = array<i32>} : memref<128x64xf32, #tpu.memory_space<vmem>>, vector<16xf32>,
        %add3A_118 = arith.constant 2 : i32
        %add3A_119 = arith.addi %add3A_40, %add3A_118 : i32
        %broadcast_in_dim3A_120 = vector.broadcast %add3A_119 : i32 to vector<16xi32>
        %gather3A_121 = tpu.vector_load_idx %arg11[%broadcast_in_dim3A, %broadcast_in_dim3A_120] : memref<80x128xf32, #tpu.memory_space<vmem>>[vector<16xi32>, vector<16xi32>], vector<16xf32>,
        %add3A_122 = arith.constant 2 : i32
        %add3A_123 = arith.addi %add3A_40, %add3A_122 : i32
        %get3A_124 = arith.index_cast %add3A_123 : i32 to index
        %get3A_125 = arith.constant 0 : index
        %get3A_126 = tpu.vector_load %arg12[%get3A_124, %get3A_125] {strides = array<i32>} : memref<128x64xf32, #tpu.memory_space<vmem>>, vector<16xf32>,
        %mul3A_127 = arith.mulf %get3A_126, %gather3A_121 : vector<16xf32>
        %swap3A_128 = arith.index_cast %add3A_123 : i32 to index
        %swap3A_129 = arith.constant 0 : index
        %swap3A_130 = tpu.vector_load %arg12[%swap3A_128, %swap3A_129] {strides = array<i32>} : memref<128x64xf32, #tpu.memory_space<vmem>>, vector<16xf32>,
        tpu.vector_store %arg12[%swap3A_128, %swap3A_129], %mul3A_127 {strides = array<i32>} : memref<128x64xf32, #tpu.memory_space<vmem>>, vector<16xf32>,
        %add3A_131 = arith.constant 2 : i32
        %add3A_132 = arith.addi %add3A_40, %add3A_131 : i32
        %get3A_133 = arith.index_cast %add3A_132 : i32 to index
        %get3A_134 = arith.constant 16 : index
        %get3A_135 = tpu.vector_load %arg12[%get3A_133, %get3A_134] {strides = array<i32>} : memref<128x64xf32, #tpu.memory_space<vmem>>, vector<16xf32>,
        %mul3A_136 = arith.mulf %get3A_135, %gather3A_121 : vector<16xf32>
        %swap3A_137 = arith.index_cast %add3A_132 : i32 to index
        %swap3A_138 = arith.constant 16 : index
        %swap3A_139 = tpu.vector_load %arg12[%swap3A_137, %swap3A_138] {strides = array<i32>} : memref<128x64xf32, #tpu.memory_space<vmem>>, vector<16xf32>,
        tpu.vector_store %arg12[%swap3A_137, %swap3A_138], %mul3A_136 {strides = array<i32>} : memref<128x64xf32, #tpu.memory_space<vmem>>, vector<16xf32>,
        %add3A_140 = arith.constant 2 : i32
        %add3A_141 = arith.addi %add3A_40, %add3A_140 : i32
        %get3A_142 = arith.index_cast %add3A_141 : i32 to index
        %get3A_143 = arith.constant 32 : index
        %get3A_144 = tpu.vector_load %arg12[%get3A_142, %get3A_143] {strides = array<i32>} : memref<128x64xf32, #tpu.memory_space<vmem>>, vector<16xf32>,
        %mul3A_145 = arith.mulf %get3A_144, %gather3A_121 : vector<16xf32>
        %swap3A_146 = arith.index_cast %add3A_141 : i32 to index
        %swap3A_147 = arith.constant 32 : index
        %swap3A_148 = tpu.vector_load %arg12[%swap3A_146, %swap3A_147] {strides = array<i32>} : memref<128x64xf32, #tpu.memory_space<vmem>>, vector<16xf32>,
        tpu.vector_store %arg12[%swap3A_146, %swap3A_147], %mul3A_145 {strides = array<i32>} : memref<128x64xf32, #tpu.memory_space<vmem>>, vector<16xf32>,
        %add3A_149 = arith.constant 2 : i32
        %add3A_150 = arith.addi %add3A_40, %add3A_149 : i32
        %get3A_151 = arith.index_cast %add3A_150 : i32 to index
        %get3A_152 = arith.constant 48 : index
        %get3A_153 = tpu.vector_load %arg12[%get3A_151, %get3A_152] {strides = array<i32>} : memref<128x64xf32, #tpu.memory_space<vmem>>, vector<16xf32>,
        %mul3A_154 = arith.mulf %get3A_153, %gather3A_121 : vector<16xf32>
        %swap3A_155 = arith.index_cast %add3A_150 : i32 to index
        %swap3A_156 = arith.constant 48 : index
        %swap3A_157 = tpu.vector_load %arg12[%swap3A_155, %swap3A_156] {strides = array<i32>} : memref<128x64xf32, #tpu.memory_space<vmem>>, vector<16xf32>,
        tpu.vector_store %arg12[%swap3A_155, %swap3A_156], %mul3A_154 {strides = array<i32>} : memref<128x64xf32, #tpu.memory_space<vmem>>, vector<16xf32>,
        %add3A_158 = arith.constant 3 : i32
        %add3A_159 = arith.addi %add3A_40, %add3A_158 : i32
        %broadcast_in_dim3A_160 = vector.broadcast %add3A_159 : i32 to vector<16xi32>
        %gather3A_161 = tpu.vector_load_idx %arg11[%broadcast_in_dim3A, %broadcast_in_dim3A_160] : memref<80x128xf32, #tpu.memory_space<vmem>>[vector<16xi32>, vector<16xi32>], vector<16xf32>,
        %add3A_162 = arith.constant 3 : i32
        %add3A_163 = arith.addi %add3A_40, %add3A_162 : i32
        %get3A_164 = arith.index_cast %add3A_163 : i32 to index
        %get3A_165 = arith.constant 0 : index
        %get3A_166 = tpu.vector_load %arg12[%get3A_164, %get3A_165] {strides = array<i32>} : memref<128x64xf32, #tpu.memory_space<vmem>>, vector<16xf32>,
        %mul3A_167 = arith.mulf %get3A_166, %gather3A_161 : vector<16xf32>
        %swap3A_168 = arith.index_cast %add3A_163 : i32 to index
        %swap3A_169 = arith.constant 0 : index
        %swap3A_170 = tpu.vector_load %arg12[%swap3A_168, %swap3A_169] {strides = array<i32>} : memref<128x64xf32, #tpu.memory_space<vmem>>, vector<16xf32>,
        tpu.vector_store %arg12[%swap3A_168, %swap3A_169], %mul3A_167 {strides = array<i32>} : memref<128x64xf32, #tpu.memory_space<vmem>>, vector<16xf32>,
        %add3A_171 = arith.constant 3 : i32
        %add3A_172 = arith.addi %add3A_40, %add3A_171 : i32
        %get3A_173 = arith.index_cast %add3A_172 : i32 to index
        %get3A_174 = arith.constant 16 : index
        %get3A_175 = tpu.vector_load %arg12[%get3A_173, %get3A_174] {strides = array<i32>} : memref<128x64xf32, #tpu.memory_space<vmem>>, vector<16xf32>,
        %mul3A_176 = arith.mulf %get3A_175, %gather3A_161 : vector<16xf32>
        %swap3A_177 = arith.index_cast %add3A_172 : i32 to index
        %swap3A_178 = arith.constant 16 : index
        %swap3A_179 = tpu.vector_load %arg12[%swap3A_177, %swap3A_178] {strides = array<i32>} : memref<128x64xf32, #tpu.memory_space<vmem>>, vector<16xf32>,
        tpu.vector_store %arg12[%swap3A_177, %swap3A_178], %mul3A_176 {strides = array<i32>} : memref<128x64xf32, #tpu.memory_space<vmem>>, vector<16xf32>,
        %add3A_180 = arith.constant 3 : i32
        %add3A_181 = arith.addi %add3A_40, %add3A_180 : i32
        %get3A_182 = arith.index_cast %add3A_181 : i32 to index
        %get3A_183 = arith.constant 32 : index
        %get3A_184 = tpu.vector_load %arg12[%get3A_182, %get3A_183] {strides = array<i32>} : memref<128x64xf32, #tpu.memory_space<vmem>>, vector<16xf32>,
        %mul3A_185 = arith.mulf %get3A_184, %gather3A_161 : vector<16xf32>
        %swap3A_186 = arith.index_cast %add3A_181 : i32 to index
        %swap3A_187 = arith.constant 32 : index
        %swap3A_188 = tpu.vector_load %arg12[%swap3A_186, %swap3A_187] {strides = array<i32>} : memref<128x64xf32, #tpu.memory_space<vmem>>, vector<16xf32>,
        tpu.vector_store %arg12[%swap3A_186, %swap3A_187], %mul3A_185 {strides = array<i32>} : memref<128x64xf32, #tpu.memory_space<vmem>>, vector<16xf32>,
        %add3A_189 = arith.constant 3 : i32
        %add3A_190 = arith.addi %add3A_40, %add3A_189 : i32
        %get3A_191 = arith.index_cast %add3A_190 : i32 to index
        %get3A_192 = arith.constant 48 : index
        %get3A_193 = tpu.vector_load %arg12[%get3A_191, %get3A_192] {strides = array<i32>} : memref<128x64xf32, #tpu.memory_space<vmem>>, vector<16xf32>,
        %mul3A_194 = arith.mulf %get3A_193, %gather3A_161 : vector<16xf32>
        %swap3A_195 = arith.index_cast %add3A_190 : i32 to index
        %swap3A_196 = arith.constant 48 : index
        %swap3A_197 = tpu.vector_load %arg12[%swap3A_195, %swap3A_196] {strides = array<i32>} : memref<128x64xf32, #tpu.memory_space<vmem>>, vector<16xf32>,
        tpu.vector_store %arg12[%swap3A_195, %swap3A_196], %mul3A_194 {strides = array<i32>} : memref<128x64xf32, #tpu.memory_space<vmem>>, vector<16xf32>,
      }
      %scan3A_35 = arith.constant 32 : i32
      "tpu.region"() ({
        %run_scoped3A_36 = tpu.sem_alloc : memref<!tpu.dma_semaphore, #tpu.memory_space<semaphore_mem>>
        %dma_start3A = arith.constant 0 : i32
        %dma_start3A_37 = tpu.memref_slice %arg10[%add3A_30, %dma_start3A] : memref<80x128xi32, #tpu.memory_space<vmem>> -> memref<1x128xi32, #tpu.memory_space<vmem>>
        %dma_start3A_38 = tpu.memref_squeeze %dma_start3A_37 : memref<1x128xi32, #tpu.memory_space<vmem>> -> memref<128xi32, #tpu.memory_space<vmem>>
        %dma_start3A_39 = arith.constant 0 : i32
        %dma_start3A_40 = arith.constant 0 : i32
        %dma_start3A_41 = tpu.memref_slice %arg13[%dma_start3A_39, %dma_start3A_40] : memref<10240x64xf32, #tpu.memory_space<vmem_shared>> -> memref<10240x64xf32, #tpu.memory_space<vmem_shared>>
        tpu.enqueue_indirect_dma source(%arg12 : memref<128x64xf32, #tpu.memory_space<vmem>>) target(%dma_start3A_41 : memref<10240x64xf32, #tpu.memory_space<vmem_shared>>) offsets(%dma_start3A_38 : memref<128xi32, #tpu.memory_space<vmem>>) semaphore(%run_scoped3A_36 : memref<!tpu.dma_semaphore, #tpu.memory_space<semaphore_mem>>) {add = true}
        %dma_wait3A = arith.constant 0 : i32
        %dma_wait3A_42 = tpu.memref_slice %arg10[%add3A_30, %dma_wait3A] : memref<80x128xi32, #tpu.memory_space<vmem>> -> memref<1x128xi32, #tpu.memory_space<vmem>>
        %dma_wait3A_43 = tpu.memref_squeeze %dma_wait3A_42 : memref<1x128xi32, #tpu.memory_space<vmem>> -> memref<128xi32, #tpu.memory_space<vmem>>
        %dma_wait3A_44 = arith.constant 0 : i32
        %dma_wait3A_45 = arith.constant 0 : i32
        %dma_wait3A_46 = tpu.memref_slice %arg13[%dma_wait3A_44, %dma_wait3A_45] : memref<10240x64xf32, #tpu.memory_space<vmem_shared>> -> memref<10240x64xf32, #tpu.memory_space<vmem_shared>>
        tpu.wait_indirect_dma semaphore(%run_scoped3A_36 : memref<!tpu.dma_semaphore, #tpu.memory_space<semaphore_mem>>) src(%arg12 : memref<128x64xf32, #tpu.memory_space<vmem>>) dst(%dma_wait3A_46 : memref<10240x64xf32, #tpu.memory_space<vmem_shared>>)
        tpu.yield
      }) : () -> ()
    }
    %scan3A_19 = arith.constant 80 : i32
    %barrier3A_20 = arith.constant 0 : index
    tpu.barrier barrier_id(%barrier3A_20)
    %mul3A_21 = arith.constant 640 : i32
    %mul3A_22 = arith.muli %arg1, %mul3A_21 : i32
    %mul3A_23 = arith.constant 640 : i32
    %mul3A_24 = arith.muli %arg1, %mul3A_23 : i32
    %run_scoped3A_25 = arith.constant 1 : i32
    "tpu.region"() ({
      %run_scoped3A_26 = tpu.sem_alloc : memref<!tpu.dma_semaphore, #tpu.memory_space<semaphore_mem>>
      %dma_start3A = arith.constant 0 : i32
      %dma_start3A_27 = tpu.memref_slice %arg8[%arg0, %run_scoped3A_25, %mul3A_24, %dma_start3A] : memref<2x2x10240x64xf32, #tpu.memory_space<hbm>> -> memref<1x1x640x64xf32, #tpu.memory_space<hbm>>
      %dma_start3A_28 = tpu.memref_squeeze %dma_start3A_27 : memref<1x1x640x64xf32, #tpu.memory_space<hbm>> -> memref<640x64xf32, #tpu.memory_space<hbm>>
      %dma_start3A_29 = arith.constant 0 : i32
      %dma_start3A_30 = tpu.memref_slice %arg13[%mul3A_22, %dma_start3A_29] : memref<10240x64xf32, #tpu.memory_space<vmem_shared>> -> memref<640x64xf32, #tpu.memory_space<vmem_shared>>
      tpu.enqueue_dma source(%dma_start3A_30 : memref<640x64xf32, #tpu.memory_space<vmem_shared>>) target(%dma_start3A_28 : memref<640x64xf32, #tpu.memory_space<hbm>>) target_semaphore(%run_scoped3A_26 : memref<!tpu.dma_semaphore, #tpu.memory_space<semaphore_mem>>)
      %dma_wait3A = arith.constant 0 : i32
      %dma_wait3A_31 = tpu.memref_slice %arg8[%arg0, %run_scoped3A_25, %mul3A_24, %dma_wait3A] : memref<2x2x10240x64xf32, #tpu.memory_space<hbm>> -> memref<1x1x640x64xf32, #tpu.memory_space<hbm>>
      %dma_wait3A_32 = tpu.memref_squeeze %dma_wait3A_31 : memref<1x1x640x64xf32, #tpu.memory_space<hbm>> -> memref<640x64xf32, #tpu.memory_space<hbm>>
      %dma_wait3A_33 = arith.constant 0 : i32
      %dma_wait3A_34 = tpu.memref_slice %arg13[%mul3A_22, %dma_wait3A_33] : memref<10240x64xf32, #tpu.memory_space<vmem_shared>> -> memref<640x64xf32, #tpu.memory_space<vmem_shared>>
      tpu.wait_dma2 semaphore(%run_scoped3A_26 : memref<!tpu.dma_semaphore, #tpu.memory_space<semaphore_mem>>) src(%dma_wait3A_34 : memref<640x64xf32, #tpu.memory_space<vmem_shared>>) dst(%dma_wait3A_32 : memref<640x64xf32, #tpu.memory_space<hbm>>)
      tpu.yield
    }) : () -> ()
    return
  }
}

module attributes {stable_mosaic.version = 14 : i64} {
  func.func @_mm_scale_body(%arg0: i32, %arg1: memref<1000x128xf32, #tpu.memory_space<vmem>>, %arg2: memref<128x128xf32, #tpu.memory_space<vmem>>, %arg3: memref<2x1000x16xf32, #tpu.memory_space<vmem>>, %arg4: memref<1000x1xf32, #tpu.memory_space<vmem>>, %arg5: memref<1000x128xf32, #tpu.memory_space<vmem>>) attributes {dimension_semantics = [#tpu.dimension_semantics<arbitrary>], iteration_bounds = array<i64: 10>, scalar_prefetch = 0 : i64, scratch_operands = 0 : i64, tpu.core_type = #tpu.core_type<tc>, window_params = [{transform_indices = @transform_0, window_bounds = array<i64: 1000, 128>}, {pipeline_mode = #tpu.pipeline_mode<synchronous>, transform_indices = @transform_1, window_bounds = array<i64: 128, 128>}, {transform_indices = @transform_2, window_bounds = array<i64: 2, 1000, 16>}, {transform_indices = @transform_3, window_bounds = array<i64: 1000, 1>}, {transform_indices = @transform_4, window_bounds = array<i64: 1000, 128>}]} {
    %get3A = arith.constant 0 : index
    %get3A_0 = arith.constant 0 : index
    %get3A_1 = arith.constant 0 : index
    %get3A_2 = vector.load %arg3[%get3A, %get3A_0, %get3A_1] : memref<2x1000x16xf32, #tpu.memory_space<vmem>>, vector<2x1000x16xf32>
    %slice3A = vector.extract_strided_slice %get3A_2 {offsets = [0, 0, 0], sizes = [1, 1000, 1], strides = [1, 1, 1]} : vector<2x1000x16xf32> to vector<1x1000x1xf32>
    %squeeze3A = vector.shape_cast %slice3A : vector<1x1000x1xf32> to vector<1000x1xf32>
    %slice3A_3 = vector.extract_strided_slice %get3A_2 {offsets = [1, 0, 0], sizes = [1, 1000, 1], strides = [1, 1, 1]} : vector<2x1000x16xf32> to vector<1x1000x1xf32>
    %squeeze3A_4 = vector.shape_cast %slice3A_3 : vector<1x1000x1xf32> to vector<1000x1xf32>
    %add3A = arith.addf %squeeze3A, %squeeze3A_4 : vector<1000x1xf32>
    %add3A_5 = arith.constant 1.000000e+00 : f32
    %add3A_6 = vector.broadcast %add3A_5 : f32 to vector<1000x1xf32>
    %add3A_7 = arith.addf %add3A, %add3A_6 : vector<1000x1xf32>
    %rsqrt3A = math.rsqrt %add3A_7 : vector<1000x1xf32>
    %swap3A = arith.constant 0 : index
    %swap3A_8 = arith.constant 0 : index
    %swap3A_9 = vector.load %arg4[%swap3A, %swap3A_8] : memref<1000x1xf32, #tpu.memory_space<vmem>>, vector<1000x1xf32>
    tpu.vector_store %arg4[%swap3A, %swap3A_8], %rsqrt3A {strides = array<i32>} : memref<1000x1xf32, #tpu.memory_space<vmem>>, vector<1000x1xf32>,
    %get3A_10 = arith.constant 0 : index
    %get3A_11 = arith.constant 0 : index
    %get3A_12 = vector.load %arg1[%get3A_10, %get3A_11] : memref<1000x128xf32, #tpu.memory_space<vmem>>, vector<1000x128xf32>
    %get3A_13 = arith.constant 0 : index
    %get3A_14 = arith.constant 0 : index
    %get3A_15 = vector.load %arg2[%get3A_13, %get3A_14] : memref<128x128xf32, #tpu.memory_space<vmem>>, vector<128x128xf32>
    %dot_general3A = arith.constant dense<0.000000e+00> : vector<1000x128xf32>
    %dot_general3A_16 = tpu.matmul %get3A_12, %get3A_15, %dot_general3A {dimension_numbers = #tpu.dot_dimension_numbers<[1], [0], [0], [1], [0, 0, 1, 1], [], []>, transpose_lhs_hint = false} : vector<1000x128xf32>, vector<128x128xf32>, vector<1000x128xf32> -> vector<1000x128xf32>
    %mul3A = vector.broadcast %rsqrt3A : vector<1000x1xf32> to vector<1000x128xf32>
    %mul3A_17 = arith.mulf %dot_general3A_16, %mul3A : vector<1000x128xf32>
    %swap3A_18 = arith.constant 0 : index
    %swap3A_19 = arith.constant 0 : index
    %swap3A_20 = vector.load %arg5[%swap3A_18, %swap3A_19] : memref<1000x128xf32, #tpu.memory_space<vmem>>, vector<1000x128xf32>
    tpu.vector_store %arg5[%swap3A_18, %swap3A_19], %mul3A_17 {strides = array<i32>} : memref<1000x128xf32, #tpu.memory_space<vmem>>, vector<1000x128xf32>,
    return
  }
  func.func @transform_0(%arg0: i32) -> (i32, i32) {
    %c0_i32 = arith.constant 0 : i32
    %c0_i32_0 = arith.constant 0 : i32
    return %arg0, %c0_i32 : i32, i32
  }
  func.func @transform_1(%arg0: i32) -> (i32, i32) {
    %c0_i32 = arith.constant 0 : i32
    %c0_i32_0 = arith.constant 0 : i32
    %c0_i32_1 = arith.constant 0 : i32
    return %c0_i32, %c0_i32_0 : i32, i32
  }
  func.func @transform_2(%arg0: i32) -> (i32, i32, i32) {
    %c0_i32 = arith.constant 0 : i32
    %c0_i32_0 = arith.constant 0 : i32
    %c0_i32_1 = arith.constant 0 : i32
    return %c0_i32, %arg0, %c0_i32_0 : i32, i32, i32
  }
  func.func @transform_3(%arg0: i32) -> (i32, i32) {
    %c0_i32 = arith.constant 0 : i32
    %c0_i32_0 = arith.constant 0 : i32
    return %arg0, %c0_i32 : i32, i32
  }
  func.func @transform_4(%arg0: i32) -> (i32, i32) {
    %c0_i32 = arith.constant 0 : i32
    %c0_i32_0 = arith.constant 0 : i32
    return %arg0, %c0_i32 : i32, i32
  }
}

module attributes {stable_mosaic.version = 14 : i64} {
  func.func @_layer2_body(%arg0: i32, %arg1: memref<2x2x1000x64xf32, #tpu.memory_space<vmem>>, %arg2: memref<1000x128xf32, #tpu.memory_space<vmem>>, %arg3: memref<1000x1xf32, #tpu.memory_space<vmem>>, %arg4: memref<1x128xf32, #tpu.memory_space<vmem>>, %arg5: memref<128x128xf32, #tpu.memory_space<vmem>>, %arg6: memref<1000x128xf32, #tpu.memory_space<vmem>>) attributes {dimension_semantics = [#tpu.dimension_semantics<arbitrary>], iteration_bounds = array<i64: 10>, scalar_prefetch = 0 : i64, scratch_operands = 0 : i64, tpu.core_type = #tpu.core_type<tc>, window_params = [{transform_indices = @transform_0, window_bounds = array<i64: 2, 2, 1000, 64>}, {transform_indices = @transform_1, window_bounds = array<i64: 1000, 128>}, {transform_indices = @transform_2, window_bounds = array<i64: 1000, 1>}, {pipeline_mode = #tpu.pipeline_mode<synchronous>, transform_indices = @transform_3, window_bounds = array<i64: 1, 128>}, {pipeline_mode = #tpu.pipeline_mode<synchronous>, transform_indices = @transform_4, window_bounds = array<i64: 128, 128>}, {transform_indices = @transform_5, window_bounds = array<i64: 1000, 128>}]} {
    %get3A = arith.constant 0 : index
    %get3A_0 = arith.constant 0 : index
    %get3A_1 = arith.constant 0 : index
    %get3A_2 = arith.constant 0 : index
    %get3A_3 = vector.load %arg1[%get3A, %get3A_0, %get3A_1, %get3A_2] : memref<2x2x1000x64xf32, #tpu.memory_space<vmem>>, vector<2x2x1000x64xf32>
    %slice3A = vector.extract_strided_slice %get3A_3 {offsets = [0, 0, 0, 0], sizes = [1, 2, 1000, 64], strides = [1, 1, 1, 1]} : vector<2x2x1000x64xf32> to vector<1x2x1000x64xf32>
    %squeeze3A = vector.shape_cast %slice3A : vector<1x2x1000x64xf32> to vector<2x1000x64xf32>
    %slice3A_4 = vector.extract_strided_slice %get3A_3 {offsets = [1, 0, 0, 0], sizes = [1, 2, 1000, 64], strides = [1, 1, 1, 1]} : vector<2x2x1000x64xf32> to vector<1x2x1000x64xf32>
    %squeeze3A_5 = vector.shape_cast %slice3A_4 : vector<1x2x1000x64xf32> to vector<2x1000x64xf32>
    %add3A = arith.addf %squeeze3A, %squeeze3A_5 : vector<2x1000x64xf32>
    %slice3A_6 = vector.extract_strided_slice %add3A {offsets = [0, 0, 0], sizes = [1, 1000, 64], strides = [1, 1, 1]} : vector<2x1000x64xf32> to vector<1x1000x64xf32>
    %squeeze3A_7 = vector.shape_cast %slice3A_6 : vector<1x1000x64xf32> to vector<1000x64xf32>
    %slice3A_8 = vector.extract_strided_slice %add3A {offsets = [1, 0, 0], sizes = [1, 1000, 64], strides = [1, 1, 1]} : vector<2x1000x64xf32> to vector<1x1000x64xf32>
    %squeeze3A_9 = vector.shape_cast %slice3A_8 : vector<1x1000x64xf32> to vector<1000x64xf32>
    %concatenate3A = tpu.concatenate %squeeze3A_7, %squeeze3A_9 in 1 : vector<1000x64xf32>, vector<1000x64xf32> -> vector<1000x128xf32>
    %get3A_10 = arith.constant 0 : index
    %get3A_11 = arith.constant 0 : index
    %get3A_12 = vector.load %arg3[%get3A_10, %get3A_11] : memref<1000x1xf32, #tpu.memory_space<vmem>>, vector<1000x1xf32>
    %get3A_13 = arith.constant 0 : index
    %get3A_14 = arith.constant 0 : index
    %get3A_15 = vector.load %arg2[%get3A_13, %get3A_14] : memref<1000x128xf32, #tpu.memory_space<vmem>>, vector<1000x128xf32>
    %add3A_16 = arith.addf %concatenate3A, %get3A_15 : vector<1000x128xf32>
    %mul3A = vector.broadcast %get3A_12 : vector<1000x1xf32> to vector<1000x128xf32>
    %mul3A_17 = arith.mulf %add3A_16, %mul3A : vector<1000x128xf32>
    %get3A_18 = arith.constant 0 : index
    %get3A_19 = arith.constant 0 : index
    %get3A_20 = vector.load %arg4[%get3A_18, %get3A_19] : memref<1x128xf32, #tpu.memory_space<vmem>>, vector<1x128xf32>
    %add3A_21 = vector.broadcast %get3A_20 : vector<1x128xf32> to vector<1000x128xf32>
    %add3A_22 = arith.addf %mul3A_17, %add3A_21 : vector<1000x128xf32>
    %max3A = arith.constant 0.000000e+00 : f32
    %max3A_23 = vector.broadcast %max3A : f32 to vector<1000x128xf32>
    %max3A_24 = arith.maximumf %add3A_22, %max3A_23 : vector<1000x128xf32>
    %get3A_25 = arith.constant 0 : index
    %get3A_26 = arith.constant 0 : index
    %get3A_27 = vector.load %arg5[%get3A_25, %get3A_26] : memref<128x128xf32, #tpu.memory_space<vmem>>, vector<128x128xf32>
    %dot_general3A = arith.constant dense<0.000000e+00> : vector<1000x128xf32>
    %dot_general3A_28 = tpu.matmul %max3A_24, %get3A_27, %dot_general3A {dimension_numbers = #tpu.dot_dimension_numbers<[1], [0], [0], [1], [0, 0, 1, 1], [], []>, transpose_lhs_hint = false} : vector<1000x128xf32>, vector<128x128xf32>, vector<1000x128xf32> -> vector<1000x128xf32>
    %mul3A_29 = vector.broadcast %get3A_12 : vector<1000x1xf32> to vector<1000x128xf32>
    %mul3A_30 = arith.mulf %dot_general3A_28, %mul3A_29 : vector<1000x128xf32>
    %swap3A = arith.constant 0 : index
    %swap3A_31 = arith.constant 0 : index
    %swap3A_32 = vector.load %arg6[%swap3A, %swap3A_31] : memref<1000x128xf32, #tpu.memory_space<vmem>>, vector<1000x128xf32>
    tpu.vector_store %arg6[%swap3A, %swap3A_31], %mul3A_30 {strides = array<i32>} : memref<1000x128xf32, #tpu.memory_space<vmem>>, vector<1000x128xf32>,
    return
  }
  func.func @transform_0(%arg0: i32) -> (i32, i32, i32, i32) {
    %c0_i32 = arith.constant 0 : i32
    %c0_i32_0 = arith.constant 0 : i32
    %c0_i32_1 = arith.constant 0 : i32
    %c0_i32_2 = arith.constant 0 : i32
    return %c0_i32, %c0_i32_0, %arg0, %c0_i32_1 : i32, i32, i32, i32
  }
  func.func @transform_1(%arg0: i32) -> (i32, i32) {
    %c0_i32 = arith.constant 0 : i32
    %c0_i32_0 = arith.constant 0 : i32
    return %arg0, %c0_i32 : i32, i32
  }
  func.func @transform_2(%arg0: i32) -> (i32, i32) {
    %c0_i32 = arith.constant 0 : i32
    %c0_i32_0 = arith.constant 0 : i32
    return %arg0, %c0_i32 : i32, i32
  }
  func.func @transform_3(%arg0: i32) -> (i32, i32) {
    %c0_i32 = arith.constant 0 : i32
    %c0_i32_0 = arith.constant 0 : i32
    %c0_i32_1 = arith.constant 0 : i32
    return %c0_i32, %c0_i32_0 : i32, i32
  }
  func.func @transform_4(%arg0: i32) -> (i32, i32) {
    %c0_i32 = arith.constant 0 : i32
    %c0_i32_0 = arith.constant 0 : i32
    %c0_i32_1 = arith.constant 0 : i32
    return %c0_i32, %c0_i32_0 : i32, i32
  }
  func.func @transform_5(%arg0: i32) -> (i32, i32) {
    %c0_i32 = arith.constant 0 : i32
    %c0_i32_0 = arith.constant 0 : i32
    return %arg0, %c0_i32 : i32, i32
  }
}

module attributes {stable_mosaic.version = 14 : i64} {
  func.func @_head_body(%arg0: i32, %arg1: memref<2x2x1000x64xf32, #tpu.memory_space<vmem>>, %arg2: memref<1000x128xf32, #tpu.memory_space<vmem>>, %arg3: memref<1000x1xf32, #tpu.memory_space<vmem>>, %arg4: memref<1x128xf32, #tpu.memory_space<vmem>>, %arg5: memref<1000x1xi32, #tpu.memory_space<vmem>>, %arg6: memref<256x1024xf32, #tpu.memory_space<vmem>>, %arg7: memref<1x1024xf32, #tpu.memory_space<vmem>>, %arg8: memref<1024x1xf32, #tpu.memory_space<vmem>>, %arg9: memref<1x1xf32, #tpu.memory_space<vmem>>, %arg10: memref<16x1xf32, #tpu.memory_space<vmem>>, %arg11: memref<16x128xf32, #tpu.memory_space<vmem>>, %arg12: memref<16x128xf32, #tpu.memory_space<vmem>>, %arg13: memref<16x128xf32, #tpu.memory_space<vmem>>) attributes {dimension_semantics = [#tpu.dimension_semantics<arbitrary>], iteration_bounds = array<i64: 10>, scalar_prefetch = 0 : i64, scratch_operands = 3 : i64, tpu.core_type = #tpu.core_type<tc>, window_params = [{transform_indices = @transform_0, window_bounds = array<i64: 2, 2, 1000, 64>}, {transform_indices = @transform_1, window_bounds = array<i64: 1000, 128>}, {transform_indices = @transform_2, window_bounds = array<i64: 1000, 1>}, {pipeline_mode = #tpu.pipeline_mode<synchronous>, transform_indices = @transform_3, window_bounds = array<i64: 1, 128>}, {transform_indices = @transform_4, window_bounds = array<i64: 1000, 1>}, {pipeline_mode = #tpu.pipeline_mode<synchronous>, transform_indices = @transform_5, window_bounds = array<i64: 256, 1024>}, {pipeline_mode = #tpu.pipeline_mode<synchronous>, transform_indices = @transform_6, window_bounds = array<i64: 1, 1024>}, {pipeline_mode = #tpu.pipeline_mode<synchronous>, transform_indices = @transform_7, window_bounds = array<i64: 1024, 1>}, {pipeline_mode = #tpu.pipeline_mode<synchronous>, transform_indices = @transform_8, window_bounds = array<i64: 1, 1>}, {pipeline_mode = #tpu.pipeline_mode<synchronous>, transform_indices = @transform_9, window_bounds = array<i64: 16, 1>}]} {
    %eq3A = arith.constant 0 : i32
    %eq3A_0 = arith.cmpi eq, %arg0, %eq3A : i32
    %convert_element_type3A = arith.extui %eq3A_0 : i1 to i32
    %cond3A = arith.constant 0 : i32
    %cond3A_1 = arith.cmpi ne, %convert_element_type3A, %cond3A : i32
    scf.if %cond3A_1 {
      %broadcast_in_dim3A_797 = arith.constant 0.000000e+00 : f32
      %broadcast_in_dim3A_798 = vector.broadcast %broadcast_in_dim3A_797 : f32 to vector<16x128xf32>
      %swap3A_799 = arith.constant 0 : index
      %swap3A_800 = arith.constant 0 : index
      %swap3A_801 = vector.load %arg11[%swap3A_799, %swap3A_800] : memref<16x128xf32, #tpu.memory_space<vmem>>, vector<16x128xf32>
      tpu.vector_store %arg11[%swap3A_799, %swap3A_800], %broadcast_in_dim3A_798 {strides = array<i32>} : memref<16x128xf32, #tpu.memory_space<vmem>>, vector<16x128xf32>,
      %broadcast_in_dim3A_802 = arith.constant 0xFF800000 : f32
      %broadcast_in_dim3A_803 = vector.broadcast %broadcast_in_dim3A_802 : f32 to vector<16x128xf32>
      %swap3A_804 = arith.constant 0 : index
      %swap3A_805 = arith.constant 0 : index
      %swap3A_806 = vector.load %arg12[%swap3A_804, %swap3A_805] : memref<16x128xf32, #tpu.memory_space<vmem>>, vector<16x128xf32>
      tpu.vector_store %arg12[%swap3A_804, %swap3A_805], %broadcast_in_dim3A_803 {strides = array<i32>} : memref<16x128xf32, #tpu.memory_space<vmem>>, vector<16x128xf32>,
      %broadcast_in_dim3A_807 = arith.constant 0.000000e+00 : f32
      %broadcast_in_dim3A_808 = vector.broadcast %broadcast_in_dim3A_807 : f32 to vector<16x128xf32>
      %swap3A_809 = arith.constant 0 : index
      %swap3A_810 = arith.constant 0 : index
      %swap3A_811 = vector.load %arg13[%swap3A_809, %swap3A_810] : memref<16x128xf32, #tpu.memory_space<vmem>>, vector<16x128xf32>
      tpu.vector_store %arg13[%swap3A_809, %swap3A_810], %broadcast_in_dim3A_808 {strides = array<i32>} : memref<16x128xf32, #tpu.memory_space<vmem>>, vector<16x128xf32>,
    } else {
    }
    %get3A = arith.constant 0 : index
    %get3A_2 = arith.constant 0 : index
    %get3A_3 = arith.constant 0 : index
    %get3A_4 = arith.constant 0 : index
    %get3A_5 = vector.load %arg1[%get3A, %get3A_2, %get3A_3, %get3A_4] : memref<2x2x1000x64xf32, #tpu.memory_space<vmem>>, vector<2x2x1000x64xf32>
    %slice3A = vector.extract_strided_slice %get3A_5 {offsets = [0, 0, 0, 0], sizes = [1, 2, 1000, 64], strides = [1, 1, 1, 1]} : vector<2x2x1000x64xf32> to vector<1x2x1000x64xf32>
    %squeeze3A = vector.shape_cast %slice3A : vector<1x2x1000x64xf32> to vector<2x1000x64xf32>
    %slice3A_6 = vector.extract_strided_slice %get3A_5 {offsets = [1, 0, 0, 0], sizes = [1, 2, 1000, 64], strides = [1, 1, 1, 1]} : vector<2x2x1000x64xf32> to vector<1x2x1000x64xf32>
    %squeeze3A_7 = vector.shape_cast %slice3A_6 : vector<1x2x1000x64xf32> to vector<2x1000x64xf32>
    %add3A = arith.addf %squeeze3A, %squeeze3A_7 : vector<2x1000x64xf32>
    %slice3A_8 = vector.extract_strided_slice %add3A {offsets = [0, 0, 0], sizes = [1, 1000, 64], strides = [1, 1, 1]} : vector<2x1000x64xf32> to vector<1x1000x64xf32>
    %squeeze3A_9 = vector.shape_cast %slice3A_8 : vector<1x1000x64xf32> to vector<1000x64xf32>
    %slice3A_10 = vector.extract_strided_slice %add3A {offsets = [1, 0, 0], sizes = [1, 1000, 64], strides = [1, 1, 1]} : vector<2x1000x64xf32> to vector<1x1000x64xf32>
    %squeeze3A_11 = vector.shape_cast %slice3A_10 : vector<1x1000x64xf32> to vector<1000x64xf32>
    %concatenate3A = tpu.concatenate %squeeze3A_9, %squeeze3A_11 in 1 : vector<1000x64xf32>, vector<1000x64xf32> -> vector<1000x128xf32>
    %get3A_12 = arith.constant 0 : index
    %get3A_13 = arith.constant 0 : index
    %get3A_14 = vector.load %arg3[%get3A_12, %get3A_13] : memref<1000x1xf32, #tpu.memory_space<vmem>>, vector<1000x1xf32>
    %get3A_15 = arith.constant 0 : index
    %get3A_16 = arith.constant 0 : index
    %get3A_17 = vector.load %arg2[%get3A_15, %get3A_16] : memref<1000x128xf32, #tpu.memory_space<vmem>>, vector<1000x128xf32>
    %add3A_18 = arith.addf %concatenate3A, %get3A_17 : vector<1000x128xf32>
    %mul3A = vector.broadcast %get3A_14 : vector<1000x1xf32> to vector<1000x128xf32>
    %mul3A_19 = arith.mulf %add3A_18, %mul3A : vector<1000x128xf32>
    %get3A_20 = arith.constant 0 : index
    %get3A_21 = arith.constant 0 : index
    %get3A_22 = vector.load %arg4[%get3A_20, %get3A_21] : memref<1x128xf32, #tpu.memory_space<vmem>>, vector<1x128xf32>
    %add3A_23 = vector.broadcast %get3A_22 : vector<1x128xf32> to vector<1000x128xf32>
    %add3A_24 = arith.addf %mul3A_19, %add3A_23 : vector<1000x128xf32>
    %max3A = arith.constant 0.000000e+00 : f32
    %max3A_25 = vector.broadcast %max3A : f32 to vector<1000x128xf32>
    %max3A_26 = arith.maximumf %add3A_24, %max3A_25 : vector<1000x128xf32>
    %get3A_27 = arith.constant 0 : index
    %get3A_28 = arith.constant 0 : index
    %get3A_29 = vector.load %arg5[%get3A_27, %get3A_28] : memref<1000x1xi32, #tpu.memory_space<vmem>>, vector<1000x1xi32>
    %eq3A_30 = arith.constant 0 : i32
    %eq3A_31 = vector.broadcast %eq3A_30 : i32 to vector<1000x1xi32>
    %eq3A_32 = arith.cmpi eq, %get3A_29, %eq3A_31 : vector<1000x1xi32>
    %get3A_33 = arith.constant 0 : index
    %get3A_34 = arith.constant 0 : index
    %get3A_35 = vector.load %arg13[%get3A_33, %get3A_34] : memref<16x128xf32, #tpu.memory_space<vmem>>, vector<1x128xf32>
    %convert_element_type3A_36 = arith.extui %eq3A_32 : vector<1000x1xi1> to vector<1000x1xi32>
    %convert_element_type3A_37 = arith.sitofp %convert_element_type3A_36 : vector<1000x1xi32> to vector<1000x1xf32>
    %reduce_sum3A = vector.shape_cast %convert_element_type3A_37 : vector<1000x1xf32> to vector<1x1000x1xf32>
    %reduce_sum3A_38 = arith.constant dense<0.000000e+00> : vector<1xf32>
    %reduce_sum3A_39 = vector.multi_reduction <add>, %reduce_sum3A, %reduce_sum3A_38 [1, 2] : vector<1x1000x1xf32> to vector<1xf32>
    %reduce_sum3A_40 = vector.shape_cast %reduce_sum3A_39 : vector<1xf32> to vector<1x1x1xf32>
    %reduce_sum3A_41 = vector.extract %reduce_sum3A_40[0, 0, 0] : f32 from vector<1x1x1xf32>
    %add3A_42 = vector.broadcast %reduce_sum3A_41 : f32 to vector<1x128xf32>
    %add3A_43 = arith.addf %get3A_35, %add3A_42 : vector<1x128xf32>
    %swap3A = arith.constant 0 : index
    %swap3A_44 = arith.constant 0 : index
    %swap3A_45 = vector.load %arg13[%swap3A, %swap3A_44] : memref<16x128xf32, #tpu.memory_space<vmem>>, vector<1x128xf32>
    tpu.vector_store %arg13[%swap3A, %swap3A_44], %add3A_43 {strides = array<i32>} : memref<16x128xf32, #tpu.memory_space<vmem>>, vector<1x128xf32>,
    %get3A_46 = arith.constant 0 : index
    %get3A_47 = arith.constant 0 : index
    %get3A_48 = vector.load %arg11[%get3A_46, %get3A_47] : memref<16x128xf32, #tpu.memory_space<vmem>>, vector<1x128xf32>
    %jit3A = arith.constant 0.000000e+00 : f32
    %broadcast_in_dim3A = vector.shape_cast %eq3A_32 : vector<1000x1xi1> to vector<1000x1xi1>
    %broadcast_in_dim3A_49 = vector.broadcast %broadcast_in_dim3A : vector<1000x1xi1> to vector<1000x128xi1>
    %broadcast_in_dim3A_50 = vector.broadcast %jit3A : f32 to vector<1000x128xf32>
    %select_n3A = arith.select %broadcast_in_dim3A_49, %max3A_26, %broadcast_in_dim3A_50 : vector<1000x128xi1>, vector<1000x128xf32>
    %reduce_sum3A_51 = arith.constant dense<0.000000e+00> : vector<128xf32>
    %reduce_sum3A_52 = vector.multi_reduction <add>, %select_n3A, %reduce_sum3A_51 [0] : vector<1000x128xf32> to vector<128xf32>
    %broadcast_in_dim3A_53 = vector.shape_cast %reduce_sum3A_52 : vector<128xf32> to vector<1x128xf32>
    %add3A_54 = arith.addf %get3A_48, %broadcast_in_dim3A_53 : vector<1x128xf32>
    %swap3A_55 = arith.constant 0 : index
    %swap3A_56 = arith.constant 0 : index
    %swap3A_57 = vector.load %arg11[%swap3A_55, %swap3A_56] : memref<16x128xf32, #tpu.memory_space<vmem>>, vector<1x128xf32>
    tpu.vector_store %arg11[%swap3A_55, %swap3A_56], %add3A_54 {strides = array<i32>} : memref<16x128xf32, #tpu.memory_space<vmem>>, vector<1x128xf32>,
    %get3A_58 = arith.constant 0 : index
    %get3A_59 = arith.constant 0 : index
    %get3A_60 = vector.load %arg12[%get3A_58, %get3A_59] : memref<16x128xf32, #tpu.memory_space<vmem>>, vector<1x128xf32>
    %jit3A_61 = arith.constant 0xFF800000 : f32
    %broadcast_in_dim3A_62 = vector.shape_cast %eq3A_32 : vector<1000x1xi1> to vector<1000x1xi1>
    %broadcast_in_dim3A_63 = vector.broadcast %broadcast_in_dim3A_62 : vector<1000x1xi1> to vector<1000x128xi1>
    %broadcast_in_dim3A_64 = vector.broadcast %jit3A_61 : f32 to vector<1000x128xf32>
    %select_n3A_65 = arith.select %broadcast_in_dim3A_63, %max3A_26, %broadcast_in_dim3A_64 : vector<1000x128xi1>, vector<1000x128xf32>
    %reduce_max3A = arith.constant dense<0xFF800000> : vector<128xf32>
    %reduce_max3A_66 = vector.multi_reduction <maximumf>, %select_n3A_65, %reduce_max3A [0] : vector<1000x128xf32> to vector<128xf32>
    %broadcast_in_dim3A_67 = vector.shape_cast %reduce_max3A_66 : vector<128xf32> to vector<1x128xf32>
    %max3A_68 = arith.maximumf %get3A_60, %broadcast_in_dim3A_67 : vector<1x128xf32>
    %swap3A_69 = arith.constant 0 : index
    %swap3A_70 = arith.constant 0 : index
    %swap3A_71 = vector.load %arg12[%swap3A_69, %swap3A_70] : memref<16x128xf32, #tpu.memory_space<vmem>>, vector<1x128xf32>
    tpu.vector_store %arg12[%swap3A_69, %swap3A_70], %max3A_68 {strides = array<i32>} : memref<16x128xf32, #tpu.memory_space<vmem>>, vector<1x128xf32>,
    %eq3A_72 = arith.constant 1 : i32
    %eq3A_73 = vector.broadcast %eq3A_72 : i32 to vector<1000x1xi32>
    %eq3A_74 = arith.cmpi eq, %get3A_29, %eq3A_73 : vector<1000x1xi32>
    %get3A_75 = arith.constant 1 : index
    %get3A_76 = arith.constant 0 : index
    %get3A_77 = vector.load %arg13[%get3A_75, %get3A_76] : memref<16x128xf32, #tpu.memory_space<vmem>>, vector<1x128xf32>
    %convert_element_type3A_78 = arith.extui %eq3A_74 : vector<1000x1xi1> to vector<1000x1xi32>
    %convert_element_type3A_79 = arith.sitofp %convert_element_type3A_78 : vector<1000x1xi32> to vector<1000x1xf32>
    %reduce_sum3A_80 = vector.shape_cast %convert_element_type3A_79 : vector<1000x1xf32> to vector<1x1000x1xf32>
    %reduce_sum3A_81 = arith.constant dense<0.000000e+00> : vector<1xf32>
    %reduce_sum3A_82 = vector.multi_reduction <add>, %reduce_sum3A_80, %reduce_sum3A_81 [1, 2] : vector<1x1000x1xf32> to vector<1xf32>
    %reduce_sum3A_83 = vector.shape_cast %reduce_sum3A_82 : vector<1xf32> to vector<1x1x1xf32>
    %reduce_sum3A_84 = vector.extract %reduce_sum3A_83[0, 0, 0] : f32 from vector<1x1x1xf32>
    %add3A_85 = vector.broadcast %reduce_sum3A_84 : f32 to vector<1x128xf32>
    %add3A_86 = arith.addf %get3A_77, %add3A_85 : vector<1x128xf32>
    %swap3A_87 = arith.constant 1 : index
    %swap3A_88 = arith.constant 0 : index
    %swap3A_89 = vector.load %arg13[%swap3A_87, %swap3A_88] : memref<16x128xf32, #tpu.memory_space<vmem>>, vector<1x128xf32>
    tpu.vector_store %arg13[%swap3A_87, %swap3A_88], %add3A_86 {strides = array<i32>} : memref<16x128xf32, #tpu.memory_space<vmem>>, vector<1x128xf32>,
    %get3A_90 = arith.constant 1 : index
    %get3A_91 = arith.constant 0 : index
    %get3A_92 = vector.load %arg11[%get3A_90, %get3A_91] : memref<16x128xf32, #tpu.memory_space<vmem>>, vector<1x128xf32>
    %jit3A_93 = arith.constant 0.000000e+00 : f32
    %broadcast_in_dim3A_94 = vector.shape_cast %eq3A_74 : vector<1000x1xi1> to vector<1000x1xi1>
    %broadcast_in_dim3A_95 = vector.broadcast %broadcast_in_dim3A_94 : vector<1000x1xi1> to vector<1000x128xi1>
    %broadcast_in_dim3A_96 = vector.broadcast %jit3A_93 : f32 to vector<1000x128xf32>
    %select_n3A_97 = arith.select %broadcast_in_dim3A_95, %max3A_26, %broadcast_in_dim3A_96 : vector<1000x128xi1>, vector<1000x128xf32>
    %reduce_sum3A_98 = arith.constant dense<0.000000e+00> : vector<128xf32>
    %reduce_sum3A_99 = vector.multi_reduction <add>, %select_n3A_97, %reduce_sum3A_98 [0] : vector<1000x128xf32> to vector<128xf32>
    %broadcast_in_dim3A_100 = vector.shape_cast %reduce_sum3A_99 : vector<128xf32> to vector<1x128xf32>
    %add3A_101 = arith.addf %get3A_92, %broadcast_in_dim3A_100 : vector<1x128xf32>
    %swap3A_102 = arith.constant 1 : index
    %swap3A_103 = arith.constant 0 : index
    %swap3A_104 = vector.load %arg11[%swap3A_102, %swap3A_103] : memref<16x128xf32, #tpu.memory_space<vmem>>, vector<1x128xf32>
    tpu.vector_store %arg11[%swap3A_102, %swap3A_103], %add3A_101 {strides = array<i32>} : memref<16x128xf32, #tpu.memory_space<vmem>>, vector<1x128xf32>,
    %get3A_105 = arith.constant 1 : index
    %get3A_106 = arith.constant 0 : index
    %get3A_107 = vector.load %arg12[%get3A_105, %get3A_106] : memref<16x128xf32, #tpu.memory_space<vmem>>, vector<1x128xf32>
    %jit3A_108 = arith.constant 0xFF800000 : f32
    %broadcast_in_dim3A_109 = vector.shape_cast %eq3A_74 : vector<1000x1xi1> to vector<1000x1xi1>
    %broadcast_in_dim3A_110 = vector.broadcast %broadcast_in_dim3A_109 : vector<1000x1xi1> to vector<1000x128xi1>
    %broadcast_in_dim3A_111 = vector.broadcast %jit3A_108 : f32 to vector<1000x128xf32>
    %select_n3A_112 = arith.select %broadcast_in_dim3A_110, %max3A_26, %broadcast_in_dim3A_111 : vector<1000x128xi1>, vector<1000x128xf32>
    %reduce_max3A_113 = arith.constant dense<0xFF800000> : vector<128xf32>
    %reduce_max3A_114 = vector.multi_reduction <maximumf>, %select_n3A_112, %reduce_max3A_113 [0] : vector<1000x128xf32> to vector<128xf32>
    %broadcast_in_dim3A_115 = vector.shape_cast %reduce_max3A_114 : vector<128xf32> to vector<1x128xf32>
    %max3A_116 = arith.maximumf %get3A_107, %broadcast_in_dim3A_115 : vector<1x128xf32>
    %swap3A_117 = arith.constant 1 : index
    %swap3A_118 = arith.constant 0 : index
    %swap3A_119 = vector.load %arg12[%swap3A_117, %swap3A_118] : memref<16x128xf32, #tpu.memory_space<vmem>>, vector<1x128xf32>
    tpu.vector_store %arg12[%swap3A_117, %swap3A_118], %max3A_116 {strides = array<i32>} : memref<16x128xf32, #tpu.memory_space<vmem>>, vector<1x128xf32>,
    %eq3A_120 = arith.constant 2 : i32
    %eq3A_121 = vector.broadcast %eq3A_120 : i32 to vector<1000x1xi32>
    %eq3A_122 = arith.cmpi eq, %get3A_29, %eq3A_121 : vector<1000x1xi32>
    %get3A_123 = arith.constant 2 : index
    %get3A_124 = arith.constant 0 : index
    %get3A_125 = vector.load %arg13[%get3A_123, %get3A_124] : memref<16x128xf32, #tpu.memory_space<vmem>>, vector<1x128xf32>
    %convert_element_type3A_126 = arith.extui %eq3A_122 : vector<1000x1xi1> to vector<1000x1xi32>
    %convert_element_type3A_127 = arith.sitofp %convert_element_type3A_126 : vector<1000x1xi32> to vector<1000x1xf32>
    %reduce_sum3A_128 = vector.shape_cast %convert_element_type3A_127 : vector<1000x1xf32> to vector<1x1000x1xf32>
    %reduce_sum3A_129 = arith.constant dense<0.000000e+00> : vector<1xf32>
    %reduce_sum3A_130 = vector.multi_reduction <add>, %reduce_sum3A_128, %reduce_sum3A_129 [1, 2] : vector<1x1000x1xf32> to vector<1xf32>
    %reduce_sum3A_131 = vector.shape_cast %reduce_sum3A_130 : vector<1xf32> to vector<1x1x1xf32>
    %reduce_sum3A_132 = vector.extract %reduce_sum3A_131[0, 0, 0] : f32 from vector<1x1x1xf32>
    %add3A_133 = vector.broadcast %reduce_sum3A_132 : f32 to vector<1x128xf32>
    %add3A_134 = arith.addf %get3A_125, %add3A_133 : vector<1x128xf32>
    %swap3A_135 = arith.constant 2 : index
    %swap3A_136 = arith.constant 0 : index
    %swap3A_137 = vector.load %arg13[%swap3A_135, %swap3A_136] : memref<16x128xf32, #tpu.memory_space<vmem>>, vector<1x128xf32>
    tpu.vector_store %arg13[%swap3A_135, %swap3A_136], %add3A_134 {strides = array<i32>} : memref<16x128xf32, #tpu.memory_space<vmem>>, vector<1x128xf32>,
    %get3A_138 = arith.constant 2 : index
    %get3A_139 = arith.constant 0 : index
    %get3A_140 = vector.load %arg11[%get3A_138, %get3A_139] : memref<16x128xf32, #tpu.memory_space<vmem>>, vector<1x128xf32>
    %jit3A_141 = arith.constant 0.000000e+00 : f32
    %broadcast_in_dim3A_142 = vector.shape_cast %eq3A_122 : vector<1000x1xi1> to vector<1000x1xi1>
    %broadcast_in_dim3A_143 = vector.broadcast %broadcast_in_dim3A_142 : vector<1000x1xi1> to vector<1000x128xi1>
    %broadcast_in_dim3A_144 = vector.broadcast %jit3A_141 : f32 to vector<1000x128xf32>
    %select_n3A_145 = arith.select %broadcast_in_dim3A_143, %max3A_26, %broadcast_in_dim3A_144 : vector<1000x128xi1>, vector<1000x128xf32>
    %reduce_sum3A_146 = arith.constant dense<0.000000e+00> : vector<128xf32>
    %reduce_sum3A_147 = vector.multi_reduction <add>, %select_n3A_145, %reduce_sum3A_146 [0] : vector<1000x128xf32> to vector<128xf32>
    %broadcast_in_dim3A_148 = vector.shape_cast %reduce_sum3A_147 : vector<128xf32> to vector<1x128xf32>
    %add3A_149 = arith.addf %get3A_140, %broadcast_in_dim3A_148 : vector<1x128xf32>
    %swap3A_150 = arith.constant 2 : index
    %swap3A_151 = arith.constant 0 : index
    %swap3A_152 = vector.load %arg11[%swap3A_150, %swap3A_151] : memref<16x128xf32, #tpu.memory_space<vmem>>, vector<1x128xf32>
    tpu.vector_store %arg11[%swap3A_150, %swap3A_151], %add3A_149 {strides = array<i32>} : memref<16x128xf32, #tpu.memory_space<vmem>>, vector<1x128xf32>,
    %get3A_153 = arith.constant 2 : index
    %get3A_154 = arith.constant 0 : index
    %get3A_155 = vector.load %arg12[%get3A_153, %get3A_154] : memref<16x128xf32, #tpu.memory_space<vmem>>, vector<1x128xf32>
    %jit3A_156 = arith.constant 0xFF800000 : f32
    %broadcast_in_dim3A_157 = vector.shape_cast %eq3A_122 : vector<1000x1xi1> to vector<1000x1xi1>
    %broadcast_in_dim3A_158 = vector.broadcast %broadcast_in_dim3A_157 : vector<1000x1xi1> to vector<1000x128xi1>
    %broadcast_in_dim3A_159 = vector.broadcast %jit3A_156 : f32 to vector<1000x128xf32>
    %select_n3A_160 = arith.select %broadcast_in_dim3A_158, %max3A_26, %broadcast_in_dim3A_159 : vector<1000x128xi1>, vector<1000x128xf32>
    %reduce_max3A_161 = arith.constant dense<0xFF800000> : vector<128xf32>
    %reduce_max3A_162 = vector.multi_reduction <maximumf>, %select_n3A_160, %reduce_max3A_161 [0] : vector<1000x128xf32> to vector<128xf32>
    %broadcast_in_dim3A_163 = vector.shape_cast %reduce_max3A_162 : vector<128xf32> to vector<1x128xf32>
    %max3A_164 = arith.maximumf %get3A_155, %broadcast_in_dim3A_163 : vector<1x128xf32>
    %swap3A_165 = arith.constant 2 : index
    %swap3A_166 = arith.constant 0 : index
    %swap3A_167 = vector.load %arg12[%swap3A_165, %swap3A_166] : memref<16x128xf32, #tpu.memory_space<vmem>>, vector<1x128xf32>
    tpu.vector_store %arg12[%swap3A_165, %swap3A_166], %max3A_164 {strides = array<i32>} : memref<16x128xf32, #tpu.memory_space<vmem>>, vector<1x128xf32>,
    %eq3A_168 = arith.constant 3 : i32
    %eq3A_169 = vector.broadcast %eq3A_168 : i32 to vector<1000x1xi32>
    %eq3A_170 = arith.cmpi eq, %get3A_29, %eq3A_169 : vector<1000x1xi32>
    %get3A_171 = arith.constant 3 : index
    %get3A_172 = arith.constant 0 : index
    %get3A_173 = vector.load %arg13[%get3A_171, %get3A_172] : memref<16x128xf32, #tpu.memory_space<vmem>>, vector<1x128xf32>
    %convert_element_type3A_174 = arith.extui %eq3A_170 : vector<1000x1xi1> to vector<1000x1xi32>
    %convert_element_type3A_175 = arith.sitofp %convert_element_type3A_174 : vector<1000x1xi32> to vector<1000x1xf32>
    %reduce_sum3A_176 = vector.shape_cast %convert_element_type3A_175 : vector<1000x1xf32> to vector<1x1000x1xf32>
    %reduce_sum3A_177 = arith.constant dense<0.000000e+00> : vector<1xf32>
    %reduce_sum3A_178 = vector.multi_reduction <add>, %reduce_sum3A_176, %reduce_sum3A_177 [1, 2] : vector<1x1000x1xf32> to vector<1xf32>
    %reduce_sum3A_179 = vector.shape_cast %reduce_sum3A_178 : vector<1xf32> to vector<1x1x1xf32>
    %reduce_sum3A_180 = vector.extract %reduce_sum3A_179[0, 0, 0] : f32 from vector<1x1x1xf32>
    %add3A_181 = vector.broadcast %reduce_sum3A_180 : f32 to vector<1x128xf32>
    %add3A_182 = arith.addf %get3A_173, %add3A_181 : vector<1x128xf32>
    %swap3A_183 = arith.constant 3 : index
    %swap3A_184 = arith.constant 0 : index
    %swap3A_185 = vector.load %arg13[%swap3A_183, %swap3A_184] : memref<16x128xf32, #tpu.memory_space<vmem>>, vector<1x128xf32>
    tpu.vector_store %arg13[%swap3A_183, %swap3A_184], %add3A_182 {strides = array<i32>} : memref<16x128xf32, #tpu.memory_space<vmem>>, vector<1x128xf32>,
    %get3A_186 = arith.constant 3 : index
    %get3A_187 = arith.constant 0 : index
    %get3A_188 = vector.load %arg11[%get3A_186, %get3A_187] : memref<16x128xf32, #tpu.memory_space<vmem>>, vector<1x128xf32>
    %jit3A_189 = arith.constant 0.000000e+00 : f32
    %broadcast_in_dim3A_190 = vector.shape_cast %eq3A_170 : vector<1000x1xi1> to vector<1000x1xi1>
    %broadcast_in_dim3A_191 = vector.broadcast %broadcast_in_dim3A_190 : vector<1000x1xi1> to vector<1000x128xi1>
    %broadcast_in_dim3A_192 = vector.broadcast %jit3A_189 : f32 to vector<1000x128xf32>
    %select_n3A_193 = arith.select %broadcast_in_dim3A_191, %max3A_26, %broadcast_in_dim3A_192 : vector<1000x128xi1>, vector<1000x128xf32>
    %reduce_sum3A_194 = arith.constant dense<0.000000e+00> : vector<128xf32>
    %reduce_sum3A_195 = vector.multi_reduction <add>, %select_n3A_193, %reduce_sum3A_194 [0] : vector<1000x128xf32> to vector<128xf32>
    %broadcast_in_dim3A_196 = vector.shape_cast %reduce_sum3A_195 : vector<128xf32> to vector<1x128xf32>
    %add3A_197 = arith.addf %get3A_188, %broadcast_in_dim3A_196 : vector<1x128xf32>
    %swap3A_198 = arith.constant 3 : index
    %swap3A_199 = arith.constant 0 : index
    %swap3A_200 = vector.load %arg11[%swap3A_198, %swap3A_199] : memref<16x128xf32, #tpu.memory_space<vmem>>, vector<1x128xf32>
    tpu.vector_store %arg11[%swap3A_198, %swap3A_199], %add3A_197 {strides = array<i32>} : memref<16x128xf32, #tpu.memory_space<vmem>>, vector<1x128xf32>,
    %get3A_201 = arith.constant 3 : index
    %get3A_202 = arith.constant 0 : index
    %get3A_203 = vector.load %arg12[%get3A_201, %get3A_202] : memref<16x128xf32, #tpu.memory_space<vmem>>, vector<1x128xf32>
    %jit3A_204 = arith.constant 0xFF800000 : f32
    %broadcast_in_dim3A_205 = vector.shape_cast %eq3A_170 : vector<1000x1xi1> to vector<1000x1xi1>
    %broadcast_in_dim3A_206 = vector.broadcast %broadcast_in_dim3A_205 : vector<1000x1xi1> to vector<1000x128xi1>
    %broadcast_in_dim3A_207 = vector.broadcast %jit3A_204 : f32 to vector<1000x128xf32>
    %select_n3A_208 = arith.select %broadcast_in_dim3A_206, %max3A_26, %broadcast_in_dim3A_207 : vector<1000x128xi1>, vector<1000x128xf32>
    %reduce_max3A_209 = arith.constant dense<0xFF800000> : vector<128xf32>
    %reduce_max3A_210 = vector.multi_reduction <maximumf>, %select_n3A_208, %reduce_max3A_209 [0] : vector<1000x128xf32> to vector<128xf32>
    %broadcast_in_dim3A_211 = vector.shape_cast %reduce_max3A_210 : vector<128xf32> to vector<1x128xf32>
    %max3A_212 = arith.maximumf %get3A_203, %broadcast_in_dim3A_211 : vector<1x128xf32>
    %swap3A_213 = arith.constant 3 : index
    %swap3A_214 = arith.constant 0 : index
    %swap3A_215 = vector.load %arg12[%swap3A_213, %swap3A_214] : memref<16x128xf32, #tpu.memory_space<vmem>>, vector<1x128xf32>
    tpu.vector_store %arg12[%swap3A_213, %swap3A_214], %max3A_212 {strides = array<i32>} : memref<16x128xf32, #tpu.memory_space<vmem>>, vector<1x128xf32>,
    %eq3A_216 = arith.constant 4 : i32
    %eq3A_217 = vector.broadcast %eq3A_216 : i32 to vector<1000x1xi32>
    %eq3A_218 = arith.cmpi eq, %get3A_29, %eq3A_217 : vector<1000x1xi32>
    %get3A_219 = arith.constant 4 : index
    %get3A_220 = arith.constant 0 : index
    %get3A_221 = vector.load %arg13[%get3A_219, %get3A_220] : memref<16x128xf32, #tpu.memory_space<vmem>>, vector<1x128xf32>
    %convert_element_type3A_222 = arith.extui %eq3A_218 : vector<1000x1xi1> to vector<1000x1xi32>
    %convert_element_type3A_223 = arith.sitofp %convert_element_type3A_222 : vector<1000x1xi32> to vector<1000x1xf32>
    %reduce_sum3A_224 = vector.shape_cast %convert_element_type3A_223 : vector<1000x1xf32> to vector<1x1000x1xf32>
    %reduce_sum3A_225 = arith.constant dense<0.000000e+00> : vector<1xf32>
    %reduce_sum3A_226 = vector.multi_reduction <add>, %reduce_sum3A_224, %reduce_sum3A_225 [1, 2] : vector<1x1000x1xf32> to vector<1xf32>
    %reduce_sum3A_227 = vector.shape_cast %reduce_sum3A_226 : vector<1xf32> to vector<1x1x1xf32>
    %reduce_sum3A_228 = vector.extract %reduce_sum3A_227[0, 0, 0] : f32 from vector<1x1x1xf32>
    %add3A_229 = vector.broadcast %reduce_sum3A_228 : f32 to vector<1x128xf32>
    %add3A_230 = arith.addf %get3A_221, %add3A_229 : vector<1x128xf32>
    %swap3A_231 = arith.constant 4 : index
    %swap3A_232 = arith.constant 0 : index
    %swap3A_233 = vector.load %arg13[%swap3A_231, %swap3A_232] : memref<16x128xf32, #tpu.memory_space<vmem>>, vector<1x128xf32>
    tpu.vector_store %arg13[%swap3A_231, %swap3A_232], %add3A_230 {strides = array<i32>} : memref<16x128xf32, #tpu.memory_space<vmem>>, vector<1x128xf32>,
    %get3A_234 = arith.constant 4 : index
    %get3A_235 = arith.constant 0 : index
    %get3A_236 = vector.load %arg11[%get3A_234, %get3A_235] : memref<16x128xf32, #tpu.memory_space<vmem>>, vector<1x128xf32>
    %jit3A_237 = arith.constant 0.000000e+00 : f32
    %broadcast_in_dim3A_238 = vector.shape_cast %eq3A_218 : vector<1000x1xi1> to vector<1000x1xi1>
    %broadcast_in_dim3A_239 = vector.broadcast %broadcast_in_dim3A_238 : vector<1000x1xi1> to vector<1000x128xi1>
    %broadcast_in_dim3A_240 = vector.broadcast %jit3A_237 : f32 to vector<1000x128xf32>
    %select_n3A_241 = arith.select %broadcast_in_dim3A_239, %max3A_26, %broadcast_in_dim3A_240 : vector<1000x128xi1>, vector<1000x128xf32>
    %reduce_sum3A_242 = arith.constant dense<0.000000e+00> : vector<128xf32>
    %reduce_sum3A_243 = vector.multi_reduction <add>, %select_n3A_241, %reduce_sum3A_242 [0] : vector<1000x128xf32> to vector<128xf32>
    %broadcast_in_dim3A_244 = vector.shape_cast %reduce_sum3A_243 : vector<128xf32> to vector<1x128xf32>
    %add3A_245 = arith.addf %get3A_236, %broadcast_in_dim3A_244 : vector<1x128xf32>
    %swap3A_246 = arith.constant 4 : index
    %swap3A_247 = arith.constant 0 : index
    %swap3A_248 = vector.load %arg11[%swap3A_246, %swap3A_247] : memref<16x128xf32, #tpu.memory_space<vmem>>, vector<1x128xf32>
    tpu.vector_store %arg11[%swap3A_246, %swap3A_247], %add3A_245 {strides = array<i32>} : memref<16x128xf32, #tpu.memory_space<vmem>>, vector<1x128xf32>,
    %get3A_249 = arith.constant 4 : index
    %get3A_250 = arith.constant 0 : index
    %get3A_251 = vector.load %arg12[%get3A_249, %get3A_250] : memref<16x128xf32, #tpu.memory_space<vmem>>, vector<1x128xf32>
    %jit3A_252 = arith.constant 0xFF800000 : f32
    %broadcast_in_dim3A_253 = vector.shape_cast %eq3A_218 : vector<1000x1xi1> to vector<1000x1xi1>
    %broadcast_in_dim3A_254 = vector.broadcast %broadcast_in_dim3A_253 : vector<1000x1xi1> to vector<1000x128xi1>
    %broadcast_in_dim3A_255 = vector.broadcast %jit3A_252 : f32 to vector<1000x128xf32>
    %select_n3A_256 = arith.select %broadcast_in_dim3A_254, %max3A_26, %broadcast_in_dim3A_255 : vector<1000x128xi1>, vector<1000x128xf32>
    %reduce_max3A_257 = arith.constant dense<0xFF800000> : vector<128xf32>
    %reduce_max3A_258 = vector.multi_reduction <maximumf>, %select_n3A_256, %reduce_max3A_257 [0] : vector<1000x128xf32> to vector<128xf32>
    %broadcast_in_dim3A_259 = vector.shape_cast %reduce_max3A_258 : vector<128xf32> to vector<1x128xf32>
    %max3A_260 = arith.maximumf %get3A_251, %broadcast_in_dim3A_259 : vector<1x128xf32>
    %swap3A_261 = arith.constant 4 : index
    %swap3A_262 = arith.constant 0 : index
    %swap3A_263 = vector.load %arg12[%swap3A_261, %swap3A_262] : memref<16x128xf32, #tpu.memory_space<vmem>>, vector<1x128xf32>
    tpu.vector_store %arg12[%swap3A_261, %swap3A_262], %max3A_260 {strides = array<i32>} : memref<16x128xf32, #tpu.memory_space<vmem>>, vector<1x128xf32>,
    %eq3A_264 = arith.constant 5 : i32
    %eq3A_265 = vector.broadcast %eq3A_264 : i32 to vector<1000x1xi32>
    %eq3A_266 = arith.cmpi eq, %get3A_29, %eq3A_265 : vector<1000x1xi32>
    %get3A_267 = arith.constant 5 : index
    %get3A_268 = arith.constant 0 : index
    %get3A_269 = vector.load %arg13[%get3A_267, %get3A_268] : memref<16x128xf32, #tpu.memory_space<vmem>>, vector<1x128xf32>
    %convert_element_type3A_270 = arith.extui %eq3A_266 : vector<1000x1xi1> to vector<1000x1xi32>
    %convert_element_type3A_271 = arith.sitofp %convert_element_type3A_270 : vector<1000x1xi32> to vector<1000x1xf32>
    %reduce_sum3A_272 = vector.shape_cast %convert_element_type3A_271 : vector<1000x1xf32> to vector<1x1000x1xf32>
    %reduce_sum3A_273 = arith.constant dense<0.000000e+00> : vector<1xf32>
    %reduce_sum3A_274 = vector.multi_reduction <add>, %reduce_sum3A_272, %reduce_sum3A_273 [1, 2] : vector<1x1000x1xf32> to vector<1xf32>
    %reduce_sum3A_275 = vector.shape_cast %reduce_sum3A_274 : vector<1xf32> to vector<1x1x1xf32>
    %reduce_sum3A_276 = vector.extract %reduce_sum3A_275[0, 0, 0] : f32 from vector<1x1x1xf32>
    %add3A_277 = vector.broadcast %reduce_sum3A_276 : f32 to vector<1x128xf32>
    %add3A_278 = arith.addf %get3A_269, %add3A_277 : vector<1x128xf32>
    %swap3A_279 = arith.constant 5 : index
    %swap3A_280 = arith.constant 0 : index
    %swap3A_281 = vector.load %arg13[%swap3A_279, %swap3A_280] : memref<16x128xf32, #tpu.memory_space<vmem>>, vector<1x128xf32>
    tpu.vector_store %arg13[%swap3A_279, %swap3A_280], %add3A_278 {strides = array<i32>} : memref<16x128xf32, #tpu.memory_space<vmem>>, vector<1x128xf32>,
    %get3A_282 = arith.constant 5 : index
    %get3A_283 = arith.constant 0 : index
    %get3A_284 = vector.load %arg11[%get3A_282, %get3A_283] : memref<16x128xf32, #tpu.memory_space<vmem>>, vector<1x128xf32>
    %jit3A_285 = arith.constant 0.000000e+00 : f32
    %broadcast_in_dim3A_286 = vector.shape_cast %eq3A_266 : vector<1000x1xi1> to vector<1000x1xi1>
    %broadcast_in_dim3A_287 = vector.broadcast %broadcast_in_dim3A_286 : vector<1000x1xi1> to vector<1000x128xi1>
    %broadcast_in_dim3A_288 = vector.broadcast %jit3A_285 : f32 to vector<1000x128xf32>
    %select_n3A_289 = arith.select %broadcast_in_dim3A_287, %max3A_26, %broadcast_in_dim3A_288 : vector<1000x128xi1>, vector<1000x128xf32>
    %reduce_sum3A_290 = arith.constant dense<0.000000e+00> : vector<128xf32>
    %reduce_sum3A_291 = vector.multi_reduction <add>, %select_n3A_289, %reduce_sum3A_290 [0] : vector<1000x128xf32> to vector<128xf32>
    %broadcast_in_dim3A_292 = vector.shape_cast %reduce_sum3A_291 : vector<128xf32> to vector<1x128xf32>
    %add3A_293 = arith.addf %get3A_284, %broadcast_in_dim3A_292 : vector<1x128xf32>
    %swap3A_294 = arith.constant 5 : index
    %swap3A_295 = arith.constant 0 : index
    %swap3A_296 = vector.load %arg11[%swap3A_294, %swap3A_295] : memref<16x128xf32, #tpu.memory_space<vmem>>, vector<1x128xf32>
    tpu.vector_store %arg11[%swap3A_294, %swap3A_295], %add3A_293 {strides = array<i32>} : memref<16x128xf32, #tpu.memory_space<vmem>>, vector<1x128xf32>,
    %get3A_297 = arith.constant 5 : index
    %get3A_298 = arith.constant 0 : index
    %get3A_299 = vector.load %arg12[%get3A_297, %get3A_298] : memref<16x128xf32, #tpu.memory_space<vmem>>, vector<1x128xf32>
    %jit3A_300 = arith.constant 0xFF800000 : f32
    %broadcast_in_dim3A_301 = vector.shape_cast %eq3A_266 : vector<1000x1xi1> to vector<1000x1xi1>
    %broadcast_in_dim3A_302 = vector.broadcast %broadcast_in_dim3A_301 : vector<1000x1xi1> to vector<1000x128xi1>
    %broadcast_in_dim3A_303 = vector.broadcast %jit3A_300 : f32 to vector<1000x128xf32>
    %select_n3A_304 = arith.select %broadcast_in_dim3A_302, %max3A_26, %broadcast_in_dim3A_303 : vector<1000x128xi1>, vector<1000x128xf32>
    %reduce_max3A_305 = arith.constant dense<0xFF800000> : vector<128xf32>
    %reduce_max3A_306 = vector.multi_reduction <maximumf>, %select_n3A_304, %reduce_max3A_305 [0] : vector<1000x128xf32> to vector<128xf32>
    %broadcast_in_dim3A_307 = vector.shape_cast %reduce_max3A_306 : vector<128xf32> to vector<1x128xf32>
    %max3A_308 = arith.maximumf %get3A_299, %broadcast_in_dim3A_307 : vector<1x128xf32>
    %swap3A_309 = arith.constant 5 : index
    %swap3A_310 = arith.constant 0 : index
    %swap3A_311 = vector.load %arg12[%swap3A_309, %swap3A_310] : memref<16x128xf32, #tpu.memory_space<vmem>>, vector<1x128xf32>
    tpu.vector_store %arg12[%swap3A_309, %swap3A_310], %max3A_308 {strides = array<i32>} : memref<16x128xf32, #tpu.memory_space<vmem>>, vector<1x128xf32>,
    %eq3A_312 = arith.constant 6 : i32
    %eq3A_313 = vector.broadcast %eq3A_312 : i32 to vector<1000x1xi32>
    %eq3A_314 = arith.cmpi eq, %get3A_29, %eq3A_313 : vector<1000x1xi32>
    %get3A_315 = arith.constant 6 : index
    %get3A_316 = arith.constant 0 : index
    %get3A_317 = vector.load %arg13[%get3A_315, %get3A_316] : memref<16x128xf32, #tpu.memory_space<vmem>>, vector<1x128xf32>
    %convert_element_type3A_318 = arith.extui %eq3A_314 : vector<1000x1xi1> to vector<1000x1xi32>
    %convert_element_type3A_319 = arith.sitofp %convert_element_type3A_318 : vector<1000x1xi32> to vector<1000x1xf32>
    %reduce_sum3A_320 = vector.shape_cast %convert_element_type3A_319 : vector<1000x1xf32> to vector<1x1000x1xf32>
    %reduce_sum3A_321 = arith.constant dense<0.000000e+00> : vector<1xf32>
    %reduce_sum3A_322 = vector.multi_reduction <add>, %reduce_sum3A_320, %reduce_sum3A_321 [1, 2] : vector<1x1000x1xf32> to vector<1xf32>
    %reduce_sum3A_323 = vector.shape_cast %reduce_sum3A_322 : vector<1xf32> to vector<1x1x1xf32>
    %reduce_sum3A_324 = vector.extract %reduce_sum3A_323[0, 0, 0] : f32 from vector<1x1x1xf32>
    %add3A_325 = vector.broadcast %reduce_sum3A_324 : f32 to vector<1x128xf32>
    %add3A_326 = arith.addf %get3A_317, %add3A_325 : vector<1x128xf32>
    %swap3A_327 = arith.constant 6 : index
    %swap3A_328 = arith.constant 0 : index
    %swap3A_329 = vector.load %arg13[%swap3A_327, %swap3A_328] : memref<16x128xf32, #tpu.memory_space<vmem>>, vector<1x128xf32>
    tpu.vector_store %arg13[%swap3A_327, %swap3A_328], %add3A_326 {strides = array<i32>} : memref<16x128xf32, #tpu.memory_space<vmem>>, vector<1x128xf32>,
    %get3A_330 = arith.constant 6 : index
    %get3A_331 = arith.constant 0 : index
    %get3A_332 = vector.load %arg11[%get3A_330, %get3A_331] : memref<16x128xf32, #tpu.memory_space<vmem>>, vector<1x128xf32>
    %jit3A_333 = arith.constant 0.000000e+00 : f32
    %broadcast_in_dim3A_334 = vector.shape_cast %eq3A_314 : vector<1000x1xi1> to vector<1000x1xi1>
    %broadcast_in_dim3A_335 = vector.broadcast %broadcast_in_dim3A_334 : vector<1000x1xi1> to vector<1000x128xi1>
    %broadcast_in_dim3A_336 = vector.broadcast %jit3A_333 : f32 to vector<1000x128xf32>
    %select_n3A_337 = arith.select %broadcast_in_dim3A_335, %max3A_26, %broadcast_in_dim3A_336 : vector<1000x128xi1>, vector<1000x128xf32>
    %reduce_sum3A_338 = arith.constant dense<0.000000e+00> : vector<128xf32>
    %reduce_sum3A_339 = vector.multi_reduction <add>, %select_n3A_337, %reduce_sum3A_338 [0] : vector<1000x128xf32> to vector<128xf32>
    %broadcast_in_dim3A_340 = vector.shape_cast %reduce_sum3A_339 : vector<128xf32> to vector<1x128xf32>
    %add3A_341 = arith.addf %get3A_332, %broadcast_in_dim3A_340 : vector<1x128xf32>
    %swap3A_342 = arith.constant 6 : index
    %swap3A_343 = arith.constant 0 : index
    %swap3A_344 = vector.load %arg11[%swap3A_342, %swap3A_343] : memref<16x128xf32, #tpu.memory_space<vmem>>, vector<1x128xf32>
    tpu.vector_store %arg11[%swap3A_342, %swap3A_343], %add3A_341 {strides = array<i32>} : memref<16x128xf32, #tpu.memory_space<vmem>>, vector<1x128xf32>,
    %get3A_345 = arith.constant 6 : index
    %get3A_346 = arith.constant 0 : index
    %get3A_347 = vector.load %arg12[%get3A_345, %get3A_346] : memref<16x128xf32, #tpu.memory_space<vmem>>, vector<1x128xf32>
    %jit3A_348 = arith.constant 0xFF800000 : f32
    %broadcast_in_dim3A_349 = vector.shape_cast %eq3A_314 : vector<1000x1xi1> to vector<1000x1xi1>
    %broadcast_in_dim3A_350 = vector.broadcast %broadcast_in_dim3A_349 : vector<1000x1xi1> to vector<1000x128xi1>
    %broadcast_in_dim3A_351 = vector.broadcast %jit3A_348 : f32 to vector<1000x128xf32>
    %select_n3A_352 = arith.select %broadcast_in_dim3A_350, %max3A_26, %broadcast_in_dim3A_351 : vector<1000x128xi1>, vector<1000x128xf32>
    %reduce_max3A_353 = arith.constant dense<0xFF800000> : vector<128xf32>
    %reduce_max3A_354 = vector.multi_reduction <maximumf>, %select_n3A_352, %reduce_max3A_353 [0] : vector<1000x128xf32> to vector<128xf32>
    %broadcast_in_dim3A_355 = vector.shape_cast %reduce_max3A_354 : vector<128xf32> to vector<1x128xf32>
    %max3A_356 = arith.maximumf %get3A_347, %broadcast_in_dim3A_355 : vector<1x128xf32>
    %swap3A_357 = arith.constant 6 : index
    %swap3A_358 = arith.constant 0 : index
    %swap3A_359 = vector.load %arg12[%swap3A_357, %swap3A_358] : memref<16x128xf32, #tpu.memory_space<vmem>>, vector<1x128xf32>
    tpu.vector_store %arg12[%swap3A_357, %swap3A_358], %max3A_356 {strides = array<i32>} : memref<16x128xf32, #tpu.memory_space<vmem>>, vector<1x128xf32>,
    %eq3A_360 = arith.constant 7 : i32
    %eq3A_361 = vector.broadcast %eq3A_360 : i32 to vector<1000x1xi32>
    %eq3A_362 = arith.cmpi eq, %get3A_29, %eq3A_361 : vector<1000x1xi32>
    %get3A_363 = arith.constant 7 : index
    %get3A_364 = arith.constant 0 : index
    %get3A_365 = vector.load %arg13[%get3A_363, %get3A_364] : memref<16x128xf32, #tpu.memory_space<vmem>>, vector<1x128xf32>
    %convert_element_type3A_366 = arith.extui %eq3A_362 : vector<1000x1xi1> to vector<1000x1xi32>
    %convert_element_type3A_367 = arith.sitofp %convert_element_type3A_366 : vector<1000x1xi32> to vector<1000x1xf32>
    %reduce_sum3A_368 = vector.shape_cast %convert_element_type3A_367 : vector<1000x1xf32> to vector<1x1000x1xf32>
    %reduce_sum3A_369 = arith.constant dense<0.000000e+00> : vector<1xf32>
    %reduce_sum3A_370 = vector.multi_reduction <add>, %reduce_sum3A_368, %reduce_sum3A_369 [1, 2] : vector<1x1000x1xf32> to vector<1xf32>
    %reduce_sum3A_371 = vector.shape_cast %reduce_sum3A_370 : vector<1xf32> to vector<1x1x1xf32>
    %reduce_sum3A_372 = vector.extract %reduce_sum3A_371[0, 0, 0] : f32 from vector<1x1x1xf32>
    %add3A_373 = vector.broadcast %reduce_sum3A_372 : f32 to vector<1x128xf32>
    %add3A_374 = arith.addf %get3A_365, %add3A_373 : vector<1x128xf32>
    %swap3A_375 = arith.constant 7 : index
    %swap3A_376 = arith.constant 0 : index
    %swap3A_377 = vector.load %arg13[%swap3A_375, %swap3A_376] : memref<16x128xf32, #tpu.memory_space<vmem>>, vector<1x128xf32>
    tpu.vector_store %arg13[%swap3A_375, %swap3A_376], %add3A_374 {strides = array<i32>} : memref<16x128xf32, #tpu.memory_space<vmem>>, vector<1x128xf32>,
    %get3A_378 = arith.constant 7 : index
    %get3A_379 = arith.constant 0 : index
    %get3A_380 = vector.load %arg11[%get3A_378, %get3A_379] : memref<16x128xf32, #tpu.memory_space<vmem>>, vector<1x128xf32>
    %jit3A_381 = arith.constant 0.000000e+00 : f32
    %broadcast_in_dim3A_382 = vector.shape_cast %eq3A_362 : vector<1000x1xi1> to vector<1000x1xi1>
    %broadcast_in_dim3A_383 = vector.broadcast %broadcast_in_dim3A_382 : vector<1000x1xi1> to vector<1000x128xi1>
    %broadcast_in_dim3A_384 = vector.broadcast %jit3A_381 : f32 to vector<1000x128xf32>
    %select_n3A_385 = arith.select %broadcast_in_dim3A_383, %max3A_26, %broadcast_in_dim3A_384 : vector<1000x128xi1>, vector<1000x128xf32>
    %reduce_sum3A_386 = arith.constant dense<0.000000e+00> : vector<128xf32>
    %reduce_sum3A_387 = vector.multi_reduction <add>, %select_n3A_385, %reduce_sum3A_386 [0] : vector<1000x128xf32> to vector<128xf32>
    %broadcast_in_dim3A_388 = vector.shape_cast %reduce_sum3A_387 : vector<128xf32> to vector<1x128xf32>
    %add3A_389 = arith.addf %get3A_380, %broadcast_in_dim3A_388 : vector<1x128xf32>
    %swap3A_390 = arith.constant 7 : index
    %swap3A_391 = arith.constant 0 : index
    %swap3A_392 = vector.load %arg11[%swap3A_390, %swap3A_391] : memref<16x128xf32, #tpu.memory_space<vmem>>, vector<1x128xf32>
    tpu.vector_store %arg11[%swap3A_390, %swap3A_391], %add3A_389 {strides = array<i32>} : memref<16x128xf32, #tpu.memory_space<vmem>>, vector<1x128xf32>,
    %get3A_393 = arith.constant 7 : index
    %get3A_394 = arith.constant 0 : index
    %get3A_395 = vector.load %arg12[%get3A_393, %get3A_394] : memref<16x128xf32, #tpu.memory_space<vmem>>, vector<1x128xf32>
    %jit3A_396 = arith.constant 0xFF800000 : f32
    %broadcast_in_dim3A_397 = vector.shape_cast %eq3A_362 : vector<1000x1xi1> to vector<1000x1xi1>
    %broadcast_in_dim3A_398 = vector.broadcast %broadcast_in_dim3A_397 : vector<1000x1xi1> to vector<1000x128xi1>
    %broadcast_in_dim3A_399 = vector.broadcast %jit3A_396 : f32 to vector<1000x128xf32>
    %select_n3A_400 = arith.select %broadcast_in_dim3A_398, %max3A_26, %broadcast_in_dim3A_399 : vector<1000x128xi1>, vector<1000x128xf32>
    %reduce_max3A_401 = arith.constant dense<0xFF800000> : vector<128xf32>
    %reduce_max3A_402 = vector.multi_reduction <maximumf>, %select_n3A_400, %reduce_max3A_401 [0] : vector<1000x128xf32> to vector<128xf32>
    %broadcast_in_dim3A_403 = vector.shape_cast %reduce_max3A_402 : vector<128xf32> to vector<1x128xf32>
    %max3A_404 = arith.maximumf %get3A_395, %broadcast_in_dim3A_403 : vector<1x128xf32>
    %swap3A_405 = arith.constant 7 : index
    %swap3A_406 = arith.constant 0 : index
    %swap3A_407 = vector.load %arg12[%swap3A_405, %swap3A_406] : memref<16x128xf32, #tpu.memory_space<vmem>>, vector<1x128xf32>
    tpu.vector_store %arg12[%swap3A_405, %swap3A_406], %max3A_404 {strides = array<i32>} : memref<16x128xf32, #tpu.memory_space<vmem>>, vector<1x128xf32>,
    %eq3A_408 = arith.constant 8 : i32
    %eq3A_409 = vector.broadcast %eq3A_408 : i32 to vector<1000x1xi32>
    %eq3A_410 = arith.cmpi eq, %get3A_29, %eq3A_409 : vector<1000x1xi32>
    %get3A_411 = arith.constant 8 : index
    %get3A_412 = arith.constant 0 : index
    %get3A_413 = vector.load %arg13[%get3A_411, %get3A_412] : memref<16x128xf32, #tpu.memory_space<vmem>>, vector<1x128xf32>
    %convert_element_type3A_414 = arith.extui %eq3A_410 : vector<1000x1xi1> to vector<1000x1xi32>
    %convert_element_type3A_415 = arith.sitofp %convert_element_type3A_414 : vector<1000x1xi32> to vector<1000x1xf32>
    %reduce_sum3A_416 = vector.shape_cast %convert_element_type3A_415 : vector<1000x1xf32> to vector<1x1000x1xf32>
    %reduce_sum3A_417 = arith.constant dense<0.000000e+00> : vector<1xf32>
    %reduce_sum3A_418 = vector.multi_reduction <add>, %reduce_sum3A_416, %reduce_sum3A_417 [1, 2] : vector<1x1000x1xf32> to vector<1xf32>
    %reduce_sum3A_419 = vector.shape_cast %reduce_sum3A_418 : vector<1xf32> to vector<1x1x1xf32>
    %reduce_sum3A_420 = vector.extract %reduce_sum3A_419[0, 0, 0] : f32 from vector<1x1x1xf32>
    %add3A_421 = vector.broadcast %reduce_sum3A_420 : f32 to vector<1x128xf32>
    %add3A_422 = arith.addf %get3A_413, %add3A_421 : vector<1x128xf32>
    %swap3A_423 = arith.constant 8 : index
    %swap3A_424 = arith.constant 0 : index
    %swap3A_425 = vector.load %arg13[%swap3A_423, %swap3A_424] : memref<16x128xf32, #tpu.memory_space<vmem>>, vector<1x128xf32>
    tpu.vector_store %arg13[%swap3A_423, %swap3A_424], %add3A_422 {strides = array<i32>} : memref<16x128xf32, #tpu.memory_space<vmem>>, vector<1x128xf32>,
    %get3A_426 = arith.constant 8 : index
    %get3A_427 = arith.constant 0 : index
    %get3A_428 = vector.load %arg11[%get3A_426, %get3A_427] : memref<16x128xf32, #tpu.memory_space<vmem>>, vector<1x128xf32>
    %jit3A_429 = arith.constant 0.000000e+00 : f32
    %broadcast_in_dim3A_430 = vector.shape_cast %eq3A_410 : vector<1000x1xi1> to vector<1000x1xi1>
    %broadcast_in_dim3A_431 = vector.broadcast %broadcast_in_dim3A_430 : vector<1000x1xi1> to vector<1000x128xi1>
    %broadcast_in_dim3A_432 = vector.broadcast %jit3A_429 : f32 to vector<1000x128xf32>
    %select_n3A_433 = arith.select %broadcast_in_dim3A_431, %max3A_26, %broadcast_in_dim3A_432 : vector<1000x128xi1>, vector<1000x128xf32>
    %reduce_sum3A_434 = arith.constant dense<0.000000e+00> : vector<128xf32>
    %reduce_sum3A_435 = vector.multi_reduction <add>, %select_n3A_433, %reduce_sum3A_434 [0] : vector<1000x128xf32> to vector<128xf32>
    %broadcast_in_dim3A_436 = vector.shape_cast %reduce_sum3A_435 : vector<128xf32> to vector<1x128xf32>
    %add3A_437 = arith.addf %get3A_428, %broadcast_in_dim3A_436 : vector<1x128xf32>
    %swap3A_438 = arith.constant 8 : index
    %swap3A_439 = arith.constant 0 : index
    %swap3A_440 = vector.load %arg11[%swap3A_438, %swap3A_439] : memref<16x128xf32, #tpu.memory_space<vmem>>, vector<1x128xf32>
    tpu.vector_store %arg11[%swap3A_438, %swap3A_439], %add3A_437 {strides = array<i32>} : memref<16x128xf32, #tpu.memory_space<vmem>>, vector<1x128xf32>,
    %get3A_441 = arith.constant 8 : index
    %get3A_442 = arith.constant 0 : index
    %get3A_443 = vector.load %arg12[%get3A_441, %get3A_442] : memref<16x128xf32, #tpu.memory_space<vmem>>, vector<1x128xf32>
    %jit3A_444 = arith.constant 0xFF800000 : f32
    %broadcast_in_dim3A_445 = vector.shape_cast %eq3A_410 : vector<1000x1xi1> to vector<1000x1xi1>
    %broadcast_in_dim3A_446 = vector.broadcast %broadcast_in_dim3A_445 : vector<1000x1xi1> to vector<1000x128xi1>
    %broadcast_in_dim3A_447 = vector.broadcast %jit3A_444 : f32 to vector<1000x128xf32>
    %select_n3A_448 = arith.select %broadcast_in_dim3A_446, %max3A_26, %broadcast_in_dim3A_447 : vector<1000x128xi1>, vector<1000x128xf32>
    %reduce_max3A_449 = arith.constant dense<0xFF800000> : vector<128xf32>
    %reduce_max3A_450 = vector.multi_reduction <maximumf>, %select_n3A_448, %reduce_max3A_449 [0] : vector<1000x128xf32> to vector<128xf32>
    %broadcast_in_dim3A_451 = vector.shape_cast %reduce_max3A_450 : vector<128xf32> to vector<1x128xf32>
    %max3A_452 = arith.maximumf %get3A_443, %broadcast_in_dim3A_451 : vector<1x128xf32>
    %swap3A_453 = arith.constant 8 : index
    %swap3A_454 = arith.constant 0 : index
    %swap3A_455 = vector.load %arg12[%swap3A_453, %swap3A_454] : memref<16x128xf32, #tpu.memory_space<vmem>>, vector<1x128xf32>
    tpu.vector_store %arg12[%swap3A_453, %swap3A_454], %max3A_452 {strides = array<i32>} : memref<16x128xf32, #tpu.memory_space<vmem>>, vector<1x128xf32>,
    %eq3A_456 = arith.constant 9 : i32
    %eq3A_457 = vector.broadcast %eq3A_456 : i32 to vector<1000x1xi32>
    %eq3A_458 = arith.cmpi eq, %get3A_29, %eq3A_457 : vector<1000x1xi32>
    %get3A_459 = arith.constant 9 : index
    %get3A_460 = arith.constant 0 : index
    %get3A_461 = vector.load %arg13[%get3A_459, %get3A_460] : memref<16x128xf32, #tpu.memory_space<vmem>>, vector<1x128xf32>
    %convert_element_type3A_462 = arith.extui %eq3A_458 : vector<1000x1xi1> to vector<1000x1xi32>
    %convert_element_type3A_463 = arith.sitofp %convert_element_type3A_462 : vector<1000x1xi32> to vector<1000x1xf32>
    %reduce_sum3A_464 = vector.shape_cast %convert_element_type3A_463 : vector<1000x1xf32> to vector<1x1000x1xf32>
    %reduce_sum3A_465 = arith.constant dense<0.000000e+00> : vector<1xf32>
    %reduce_sum3A_466 = vector.multi_reduction <add>, %reduce_sum3A_464, %reduce_sum3A_465 [1, 2] : vector<1x1000x1xf32> to vector<1xf32>
    %reduce_sum3A_467 = vector.shape_cast %reduce_sum3A_466 : vector<1xf32> to vector<1x1x1xf32>
    %reduce_sum3A_468 = vector.extract %reduce_sum3A_467[0, 0, 0] : f32 from vector<1x1x1xf32>
    %add3A_469 = vector.broadcast %reduce_sum3A_468 : f32 to vector<1x128xf32>
    %add3A_470 = arith.addf %get3A_461, %add3A_469 : vector<1x128xf32>
    %swap3A_471 = arith.constant 9 : index
    %swap3A_472 = arith.constant 0 : index
    %swap3A_473 = vector.load %arg13[%swap3A_471, %swap3A_472] : memref<16x128xf32, #tpu.memory_space<vmem>>, vector<1x128xf32>
    tpu.vector_store %arg13[%swap3A_471, %swap3A_472], %add3A_470 {strides = array<i32>} : memref<16x128xf32, #tpu.memory_space<vmem>>, vector<1x128xf32>,
    %get3A_474 = arith.constant 9 : index
    %get3A_475 = arith.constant 0 : index
    %get3A_476 = vector.load %arg11[%get3A_474, %get3A_475] : memref<16x128xf32, #tpu.memory_space<vmem>>, vector<1x128xf32>
    %jit3A_477 = arith.constant 0.000000e+00 : f32
    %broadcast_in_dim3A_478 = vector.shape_cast %eq3A_458 : vector<1000x1xi1> to vector<1000x1xi1>
    %broadcast_in_dim3A_479 = vector.broadcast %broadcast_in_dim3A_478 : vector<1000x1xi1> to vector<1000x128xi1>
    %broadcast_in_dim3A_480 = vector.broadcast %jit3A_477 : f32 to vector<1000x128xf32>
    %select_n3A_481 = arith.select %broadcast_in_dim3A_479, %max3A_26, %broadcast_in_dim3A_480 : vector<1000x128xi1>, vector<1000x128xf32>
    %reduce_sum3A_482 = arith.constant dense<0.000000e+00> : vector<128xf32>
    %reduce_sum3A_483 = vector.multi_reduction <add>, %select_n3A_481, %reduce_sum3A_482 [0] : vector<1000x128xf32> to vector<128xf32>
    %broadcast_in_dim3A_484 = vector.shape_cast %reduce_sum3A_483 : vector<128xf32> to vector<1x128xf32>
    %add3A_485 = arith.addf %get3A_476, %broadcast_in_dim3A_484 : vector<1x128xf32>
    %swap3A_486 = arith.constant 9 : index
    %swap3A_487 = arith.constant 0 : index
    %swap3A_488 = vector.load %arg11[%swap3A_486, %swap3A_487] : memref<16x128xf32, #tpu.memory_space<vmem>>, vector<1x128xf32>
    tpu.vector_store %arg11[%swap3A_486, %swap3A_487], %add3A_485 {strides = array<i32>} : memref<16x128xf32, #tpu.memory_space<vmem>>, vector<1x128xf32>,
    %get3A_489 = arith.constant 9 : index
    %get3A_490 = arith.constant 0 : index
    %get3A_491 = vector.load %arg12[%get3A_489, %get3A_490] : memref<16x128xf32, #tpu.memory_space<vmem>>, vector<1x128xf32>
    %jit3A_492 = arith.constant 0xFF800000 : f32
    %broadcast_in_dim3A_493 = vector.shape_cast %eq3A_458 : vector<1000x1xi1> to vector<1000x1xi1>
    %broadcast_in_dim3A_494 = vector.broadcast %broadcast_in_dim3A_493 : vector<1000x1xi1> to vector<1000x128xi1>
    %broadcast_in_dim3A_495 = vector.broadcast %jit3A_492 : f32 to vector<1000x128xf32>
    %select_n3A_496 = arith.select %broadcast_in_dim3A_494, %max3A_26, %broadcast_in_dim3A_495 : vector<1000x128xi1>, vector<1000x128xf32>
    %reduce_max3A_497 = arith.constant dense<0xFF800000> : vector<128xf32>
    %reduce_max3A_498 = vector.multi_reduction <maximumf>, %select_n3A_496, %reduce_max3A_497 [0] : vector<1000x128xf32> to vector<128xf32>
    %broadcast_in_dim3A_499 = vector.shape_cast %reduce_max3A_498 : vector<128xf32> to vector<1x128xf32>
    %max3A_500 = arith.maximumf %get3A_491, %broadcast_in_dim3A_499 : vector<1x128xf32>
    %swap3A_501 = arith.constant 9 : index
    %swap3A_502 = arith.constant 0 : index
    %swap3A_503 = vector.load %arg12[%swap3A_501, %swap3A_502] : memref<16x128xf32, #tpu.memory_space<vmem>>, vector<1x128xf32>
    tpu.vector_store %arg12[%swap3A_501, %swap3A_502], %max3A_500 {strides = array<i32>} : memref<16x128xf32, #tpu.memory_space<vmem>>, vector<1x128xf32>,
    %eq3A_504 = arith.constant 10 : i32
    %eq3A_505 = vector.broadcast %eq3A_504 : i32 to vector<1000x1xi32>
    %eq3A_506 = arith.cmpi eq, %get3A_29, %eq3A_505 : vector<1000x1xi32>
    %get3A_507 = arith.constant 10 : index
    %get3A_508 = arith.constant 0 : index
    %get3A_509 = vector.load %arg13[%get3A_507, %get3A_508] : memref<16x128xf32, #tpu.memory_space<vmem>>, vector<1x128xf32>
    %convert_element_type3A_510 = arith.extui %eq3A_506 : vector<1000x1xi1> to vector<1000x1xi32>
    %convert_element_type3A_511 = arith.sitofp %convert_element_type3A_510 : vector<1000x1xi32> to vector<1000x1xf32>
    %reduce_sum3A_512 = vector.shape_cast %convert_element_type3A_511 : vector<1000x1xf32> to vector<1x1000x1xf32>
    %reduce_sum3A_513 = arith.constant dense<0.000000e+00> : vector<1xf32>
    %reduce_sum3A_514 = vector.multi_reduction <add>, %reduce_sum3A_512, %reduce_sum3A_513 [1, 2] : vector<1x1000x1xf32> to vector<1xf32>
    %reduce_sum3A_515 = vector.shape_cast %reduce_sum3A_514 : vector<1xf32> to vector<1x1x1xf32>
    %reduce_sum3A_516 = vector.extract %reduce_sum3A_515[0, 0, 0] : f32 from vector<1x1x1xf32>
    %add3A_517 = vector.broadcast %reduce_sum3A_516 : f32 to vector<1x128xf32>
    %add3A_518 = arith.addf %get3A_509, %add3A_517 : vector<1x128xf32>
    %swap3A_519 = arith.constant 10 : index
    %swap3A_520 = arith.constant 0 : index
    %swap3A_521 = vector.load %arg13[%swap3A_519, %swap3A_520] : memref<16x128xf32, #tpu.memory_space<vmem>>, vector<1x128xf32>
    tpu.vector_store %arg13[%swap3A_519, %swap3A_520], %add3A_518 {strides = array<i32>} : memref<16x128xf32, #tpu.memory_space<vmem>>, vector<1x128xf32>,
    %get3A_522 = arith.constant 10 : index
    %get3A_523 = arith.constant 0 : index
    %get3A_524 = vector.load %arg11[%get3A_522, %get3A_523] : memref<16x128xf32, #tpu.memory_space<vmem>>, vector<1x128xf32>
    %jit3A_525 = arith.constant 0.000000e+00 : f32
    %broadcast_in_dim3A_526 = vector.shape_cast %eq3A_506 : vector<1000x1xi1> to vector<1000x1xi1>
    %broadcast_in_dim3A_527 = vector.broadcast %broadcast_in_dim3A_526 : vector<1000x1xi1> to vector<1000x128xi1>
    %broadcast_in_dim3A_528 = vector.broadcast %jit3A_525 : f32 to vector<1000x128xf32>
    %select_n3A_529 = arith.select %broadcast_in_dim3A_527, %max3A_26, %broadcast_in_dim3A_528 : vector<1000x128xi1>, vector<1000x128xf32>
    %reduce_sum3A_530 = arith.constant dense<0.000000e+00> : vector<128xf32>
    %reduce_sum3A_531 = vector.multi_reduction <add>, %select_n3A_529, %reduce_sum3A_530 [0] : vector<1000x128xf32> to vector<128xf32>
    %broadcast_in_dim3A_532 = vector.shape_cast %reduce_sum3A_531 : vector<128xf32> to vector<1x128xf32>
    %add3A_533 = arith.addf %get3A_524, %broadcast_in_dim3A_532 : vector<1x128xf32>
    %swap3A_534 = arith.constant 10 : index
    %swap3A_535 = arith.constant 0 : index
    %swap3A_536 = vector.load %arg11[%swap3A_534, %swap3A_535] : memref<16x128xf32, #tpu.memory_space<vmem>>, vector<1x128xf32>
    tpu.vector_store %arg11[%swap3A_534, %swap3A_535], %add3A_533 {strides = array<i32>} : memref<16x128xf32, #tpu.memory_space<vmem>>, vector<1x128xf32>,
    %get3A_537 = arith.constant 10 : index
    %get3A_538 = arith.constant 0 : index
    %get3A_539 = vector.load %arg12[%get3A_537, %get3A_538] : memref<16x128xf32, #tpu.memory_space<vmem>>, vector<1x128xf32>
    %jit3A_540 = arith.constant 0xFF800000 : f32
    %broadcast_in_dim3A_541 = vector.shape_cast %eq3A_506 : vector<1000x1xi1> to vector<1000x1xi1>
    %broadcast_in_dim3A_542 = vector.broadcast %broadcast_in_dim3A_541 : vector<1000x1xi1> to vector<1000x128xi1>
    %broadcast_in_dim3A_543 = vector.broadcast %jit3A_540 : f32 to vector<1000x128xf32>
    %select_n3A_544 = arith.select %broadcast_in_dim3A_542, %max3A_26, %broadcast_in_dim3A_543 : vector<1000x128xi1>, vector<1000x128xf32>
    %reduce_max3A_545 = arith.constant dense<0xFF800000> : vector<128xf32>
    %reduce_max3A_546 = vector.multi_reduction <maximumf>, %select_n3A_544, %reduce_max3A_545 [0] : vector<1000x128xf32> to vector<128xf32>
    %broadcast_in_dim3A_547 = vector.shape_cast %reduce_max3A_546 : vector<128xf32> to vector<1x128xf32>
    %max3A_548 = arith.maximumf %get3A_539, %broadcast_in_dim3A_547 : vector<1x128xf32>
    %swap3A_549 = arith.constant 10 : index
    %swap3A_550 = arith.constant 0 : index
    %swap3A_551 = vector.load %arg12[%swap3A_549, %swap3A_550] : memref<16x128xf32, #tpu.memory_space<vmem>>, vector<1x128xf32>
    tpu.vector_store %arg12[%swap3A_549, %swap3A_550], %max3A_548 {strides = array<i32>} : memref<16x128xf32, #tpu.memory_space<vmem>>, vector<1x128xf32>,
    %eq3A_552 = arith.constant 11 : i32
    %eq3A_553 = vector.broadcast %eq3A_552 : i32 to vector<1000x1xi32>
    %eq3A_554 = arith.cmpi eq, %get3A_29, %eq3A_553 : vector<1000x1xi32>
    %get3A_555 = arith.constant 11 : index
    %get3A_556 = arith.constant 0 : index
    %get3A_557 = vector.load %arg13[%get3A_555, %get3A_556] : memref<16x128xf32, #tpu.memory_space<vmem>>, vector<1x128xf32>
    %convert_element_type3A_558 = arith.extui %eq3A_554 : vector<1000x1xi1> to vector<1000x1xi32>
    %convert_element_type3A_559 = arith.sitofp %convert_element_type3A_558 : vector<1000x1xi32> to vector<1000x1xf32>
    %reduce_sum3A_560 = vector.shape_cast %convert_element_type3A_559 : vector<1000x1xf32> to vector<1x1000x1xf32>
    %reduce_sum3A_561 = arith.constant dense<0.000000e+00> : vector<1xf32>
    %reduce_sum3A_562 = vector.multi_reduction <add>, %reduce_sum3A_560, %reduce_sum3A_561 [1, 2] : vector<1x1000x1xf32> to vector<1xf32>
    %reduce_sum3A_563 = vector.shape_cast %reduce_sum3A_562 : vector<1xf32> to vector<1x1x1xf32>
    %reduce_sum3A_564 = vector.extract %reduce_sum3A_563[0, 0, 0] : f32 from vector<1x1x1xf32>
    %add3A_565 = vector.broadcast %reduce_sum3A_564 : f32 to vector<1x128xf32>
    %add3A_566 = arith.addf %get3A_557, %add3A_565 : vector<1x128xf32>
    %swap3A_567 = arith.constant 11 : index
    %swap3A_568 = arith.constant 0 : index
    %swap3A_569 = vector.load %arg13[%swap3A_567, %swap3A_568] : memref<16x128xf32, #tpu.memory_space<vmem>>, vector<1x128xf32>
    tpu.vector_store %arg13[%swap3A_567, %swap3A_568], %add3A_566 {strides = array<i32>} : memref<16x128xf32, #tpu.memory_space<vmem>>, vector<1x128xf32>,
    %get3A_570 = arith.constant 11 : index
    %get3A_571 = arith.constant 0 : index
    %get3A_572 = vector.load %arg11[%get3A_570, %get3A_571] : memref<16x128xf32, #tpu.memory_space<vmem>>, vector<1x128xf32>
    %jit3A_573 = arith.constant 0.000000e+00 : f32
    %broadcast_in_dim3A_574 = vector.shape_cast %eq3A_554 : vector<1000x1xi1> to vector<1000x1xi1>
    %broadcast_in_dim3A_575 = vector.broadcast %broadcast_in_dim3A_574 : vector<1000x1xi1> to vector<1000x128xi1>
    %broadcast_in_dim3A_576 = vector.broadcast %jit3A_573 : f32 to vector<1000x128xf32>
    %select_n3A_577 = arith.select %broadcast_in_dim3A_575, %max3A_26, %broadcast_in_dim3A_576 : vector<1000x128xi1>, vector<1000x128xf32>
    %reduce_sum3A_578 = arith.constant dense<0.000000e+00> : vector<128xf32>
    %reduce_sum3A_579 = vector.multi_reduction <add>, %select_n3A_577, %reduce_sum3A_578 [0] : vector<1000x128xf32> to vector<128xf32>
    %broadcast_in_dim3A_580 = vector.shape_cast %reduce_sum3A_579 : vector<128xf32> to vector<1x128xf32>
    %add3A_581 = arith.addf %get3A_572, %broadcast_in_dim3A_580 : vector<1x128xf32>
    %swap3A_582 = arith.constant 11 : index
    %swap3A_583 = arith.constant 0 : index
    %swap3A_584 = vector.load %arg11[%swap3A_582, %swap3A_583] : memref<16x128xf32, #tpu.memory_space<vmem>>, vector<1x128xf32>
    tpu.vector_store %arg11[%swap3A_582, %swap3A_583], %add3A_581 {strides = array<i32>} : memref<16x128xf32, #tpu.memory_space<vmem>>, vector<1x128xf32>,
    %get3A_585 = arith.constant 11 : index
    %get3A_586 = arith.constant 0 : index
    %get3A_587 = vector.load %arg12[%get3A_585, %get3A_586] : memref<16x128xf32, #tpu.memory_space<vmem>>, vector<1x128xf32>
    %jit3A_588 = arith.constant 0xFF800000 : f32
    %broadcast_in_dim3A_589 = vector.shape_cast %eq3A_554 : vector<1000x1xi1> to vector<1000x1xi1>
    %broadcast_in_dim3A_590 = vector.broadcast %broadcast_in_dim3A_589 : vector<1000x1xi1> to vector<1000x128xi1>
    %broadcast_in_dim3A_591 = vector.broadcast %jit3A_588 : f32 to vector<1000x128xf32>
    %select_n3A_592 = arith.select %broadcast_in_dim3A_590, %max3A_26, %broadcast_in_dim3A_591 : vector<1000x128xi1>, vector<1000x128xf32>
    %reduce_max3A_593 = arith.constant dense<0xFF800000> : vector<128xf32>
    %reduce_max3A_594 = vector.multi_reduction <maximumf>, %select_n3A_592, %reduce_max3A_593 [0] : vector<1000x128xf32> to vector<128xf32>
    %broadcast_in_dim3A_595 = vector.shape_cast %reduce_max3A_594 : vector<128xf32> to vector<1x128xf32>
    %max3A_596 = arith.maximumf %get3A_587, %broadcast_in_dim3A_595 : vector<1x128xf32>
    %swap3A_597 = arith.constant 11 : index
    %swap3A_598 = arith.constant 0 : index
    %swap3A_599 = vector.load %arg12[%swap3A_597, %swap3A_598] : memref<16x128xf32, #tpu.memory_space<vmem>>, vector<1x128xf32>
    tpu.vector_store %arg12[%swap3A_597, %swap3A_598], %max3A_596 {strides = array<i32>} : memref<16x128xf32, #tpu.memory_space<vmem>>, vector<1x128xf32>,
    %eq3A_600 = arith.constant 12 : i32
    %eq3A_601 = vector.broadcast %eq3A_600 : i32 to vector<1000x1xi32>
    %eq3A_602 = arith.cmpi eq, %get3A_29, %eq3A_601 : vector<1000x1xi32>
    %get3A_603 = arith.constant 12 : index
    %get3A_604 = arith.constant 0 : index
    %get3A_605 = vector.load %arg13[%get3A_603, %get3A_604] : memref<16x128xf32, #tpu.memory_space<vmem>>, vector<1x128xf32>
    %convert_element_type3A_606 = arith.extui %eq3A_602 : vector<1000x1xi1> to vector<1000x1xi32>
    %convert_element_type3A_607 = arith.sitofp %convert_element_type3A_606 : vector<1000x1xi32> to vector<1000x1xf32>
    %reduce_sum3A_608 = vector.shape_cast %convert_element_type3A_607 : vector<1000x1xf32> to vector<1x1000x1xf32>
    %reduce_sum3A_609 = arith.constant dense<0.000000e+00> : vector<1xf32>
    %reduce_sum3A_610 = vector.multi_reduction <add>, %reduce_sum3A_608, %reduce_sum3A_609 [1, 2] : vector<1x1000x1xf32> to vector<1xf32>
    %reduce_sum3A_611 = vector.shape_cast %reduce_sum3A_610 : vector<1xf32> to vector<1x1x1xf32>
    %reduce_sum3A_612 = vector.extract %reduce_sum3A_611[0, 0, 0] : f32 from vector<1x1x1xf32>
    %add3A_613 = vector.broadcast %reduce_sum3A_612 : f32 to vector<1x128xf32>
    %add3A_614 = arith.addf %get3A_605, %add3A_613 : vector<1x128xf32>
    %swap3A_615 = arith.constant 12 : index
    %swap3A_616 = arith.constant 0 : index
    %swap3A_617 = vector.load %arg13[%swap3A_615, %swap3A_616] : memref<16x128xf32, #tpu.memory_space<vmem>>, vector<1x128xf32>
    tpu.vector_store %arg13[%swap3A_615, %swap3A_616], %add3A_614 {strides = array<i32>} : memref<16x128xf32, #tpu.memory_space<vmem>>, vector<1x128xf32>,
    %get3A_618 = arith.constant 12 : index
    %get3A_619 = arith.constant 0 : index
    %get3A_620 = vector.load %arg11[%get3A_618, %get3A_619] : memref<16x128xf32, #tpu.memory_space<vmem>>, vector<1x128xf32>
    %jit3A_621 = arith.constant 0.000000e+00 : f32
    %broadcast_in_dim3A_622 = vector.shape_cast %eq3A_602 : vector<1000x1xi1> to vector<1000x1xi1>
    %broadcast_in_dim3A_623 = vector.broadcast %broadcast_in_dim3A_622 : vector<1000x1xi1> to vector<1000x128xi1>
    %broadcast_in_dim3A_624 = vector.broadcast %jit3A_621 : f32 to vector<1000x128xf32>
    %select_n3A_625 = arith.select %broadcast_in_dim3A_623, %max3A_26, %broadcast_in_dim3A_624 : vector<1000x128xi1>, vector<1000x128xf32>
    %reduce_sum3A_626 = arith.constant dense<0.000000e+00> : vector<128xf32>
    %reduce_sum3A_627 = vector.multi_reduction <add>, %select_n3A_625, %reduce_sum3A_626 [0] : vector<1000x128xf32> to vector<128xf32>
    %broadcast_in_dim3A_628 = vector.shape_cast %reduce_sum3A_627 : vector<128xf32> to vector<1x128xf32>
    %add3A_629 = arith.addf %get3A_620, %broadcast_in_dim3A_628 : vector<1x128xf32>
    %swap3A_630 = arith.constant 12 : index
    %swap3A_631 = arith.constant 0 : index
    %swap3A_632 = vector.load %arg11[%swap3A_630, %swap3A_631] : memref<16x128xf32, #tpu.memory_space<vmem>>, vector<1x128xf32>
    tpu.vector_store %arg11[%swap3A_630, %swap3A_631], %add3A_629 {strides = array<i32>} : memref<16x128xf32, #tpu.memory_space<vmem>>, vector<1x128xf32>,
    %get3A_633 = arith.constant 12 : index
    %get3A_634 = arith.constant 0 : index
    %get3A_635 = vector.load %arg12[%get3A_633, %get3A_634] : memref<16x128xf32, #tpu.memory_space<vmem>>, vector<1x128xf32>
    %jit3A_636 = arith.constant 0xFF800000 : f32
    %broadcast_in_dim3A_637 = vector.shape_cast %eq3A_602 : vector<1000x1xi1> to vector<1000x1xi1>
    %broadcast_in_dim3A_638 = vector.broadcast %broadcast_in_dim3A_637 : vector<1000x1xi1> to vector<1000x128xi1>
    %broadcast_in_dim3A_639 = vector.broadcast %jit3A_636 : f32 to vector<1000x128xf32>
    %select_n3A_640 = arith.select %broadcast_in_dim3A_638, %max3A_26, %broadcast_in_dim3A_639 : vector<1000x128xi1>, vector<1000x128xf32>
    %reduce_max3A_641 = arith.constant dense<0xFF800000> : vector<128xf32>
    %reduce_max3A_642 = vector.multi_reduction <maximumf>, %select_n3A_640, %reduce_max3A_641 [0] : vector<1000x128xf32> to vector<128xf32>
    %broadcast_in_dim3A_643 = vector.shape_cast %reduce_max3A_642 : vector<128xf32> to vector<1x128xf32>
    %max3A_644 = arith.maximumf %get3A_635, %broadcast_in_dim3A_643 : vector<1x128xf32>
    %swap3A_645 = arith.constant 12 : index
    %swap3A_646 = arith.constant 0 : index
    %swap3A_647 = vector.load %arg12[%swap3A_645, %swap3A_646] : memref<16x128xf32, #tpu.memory_space<vmem>>, vector<1x128xf32>
    tpu.vector_store %arg12[%swap3A_645, %swap3A_646], %max3A_644 {strides = array<i32>} : memref<16x128xf32, #tpu.memory_space<vmem>>, vector<1x128xf32>,
    %eq3A_648 = arith.constant 13 : i32
    %eq3A_649 = vector.broadcast %eq3A_648 : i32 to vector<1000x1xi32>
    %eq3A_650 = arith.cmpi eq, %get3A_29, %eq3A_649 : vector<1000x1xi32>
    %get3A_651 = arith.constant 13 : index
    %get3A_652 = arith.constant 0 : index
    %get3A_653 = vector.load %arg13[%get3A_651, %get3A_652] : memref<16x128xf32, #tpu.memory_space<vmem>>, vector<1x128xf32>
    %convert_element_type3A_654 = arith.extui %eq3A_650 : vector<1000x1xi1> to vector<1000x1xi32>
    %convert_element_type3A_655 = arith.sitofp %convert_element_type3A_654 : vector<1000x1xi32> to vector<1000x1xf32>
    %reduce_sum3A_656 = vector.shape_cast %convert_element_type3A_655 : vector<1000x1xf32> to vector<1x1000x1xf32>
    %reduce_sum3A_657 = arith.constant dense<0.000000e+00> : vector<1xf32>
    %reduce_sum3A_658 = vector.multi_reduction <add>, %reduce_sum3A_656, %reduce_sum3A_657 [1, 2] : vector<1x1000x1xf32> to vector<1xf32>
    %reduce_sum3A_659 = vector.shape_cast %reduce_sum3A_658 : vector<1xf32> to vector<1x1x1xf32>
    %reduce_sum3A_660 = vector.extract %reduce_sum3A_659[0, 0, 0] : f32 from vector<1x1x1xf32>
    %add3A_661 = vector.broadcast %reduce_sum3A_660 : f32 to vector<1x128xf32>
    %add3A_662 = arith.addf %get3A_653, %add3A_661 : vector<1x128xf32>
    %swap3A_663 = arith.constant 13 : index
    %swap3A_664 = arith.constant 0 : index
    %swap3A_665 = vector.load %arg13[%swap3A_663, %swap3A_664] : memref<16x128xf32, #tpu.memory_space<vmem>>, vector<1x128xf32>
    tpu.vector_store %arg13[%swap3A_663, %swap3A_664], %add3A_662 {strides = array<i32>} : memref<16x128xf32, #tpu.memory_space<vmem>>, vector<1x128xf32>,
    %get3A_666 = arith.constant 13 : index
    %get3A_667 = arith.constant 0 : index
    %get3A_668 = vector.load %arg11[%get3A_666, %get3A_667] : memref<16x128xf32, #tpu.memory_space<vmem>>, vector<1x128xf32>
    %jit3A_669 = arith.constant 0.000000e+00 : f32
    %broadcast_in_dim3A_670 = vector.shape_cast %eq3A_650 : vector<1000x1xi1> to vector<1000x1xi1>
    %broadcast_in_dim3A_671 = vector.broadcast %broadcast_in_dim3A_670 : vector<1000x1xi1> to vector<1000x128xi1>
    %broadcast_in_dim3A_672 = vector.broadcast %jit3A_669 : f32 to vector<1000x128xf32>
    %select_n3A_673 = arith.select %broadcast_in_dim3A_671, %max3A_26, %broadcast_in_dim3A_672 : vector<1000x128xi1>, vector<1000x128xf32>
    %reduce_sum3A_674 = arith.constant dense<0.000000e+00> : vector<128xf32>
    %reduce_sum3A_675 = vector.multi_reduction <add>, %select_n3A_673, %reduce_sum3A_674 [0] : vector<1000x128xf32> to vector<128xf32>
    %broadcast_in_dim3A_676 = vector.shape_cast %reduce_sum3A_675 : vector<128xf32> to vector<1x128xf32>
    %add3A_677 = arith.addf %get3A_668, %broadcast_in_dim3A_676 : vector<1x128xf32>
    %swap3A_678 = arith.constant 13 : index
    %swap3A_679 = arith.constant 0 : index
    %swap3A_680 = vector.load %arg11[%swap3A_678, %swap3A_679] : memref<16x128xf32, #tpu.memory_space<vmem>>, vector<1x128xf32>
    tpu.vector_store %arg11[%swap3A_678, %swap3A_679], %add3A_677 {strides = array<i32>} : memref<16x128xf32, #tpu.memory_space<vmem>>, vector<1x128xf32>,
    %get3A_681 = arith.constant 13 : index
    %get3A_682 = arith.constant 0 : index
    %get3A_683 = vector.load %arg12[%get3A_681, %get3A_682] : memref<16x128xf32, #tpu.memory_space<vmem>>, vector<1x128xf32>
    %jit3A_684 = arith.constant 0xFF800000 : f32
    %broadcast_in_dim3A_685 = vector.shape_cast %eq3A_650 : vector<1000x1xi1> to vector<1000x1xi1>
    %broadcast_in_dim3A_686 = vector.broadcast %broadcast_in_dim3A_685 : vector<1000x1xi1> to vector<1000x128xi1>
    %broadcast_in_dim3A_687 = vector.broadcast %jit3A_684 : f32 to vector<1000x128xf32>
    %select_n3A_688 = arith.select %broadcast_in_dim3A_686, %max3A_26, %broadcast_in_dim3A_687 : vector<1000x128xi1>, vector<1000x128xf32>
    %reduce_max3A_689 = arith.constant dense<0xFF800000> : vector<128xf32>
    %reduce_max3A_690 = vector.multi_reduction <maximumf>, %select_n3A_688, %reduce_max3A_689 [0] : vector<1000x128xf32> to vector<128xf32>
    %broadcast_in_dim3A_691 = vector.shape_cast %reduce_max3A_690 : vector<128xf32> to vector<1x128xf32>
    %max3A_692 = arith.maximumf %get3A_683, %broadcast_in_dim3A_691 : vector<1x128xf32>
    %swap3A_693 = arith.constant 13 : index
    %swap3A_694 = arith.constant 0 : index
    %swap3A_695 = vector.load %arg12[%swap3A_693, %swap3A_694] : memref<16x128xf32, #tpu.memory_space<vmem>>, vector<1x128xf32>
    tpu.vector_store %arg12[%swap3A_693, %swap3A_694], %max3A_692 {strides = array<i32>} : memref<16x128xf32, #tpu.memory_space<vmem>>, vector<1x128xf32>,
    %eq3A_696 = arith.constant 14 : i32
    %eq3A_697 = vector.broadcast %eq3A_696 : i32 to vector<1000x1xi32>
    %eq3A_698 = arith.cmpi eq, %get3A_29, %eq3A_697 : vector<1000x1xi32>
    %get3A_699 = arith.constant 14 : index
    %get3A_700 = arith.constant 0 : index
    %get3A_701 = vector.load %arg13[%get3A_699, %get3A_700] : memref<16x128xf32, #tpu.memory_space<vmem>>, vector<1x128xf32>
    %convert_element_type3A_702 = arith.extui %eq3A_698 : vector<1000x1xi1> to vector<1000x1xi32>
    %convert_element_type3A_703 = arith.sitofp %convert_element_type3A_702 : vector<1000x1xi32> to vector<1000x1xf32>
    %reduce_sum3A_704 = vector.shape_cast %convert_element_type3A_703 : vector<1000x1xf32> to vector<1x1000x1xf32>
    %reduce_sum3A_705 = arith.constant dense<0.000000e+00> : vector<1xf32>
    %reduce_sum3A_706 = vector.multi_reduction <add>, %reduce_sum3A_704, %reduce_sum3A_705 [1, 2] : vector<1x1000x1xf32> to vector<1xf32>
    %reduce_sum3A_707 = vector.shape_cast %reduce_sum3A_706 : vector<1xf32> to vector<1x1x1xf32>
    %reduce_sum3A_708 = vector.extract %reduce_sum3A_707[0, 0, 0] : f32 from vector<1x1x1xf32>
    %add3A_709 = vector.broadcast %reduce_sum3A_708 : f32 to vector<1x128xf32>
    %add3A_710 = arith.addf %get3A_701, %add3A_709 : vector<1x128xf32>
    %swap3A_711 = arith.constant 14 : index
    %swap3A_712 = arith.constant 0 : index
    %swap3A_713 = vector.load %arg13[%swap3A_711, %swap3A_712] : memref<16x128xf32, #tpu.memory_space<vmem>>, vector<1x128xf32>
    tpu.vector_store %arg13[%swap3A_711, %swap3A_712], %add3A_710 {strides = array<i32>} : memref<16x128xf32, #tpu.memory_space<vmem>>, vector<1x128xf32>,
    %get3A_714 = arith.constant 14 : index
    %get3A_715 = arith.constant 0 : index
    %get3A_716 = vector.load %arg11[%get3A_714, %get3A_715] : memref<16x128xf32, #tpu.memory_space<vmem>>, vector<1x128xf32>
    %jit3A_717 = arith.constant 0.000000e+00 : f32
    %broadcast_in_dim3A_718 = vector.shape_cast %eq3A_698 : vector<1000x1xi1> to vector<1000x1xi1>
    %broadcast_in_dim3A_719 = vector.broadcast %broadcast_in_dim3A_718 : vector<1000x1xi1> to vector<1000x128xi1>
    %broadcast_in_dim3A_720 = vector.broadcast %jit3A_717 : f32 to vector<1000x128xf32>
    %select_n3A_721 = arith.select %broadcast_in_dim3A_719, %max3A_26, %broadcast_in_dim3A_720 : vector<1000x128xi1>, vector<1000x128xf32>
    %reduce_sum3A_722 = arith.constant dense<0.000000e+00> : vector<128xf32>
    %reduce_sum3A_723 = vector.multi_reduction <add>, %select_n3A_721, %reduce_sum3A_722 [0] : vector<1000x128xf32> to vector<128xf32>
    %broadcast_in_dim3A_724 = vector.shape_cast %reduce_sum3A_723 : vector<128xf32> to vector<1x128xf32>
    %add3A_725 = arith.addf %get3A_716, %broadcast_in_dim3A_724 : vector<1x128xf32>
    %swap3A_726 = arith.constant 14 : index
    %swap3A_727 = arith.constant 0 : index
    %swap3A_728 = vector.load %arg11[%swap3A_726, %swap3A_727] : memref<16x128xf32, #tpu.memory_space<vmem>>, vector<1x128xf32>
    tpu.vector_store %arg11[%swap3A_726, %swap3A_727], %add3A_725 {strides = array<i32>} : memref<16x128xf32, #tpu.memory_space<vmem>>, vector<1x128xf32>,
    %get3A_729 = arith.constant 14 : index
    %get3A_730 = arith.constant 0 : index
    %get3A_731 = vector.load %arg12[%get3A_729, %get3A_730] : memref<16x128xf32, #tpu.memory_space<vmem>>, vector<1x128xf32>
    %jit3A_732 = arith.constant 0xFF800000 : f32
    %broadcast_in_dim3A_733 = vector.shape_cast %eq3A_698 : vector<1000x1xi1> to vector<1000x1xi1>
    %broadcast_in_dim3A_734 = vector.broadcast %broadcast_in_dim3A_733 : vector<1000x1xi1> to vector<1000x128xi1>
    %broadcast_in_dim3A_735 = vector.broadcast %jit3A_732 : f32 to vector<1000x128xf32>
    %select_n3A_736 = arith.select %broadcast_in_dim3A_734, %max3A_26, %broadcast_in_dim3A_735 : vector<1000x128xi1>, vector<1000x128xf32>
    %reduce_max3A_737 = arith.constant dense<0xFF800000> : vector<128xf32>
    %reduce_max3A_738 = vector.multi_reduction <maximumf>, %select_n3A_736, %reduce_max3A_737 [0] : vector<1000x128xf32> to vector<128xf32>
    %broadcast_in_dim3A_739 = vector.shape_cast %reduce_max3A_738 : vector<128xf32> to vector<1x128xf32>
    %max3A_740 = arith.maximumf %get3A_731, %broadcast_in_dim3A_739 : vector<1x128xf32>
    %swap3A_741 = arith.constant 14 : index
    %swap3A_742 = arith.constant 0 : index
    %swap3A_743 = vector.load %arg12[%swap3A_741, %swap3A_742] : memref<16x128xf32, #tpu.memory_space<vmem>>, vector<1x128xf32>
    tpu.vector_store %arg12[%swap3A_741, %swap3A_742], %max3A_740 {strides = array<i32>} : memref<16x128xf32, #tpu.memory_space<vmem>>, vector<1x128xf32>,
    %eq3A_744 = arith.constant 15 : i32
    %eq3A_745 = vector.broadcast %eq3A_744 : i32 to vector<1000x1xi32>
    %eq3A_746 = arith.cmpi eq, %get3A_29, %eq3A_745 : vector<1000x1xi32>
    %get3A_747 = arith.constant 15 : index
    %get3A_748 = arith.constant 0 : index
    %get3A_749 = vector.load %arg13[%get3A_747, %get3A_748] : memref<16x128xf32, #tpu.memory_space<vmem>>, vector<1x128xf32>
    %convert_element_type3A_750 = arith.extui %eq3A_746 : vector<1000x1xi1> to vector<1000x1xi32>
    %convert_element_type3A_751 = arith.sitofp %convert_element_type3A_750 : vector<1000x1xi32> to vector<1000x1xf32>
    %reduce_sum3A_752 = vector.shape_cast %convert_element_type3A_751 : vector<1000x1xf32> to vector<1x1000x1xf32>
    %reduce_sum3A_753 = arith.constant dense<0.000000e+00> : vector<1xf32>
    %reduce_sum3A_754 = vector.multi_reduction <add>, %reduce_sum3A_752, %reduce_sum3A_753 [1, 2] : vector<1x1000x1xf32> to vector<1xf32>
    %reduce_sum3A_755 = vector.shape_cast %reduce_sum3A_754 : vector<1xf32> to vector<1x1x1xf32>
    %reduce_sum3A_756 = vector.extract %reduce_sum3A_755[0, 0, 0] : f32 from vector<1x1x1xf32>
    %add3A_757 = vector.broadcast %reduce_sum3A_756 : f32 to vector<1x128xf32>
    %add3A_758 = arith.addf %get3A_749, %add3A_757 : vector<1x128xf32>
    %swap3A_759 = arith.constant 15 : index
    %swap3A_760 = arith.constant 0 : index
    %swap3A_761 = vector.load %arg13[%swap3A_759, %swap3A_760] : memref<16x128xf32, #tpu.memory_space<vmem>>, vector<1x128xf32>
    tpu.vector_store %arg13[%swap3A_759, %swap3A_760], %add3A_758 {strides = array<i32>} : memref<16x128xf32, #tpu.memory_space<vmem>>, vector<1x128xf32>,
    %get3A_762 = arith.constant 15 : index
    %get3A_763 = arith.constant 0 : index
    %get3A_764 = vector.load %arg11[%get3A_762, %get3A_763] : memref<16x128xf32, #tpu.memory_space<vmem>>, vector<1x128xf32>
    %jit3A_765 = arith.constant 0.000000e+00 : f32
    %broadcast_in_dim3A_766 = vector.shape_cast %eq3A_746 : vector<1000x1xi1> to vector<1000x1xi1>
    %broadcast_in_dim3A_767 = vector.broadcast %broadcast_in_dim3A_766 : vector<1000x1xi1> to vector<1000x128xi1>
    %broadcast_in_dim3A_768 = vector.broadcast %jit3A_765 : f32 to vector<1000x128xf32>
    %select_n3A_769 = arith.select %broadcast_in_dim3A_767, %max3A_26, %broadcast_in_dim3A_768 : vector<1000x128xi1>, vector<1000x128xf32>
    %reduce_sum3A_770 = arith.constant dense<0.000000e+00> : vector<128xf32>
    %reduce_sum3A_771 = vector.multi_reduction <add>, %select_n3A_769, %reduce_sum3A_770 [0] : vector<1000x128xf32> to vector<128xf32>
    %broadcast_in_dim3A_772 = vector.shape_cast %reduce_sum3A_771 : vector<128xf32> to vector<1x128xf32>
    %add3A_773 = arith.addf %get3A_764, %broadcast_in_dim3A_772 : vector<1x128xf32>
    %swap3A_774 = arith.constant 15 : index
    %swap3A_775 = arith.constant 0 : index
    %swap3A_776 = vector.load %arg11[%swap3A_774, %swap3A_775] : memref<16x128xf32, #tpu.memory_space<vmem>>, vector<1x128xf32>
    tpu.vector_store %arg11[%swap3A_774, %swap3A_775], %add3A_773 {strides = array<i32>} : memref<16x128xf32, #tpu.memory_space<vmem>>, vector<1x128xf32>,
    %get3A_777 = arith.constant 15 : index
    %get3A_778 = arith.constant 0 : index
    %get3A_779 = vector.load %arg12[%get3A_777, %get3A_778] : memref<16x128xf32, #tpu.memory_space<vmem>>, vector<1x128xf32>
    %jit3A_780 = arith.constant 0xFF800000 : f32
    %broadcast_in_dim3A_781 = vector.shape_cast %eq3A_746 : vector<1000x1xi1> to vector<1000x1xi1>
    %broadcast_in_dim3A_782 = vector.broadcast %broadcast_in_dim3A_781 : vector<1000x1xi1> to vector<1000x128xi1>
    %broadcast_in_dim3A_783 = vector.broadcast %jit3A_780 : f32 to vector<1000x128xf32>
    %select_n3A_784 = arith.select %broadcast_in_dim3A_782, %max3A_26, %broadcast_in_dim3A_783 : vector<1000x128xi1>, vector<1000x128xf32>
    %reduce_max3A_785 = arith.constant dense<0xFF800000> : vector<128xf32>
    %reduce_max3A_786 = vector.multi_reduction <maximumf>, %select_n3A_784, %reduce_max3A_785 [0] : vector<1000x128xf32> to vector<128xf32>
    %broadcast_in_dim3A_787 = vector.shape_cast %reduce_max3A_786 : vector<128xf32> to vector<1x128xf32>
    %max3A_788 = arith.maximumf %get3A_779, %broadcast_in_dim3A_787 : vector<1x128xf32>
    %swap3A_789 = arith.constant 15 : index
    %swap3A_790 = arith.constant 0 : index
    %swap3A_791 = vector.load %arg12[%swap3A_789, %swap3A_790] : memref<16x128xf32, #tpu.memory_space<vmem>>, vector<1x128xf32>
    tpu.vector_store %arg12[%swap3A_789, %swap3A_790], %max3A_788 {strides = array<i32>} : memref<16x128xf32, #tpu.memory_space<vmem>>, vector<1x128xf32>,
    %eq3A_792 = arith.constant 9 : i32
    %eq3A_793 = arith.cmpi eq, %arg0, %eq3A_792 : i32
    %convert_element_type3A_794 = arith.extui %eq3A_793 : i1 to i32
    %cond3A_795 = arith.constant 0 : i32
    %cond3A_796 = arith.cmpi ne, %convert_element_type3A_794, %cond3A_795 : i32
    scf.if %cond3A_796 {
      %get3A_797 = arith.constant 0 : index
      %get3A_798 = arith.constant 0 : index
      %get3A_799 = vector.load %arg11[%get3A_797, %get3A_798] : memref<16x128xf32, #tpu.memory_space<vmem>>, vector<16x128xf32>
      %get3A_800 = arith.constant 0 : index
      %get3A_801 = arith.constant 0 : index
      %get3A_802 = vector.load %arg13[%get3A_800, %get3A_801] : memref<16x128xf32, #tpu.memory_space<vmem>>, vector<16x128xf32>
      %max3A_803 = arith.constant 1.000000e+00 : f32
      %max3A_804 = vector.broadcast %max3A_803 : f32 to vector<16x128xf32>
      %max3A_805 = arith.maximumf %get3A_802, %max3A_804 : vector<16x128xf32>
      %div3A = arith.divf %get3A_799, %max3A_805 : vector<16x128xf32>
      %get3A_806 = arith.constant 0 : index
      %get3A_807 = arith.constant 0 : index
      %get3A_808 = vector.load %arg12[%get3A_806, %get3A_807] : memref<16x128xf32, #tpu.memory_space<vmem>>, vector<16x128xf32>
      %concatenate3A_809 = tpu.concatenate %div3A, %get3A_808 in 1 : vector<16x128xf32>, vector<16x128xf32> -> vector<16x256xf32>
      %get3A_810 = arith.constant 0 : index
      %get3A_811 = arith.constant 0 : index
      %get3A_812 = vector.load %arg6[%get3A_810, %get3A_811] : memref<256x1024xf32, #tpu.memory_space<vmem>>, vector<256x1024xf32>
      %dot_general3A = arith.constant dense<0.000000e+00> : vector<16x1024xf32>
      %dot_general3A_813 = tpu.matmul %concatenate3A_809, %get3A_812, %dot_general3A {dimension_numbers = #tpu.dot_dimension_numbers<[1], [0], [0], [1], [0, 0, 1, 1], [], []>, transpose_lhs_hint = false} : vector<16x256xf32>, vector<256x1024xf32>, vector<16x1024xf32> -> vector<16x1024xf32>
      %get3A_814 = arith.constant 0 : index
      %get3A_815 = arith.constant 0 : index
      %get3A_816 = vector.load %arg7[%get3A_814, %get3A_815] : memref<1x1024xf32, #tpu.memory_space<vmem>>, vector<1x1024xf32>
      %add3A_817 = vector.broadcast %get3A_816 : vector<1x1024xf32> to vector<16x1024xf32>
      %add3A_818 = arith.addf %dot_general3A_813, %add3A_817 : vector<16x1024xf32>
      %max3A_819 = arith.constant 0.000000e+00 : f32
      %max3A_820 = vector.broadcast %max3A_819 : f32 to vector<16x1024xf32>
      %max3A_821 = arith.maximumf %add3A_818, %max3A_820 : vector<16x1024xf32>
      %get3A_822 = arith.constant 0 : index
      %get3A_823 = arith.constant 0 : index
      %get3A_824 = vector.load %arg8[%get3A_822, %get3A_823] : memref<1024x1xf32, #tpu.memory_space<vmem>>, vector<1024x1xf32>
      %dot_general3A_825 = arith.constant dense<0.000000e+00> : vector<16x1xf32>
      %dot_general3A_826 = tpu.matmul %max3A_821, %get3A_824, %dot_general3A_825 {dimension_numbers = #tpu.dot_dimension_numbers<[1], [0], [0], [1], [0, 0, 1, 1], [], []>, transpose_lhs_hint = false} : vector<16x1024xf32>, vector<1024x1xf32>, vector<16x1xf32> -> vector<16x1xf32>
      %get3A_827 = arith.constant 0 : index
      %get3A_828 = arith.constant 0 : index
      %get3A_829 = vector.load %arg9[%get3A_827, %get3A_828] : memref<1x1xf32, #tpu.memory_space<vmem>>, vector<1x1xf32>
      %add3A_830 = vector.broadcast %get3A_829 : vector<1x1xf32> to vector<16x1xf32>
      %add3A_831 = arith.addf %dot_general3A_826, %add3A_830 : vector<16x1xf32>
      %swap3A_832 = arith.constant 0 : index
      %swap3A_833 = arith.constant 0 : index
      %swap3A_834 = vector.load %arg10[%swap3A_832, %swap3A_833] : memref<16x1xf32, #tpu.memory_space<vmem>>, vector<16x1xf32>
      tpu.vector_store %arg10[%swap3A_832, %swap3A_833], %add3A_831 {strides = array<i32>} : memref<16x1xf32, #tpu.memory_space<vmem>>, vector<16x1xf32>,
    } else {
    }
    return
  }
  func.func @transform_0(%arg0: i32) -> (i32, i32, i32, i32) {
    %c0_i32 = arith.constant 0 : i32
    %c0_i32_0 = arith.constant 0 : i32
    %c0_i32_1 = arith.constant 0 : i32
    %c0_i32_2 = arith.constant 0 : i32
    return %c0_i32, %c0_i32_0, %arg0, %c0_i32_1 : i32, i32, i32, i32
  }
  func.func @transform_1(%arg0: i32) -> (i32, i32) {
    %c0_i32 = arith.constant 0 : i32
    %c0_i32_0 = arith.constant 0 : i32
    return %arg0, %c0_i32 : i32, i32
  }
  func.func @transform_2(%arg0: i32) -> (i32, i32) {
    %c0_i32 = arith.constant 0 : i32
    %c0_i32_0 = arith.constant 0 : i32
    return %arg0, %c0_i32 : i32, i32
  }
  func.func @transform_3(%arg0: i32) -> (i32, i32) {
    %c0_i32 = arith.constant 0 : i32
    %c0_i32_0 = arith.constant 0 : i32
    %c0_i32_1 = arith.constant 0 : i32
    return %c0_i32, %c0_i32_0 : i32, i32
  }
  func.func @transform_4(%arg0: i32) -> (i32, i32) {
    %c0_i32 = arith.constant 0 : i32
    %c0_i32_0 = arith.constant 0 : i32
    return %arg0, %c0_i32 : i32, i32
  }
  func.func @transform_5(%arg0: i32) -> (i32, i32) {
    %c0_i32 = arith.constant 0 : i32
    %c0_i32_0 = arith.constant 0 : i32
    %c0_i32_1 = arith.constant 0 : i32
    return %c0_i32, %c0_i32_0 : i32, i32
  }
  func.func @transform_6(%arg0: i32) -> (i32, i32) {
    %c0_i32 = arith.constant 0 : i32
    %c0_i32_0 = arith.constant 0 : i32
    %c0_i32_1 = arith.constant 0 : i32
    return %c0_i32, %c0_i32_0 : i32, i32
  }
  func.func @transform_7(%arg0: i32) -> (i32, i32) {
    %c0_i32 = arith.constant 0 : i32
    %c0_i32_0 = arith.constant 0 : i32
    %c0_i32_1 = arith.constant 0 : i32
    return %c0_i32, %c0_i32_0 : i32, i32
  }
  func.func @transform_8(%arg0: i32) -> (i32, i32) {
    %c0_i32 = arith.constant 0 : i32
    %c0_i32_0 = arith.constant 0 : i32
    %c0_i32_1 = arith.constant 0 : i32
    return %c0_i32, %c0_i32_0 : i32, i32
  }
  func.func @transform_9(%arg0: i32) -> (i32, i32) {
    %c0_i32 = arith.constant 0 : i32
    %c0_i32_0 = arith.constant 0 : i32
    %c0_i32_1 = arith.constant 0 : i32
    return %c0_i32, %c0_i32_0 : i32, i32
  }
}

</mosaic_0001>

<sc_bundles>
// kernel: kernel.11.cloned.1.call-start
scs
__scs_entry_jumppad:
0x0: {  	(pc) =	sbr.rel $0x88, $3  }
0x1: {  	(tag) =	ssettag $0x0;
	lr =	simm.s32 $0x1  }
0x2: {  	[smem:$0x3F95] =	sst lr;
	_ =	strace $0xD0000000  }
0x3: {  	_ = 	snop  }
0x4: {  	_ = 	snop  }
0x5: {  	_ = 	snop  }
0x6: {  	_ = 	snop  }
0x7: {  	_ = 	snop  }
__scs_overlays_trampoline_lowered:
0x8: {  	[smem:$0x3FA4] =	sst s0  }
0x9: {  	[smem:$0x3FA5] =	sst s1  }
0xa: {  	[smem:$0x3FA6] =	sst s2  }
0xb: {  	[smem:$0x3FA7] =	sst s3  }
0xc: {  	[smem:$0x3FA8] =	sst s4  }
0xd: {  	[smem:$0x3FA9] =	sst s5  }
0xe: {  	[smem:$0x3FAA] =	sst s6  }
0xf: {  	[smem:$0x3FAB] =	sst s7  }
0x10: {  	[smem:$0x3FAC] =	sst s8  }
0x11: {  	[smem:$0x3FAD] =	sst s9;
	s0 =	simm.s32 @!p0 $0x0  }
0x12: {  	s1 =	sld [smem:$0x3F93];
	s0 =	simm.s32 @p0 $0x1  }
0x13: {  	[smem:$0x3FAE] =	sst s0;
	s0 =	simm.s32 @!p1 $0x0  }
0x14: {  	s2 =	sld [smem:$0x3F92];
	s0 =	simm.s32 @p1 $0x1  }
0x15: {  	[smem:$0x3FAF] =	sst s0;
	s0 =	simm.s32 @!p2 $0x0  }
0x16: {  	s3 =	sld [smem:$0x3FDB];
	s0 =	simm.s32 @p2 $0x1  }
0x17: {  	s4 =	simm.s32 $0x1BF5;
	[smem:$0x3FB1] =	sst s0  }
0x18: {  	s0 =	sld [smem:$0x3F94];
	_ =	swait.ge [sflag:s4], $0x0  }
0x19: {  	s7 =	sld [smem:$0x3F95]  }
0x1a: {  	s8 =	sadd.s32 $0xFFFFE003, lr  }
0x1b: {  	s9 =	sadd.s32 $0xFFFFFEF7, lr;
	s5 =	simm.s32 $0xFFFFFFFF;
	p2 =	slt.u32 s8, $0xFFFFF086  }
0x1c: {  	p1 =	slt.u32 s9, $0xF7A;
	s5 =	simm.s32 @!p2 $0x0  }
0x1d: {  	s5 =	simm.s32 @p1 $0x1;
	p0 =	seq.s32 s7, s2  }
0x1e: {  	s7 =	smul.u32 @!p0 $0xF7A, s2;
	p2 =	seq.s32 @!p0 s5, $0x0  }
0x1f: {  	s9 =	smul.u32 $0xF7A, s1;
	s8 =	simm.s32 @!p0 $0x1BF5;
	p2 =	por !p2, p0  }
0x20: {  	[sflag:s8] =	ssyncset.s32 @!p0 $0xFFFFF086;
	s6 =	sadd.s32 @!p0 s3, s7;
	s7 =	simm.s32 @!p0 $0x108  }
0x21: {  	s3 =	sadd.s32 s3, s9;
	s6 =	sadd.s32 @!p0 $0x88, s6;
	s7 =	simm.s32 @p2 $0x1082  }
0x22: {  	[simem:s7], [sflag:s8] =	dma.local @!p0 [hbm:s6], $0xF7A  }
0x23: {  	s9 =	sor.u32 $0xD0000000, s2;
	s6 =	simm.s32 $0x108;
	_ =	swait.ge @!p0 [sflag:s8], $0x0  }
0x24: {  	s3 =	sadd.s32 $0x88, s3;
	s6 =	simm.s32 @!p1 $0x1082;
	[sflag:s4] =	ssyncset.s32 $0xFFFFF086  }
0x25: {  	[simem:s6], [sflag:s4] =	dma.local [hbm:s3], $0xF7A  }
0x26: {  	[smem:$0x3F95] =	sst s1;
	(tag) =	ssettag s2;
	_ =	strace s9  }
0x27: {  	s1 =	sld [smem:$0x3FA5]  }
0x28: {  	s2 =	sld [smem:$0x3FA6]  }
0x29: {  	s4 =	sld [smem:$0x3FA8]  }
0x2a: {  	p0 =	seq.s32 s5, $0x0;
	s5 =	sld [smem:$0x3FA9]  }
0x2b: {  	s6 =	sld [smem:$0x3FAA]  }
0x2c: {  	s7 =	sld [smem:$0x3FAB]  }
0x2d: {  	s3 =	simm.s32 $0x108;
	s8 =	sld [smem:$0x3FAC]  }
0x2e: {  	s3 =	simm.s32 @!p0 $0x1082;
	s9 =	sld [smem:$0x3FAD]  }
0x2f: {  	lr =	sadd.s32 s0, s3;
	s0 =	sld [smem:$0x3FA4]  }
0x30: {  	s3 =	sld [smem:$0x3FA7]  }
0x31: {  	[smem:$0x3FB0] =	sst s10  }
0x32: {  	s10 =	sld [smem:$0x3FAE];
	_ =	sdelay $0x3  }
0x33: {  	p0 =	seq.s32 s10, $0x1;
	s10 =	sld [smem:$0x3FB0];
	_ =	sdelay $0x3  }
0x34: {  	[smem:$0x3FB0] =	sst s10  }
0x35: {  	s10 =	sld [smem:$0x3FAF];
	_ =	sdelay $0x3  }
0x36: {  	p1 =	seq.s32 s10, $0x1;
	s10 =	sld [smem:$0x3FB0];
	_ =	sdelay $0x3  }
0x37: {  	[smem:$0x3FB0] =	sst s10  }
0x38: {  	s10 =	sld [smem:$0x3FB1]  }
0x39: {  	_ = 	snop;
	(pc) =	sbr.ind lr, $3  }
0x3a: {  	_ = 	snop  }
0x3b: {  	_ = 	snop  }
0x3c: {  	p2 =	seq.s32 s10, $0x1;
	s10 =	sld [smem:$0x3FB0]  }
0x3d: {  	_ =	shalt  }
0x3e: {  	_ =	shalt  }
0x3f: {  	_ =	shalt  }
0x40: {  	_ =	shalt  }
0x41: {  	_ =	shalt  }
0x42: {  	_ =	shalt  }
0x43: {  	_ =	shalt  }
0x44: {  	_ =	shalt  }
0x45: {  	_ =	shalt  }
0x46: {  	_ =	shalt  }
0x47: {  	_ =	shalt  }
0x48: {  	_ =	shalt  }
0x49: {  	_ =	shalt  }
0x4a: {  	_ =	shalt  }
0x4b: {  	_ =	shalt  }
0x4c: {  	_ =	shalt  }
0x4d: {  	_ =	shalt  }
0x4e: {  	_ =	shalt  }
0x4f: {  	_ =	shalt  }
0x50: {  	_ =	shalt  }
0x51: {  	_ =	shalt  }
0x52: {  	_ =	shalt  }
0x53: {  	_ =	shalt  }
0x54: {  	_ =	shalt  }
0x55: {  	_ =	shalt  }
0x56: {  	_ =	shalt  }
0x57: {  	_ =	shalt  }
0x58: {  	_ =	shalt  }
0x59: {  	_ =	shalt  }
0x5a: {  	_ =	shalt  }
0x5b: {  	_ =	shalt  }
0x5c: {  	_ =	shalt  }
0x5d: {  	_ =	shalt  }
0x5e: {  	_ =	shalt  }
0x5f: {  	_ =	shalt  }
0x60: {  	_ =	shalt  }
0x61: {  	_ =	shalt  }
0x62: {  	_ =	shalt  }
0x63: {  	_ =	shalt  }
0x64: {  	_ =	shalt  }
0x65: {  	_ =	shalt  }
0x66: {  	_ =	shalt  }
0x67: {  	_ =	shalt  }
0x68: {  	_ =	shalt  }
0x69: {  	_ =	shalt  }
0x6a: {  	_ =	shalt  }
0x6b: {  	_ =	shalt  }
0x6c: {  	_ =	shalt  }
0x6d: {  	_ =	shalt  }
0x6e: {  	_ =	shalt  }
0x6f: {  	_ =	shalt  }
0x70: {  	_ =	shalt  }
0x71: {  	_ =	shalt  }
0x72: {  	_ =	shalt  }
0x73: {  	_ =	shalt  }
0x74: {  	_ =	shalt  }
0x75: {  	_ =	shalt  }
0x76: {  	_ =	shalt  }
0x77: {  	_ =	shalt  }
0x78: {  	_ =	shalt  }
0x79: {  	_ =	shalt  }
0x7a: {  	_ =	shalt  }
0x7b: {  	_ =	shalt  }
0x7c: {  	_ =	shalt  }
0x7d: {  	_ =	shalt  }
0x7e: {  	_ =	shalt  }
0x7f: {  	_ =	shalt  }
0x80: {  	_ =	shalt  }
0x81: {  	_ =	shalt  }
0x82: {  	_ =	shalt  }
0x83: {  	_ =	shalt  }
0x84: {  	_ =	shalt  }
0x85: {  	_ =	shalt  }
0x86: {  	_ =	shalt  }
0x87: {  	_ =	shalt  }
.Lfunc_end0:
.L_simem_size_0:
called_computation.1_lowered:
.L_overlay_start_0:
0x88: {  	s2 =	sld [smem:$0x3FD9]  }
0x89: {  	s3 =	sld [smem:$0x3FFE];
	_ =	sdelay $0x1  }
0x8a: {  	s1 =	srdreg.scid  }
0x8b: {  	s0 =	sand.u32 $0x1, s1  }
0x8c: {  	s16 =	sshll.u32 s0, $0xA;
	s2 =	sadd.s32 s3, s2  }
0x8d: {  	s2 =	sadd.s32 s2, s16  }
0x8e: {  	[smem:$0x3FBC] =	sst s2  }
0x8f: {  	_ = 	snop  }
0x90: {  	(tm) =	ssettm $0x1  }
0x91: {  	s17 =	sld [smem:$0x3FFB];
	_ =	sdelay $0x3  }
0x92: {  	_ =	strace s17  }
0x93: {  	s2 =	sld [smem:$0x3FFC];
	_ =	sdelay $0x3  }
0x94: {  	_ =	strace s2  }
0x95: {  	s2 =	sld [smem:$0x3FFD];
	_ =	sdelay $0x3  }
0x96: {  	_ =	strace s2  }
0x97: {  	_ =	strace $0x8FFFFFFF  }
0x98: {  	s18 =	sld [smem:$0x3FDB];
	_ =	sdelay $0x1  }
0x99: {  	s19 =	simm.s32 $_scs_section_size  }
0x9a: {  	s4 =	simm.s32 $_size__tile_overlayer_lowered;
	s5 =	simm.s32 $_tile_overlayer_lowered  }
0x9b: {  	s22 =	simm.s32 $0x1BFF;
	s21 =	sshll.u32 s5, $0x1;
	s2 =	sadd.s32 s19, s18  }
0x9c: {  	s6 =	simm.s32 $0x0;
	s20 =	sshll.u32 s4, $0x1;
	s4 =	sadd.s32 s21, s2  }
0x9d: {  	[timem:s6], [sflag:s22] =	dma.local [hbm:s4], s20  }
0x9e: {  	_ =	swait.ge [sflag:s22], s20  }
0x9f: {  	s3 =	ssub.s32 $0x0, s20;
	[sflag:s22] =	ssyncset.done $0x0  }
0xa0: {  	[sflag:s22] =	ssyncadd.s32 s3;
	_ =	sdelay $0x1  }
0xa1: {  	s23 =	simm.s32 $0x1B8B  }
0xa2: {  	_ =	swait.ge [sflag:s23], $0x1  }
0xa3: {  	[sflag:s23] =	ssyncset.done $0x0  }
0xa4: {  	s25 =	simm.s32 $0x1B8E;
	s24 =	sld [smem:$0x3FFE];
	[sflag:s23] =	ssyncadd.s32 $0xFFFFFFFF  }
0xa5: {  	s26 =	simm.s32 $execute0_lowered;
	[smem:$0x3FD2] =	sst s25  }
0xa6: {  	s4 =	sshll.u32 s26, $0x1;
	_ =	strace $0x80000049;
	[dreg:$0x1] =	wrdreg $0xFFFFFFFF  }
0xa7: {  	s28 =	simm.s32 $_size_execute0_lowered;
	s2 =	sadd.s32 s2, s4;
	[dreg:$0x0] =	wrdreg $0x0  }
0xa8: {  	s4 =	sshll.u32 s28, $0x1;
	[dreg:$0x2] =	wrdreg s2  }
0xa9: {  	[dreg:$0x3] =	wrdreg s4  }
0xaa: {  	[dreg:$0x4] =	wrdreg $0xC0  }
0xab: {  	_ =	task [dreg:s6], $0x5FFFF  }
0xac: {  	[dreg:$0x1] =	wrdreg $0xFFFFFFFF  }
0xad: {  	[dreg:$0x0] =	wrdreg $0x60  }
0xae: {  	[dreg:$0x2] =	wrdreg s24  }
0xaf: {  	[dreg:$0x3] =	wrdreg $0x98000  }
0xb0: {  	[dreg:$0x4] =	wrdreg $0x9  }
0xb1: {  	_ =	task.clear_ibuf [dreg:s6], $0x5FFFF;
	_ =	strace $0x90000049  }
0xb2: {  	s29 =	simm.s32 $0x9;
	_ =	strace $0x8000004B  }
0xb3: {  	_ =	swait.ge [sflag:s29], $0x1  }
0xb4: {  	[sflag:s29] =	ssyncadd.s32 $0xFFFFFFFF  }
0xb5: {  	_ =	strace $0x9000004B  }
0xb6: {  	_ =	sfence  }
0xb7: {  	s30 =	sld [smem:$0x0];
	_ =	sdelay $0x2  }
0xb8: {  	s31 =	sshll.u32 s1, $0xD;
	s1 =	sshrl.u32 s1, $0x2  }
0xb9: {  	s3 =	sand.u32 $0x4000, s31;
	s1 =	sadd.s32 s1, s30  }
0xba: {  	s0 =	sor.u32 s3, s0;
	s1 =	sshll.u32 s1, $0x11  }
0xbb: {  	s0 =	sor.u32 s1, s0  }
0xbc: {  	s0 =	sadd.s32 $0x8F2B, s0  }
0xbd: {  	[sflag:s0] =	ssyncadd.remote.s32 $0x1  }
0xbe: {  	_ =	sfence.sel $0xFFFF  }
0xbf: {  	[dreg:$0x0] =	wrdreg $0xFFFFFFFF;
	(pc) =	sbr.abs _section_cstart, $3  }
0xc0: {  	[dreg:$0x1] =	wrdreg $0xFFFFFFFF  }
0xc1: {  	_ =	task.clear_ibuf [dreg:s6], $0x2FFFF;
	_ =	strace $0x9FFFFFFF  }
0xc2: {  	(tm) =	ssettm $0x7FFFFFFF  }
0xc3: {  	_ =	shalt  }
tec
execute0_lowered:
.L_overlay_start_1:
0x0: {  	(tag) =	ssettag $0x1  }
0x1: {  	s7 =	rddreg [dreg:$0x0]  }
0x2: {  	s0 =	srdreg.scid;
	s2 =	rddreg [dreg:$0x1];
	s3 =	simm.s32 $0x0  }
0x3: {  	s14 =	simm.s32 $0x2800;
	s15 =	simm.s32 $0x5000;
	s18 =	simm.s32 $0x80  }
0x4: {  	s19 =	simm.s32 $0x7800;
	s20 =	simm.s32 $0x0;
	s6 =	sand.u32 $0x1, s0  }
0x5: {  	s0 =	stileid.u32;
	[smem:$0x7FF] =	sst s3;
	s4 =	sadd.s32 $0x3E400, s7  }
0x6: {  	s5 =	sadd.s32 $0x2AA00, s7;
	s1 =	sshll.u32 s6, $0x4;
	s10 =	smul.u32 $0xA000, s0  }
0x7: {  	s9 =	smul.u32 $0x140000, s6;
	s31 =	ssub.s32 $0x2, s6;
	s6 =	sadd.s32 $0x16400, s7  }
0x8: {  	s16 =	sshll.u32 s0, $0x6;
	s1 =	sor.u32 s0, s1;
	s12 =	sshrl.u32 s31, $0x1  }
0x9: {  	s16 =	sor.u32 $0x1C01, s16;
	s8 =	smul.u32 $0x500, s1;
	s1 =	rddreg [dreg:$0x2]  }
0xa: {  	_ =	strace $0x8000004A;
	s30 =	sadd.s32 s10, s9;
	s12 =	ssub.s32 s31, s12  }
0xb: {  	s17 =	sadd.s32 s10, s2;
	s11 =	sadd.s32 s8, s7;
	s8 =	sshrl.u32 s30, $0x3  }
0xc: {  	s12 =	smax.u32 s12, $0x1;
	s17 =	sshrl.u32 s17, $0x3;
	s13 =	sadd.s32 s8, s7  }
0xd: {  	s7 =	sadd.s32 $0x20A00, s11;
	s8 =	sadd.s32 $0x2400, s11;
	s9 =	sadd.s32 $0xC400, s11  }
0xe: {  	s10 =	sadd.s32 $0x51E00, s13;
	s11 =	sadd.s32 $0x65E00, s13;
	s13 =	simm.s32 $0x1  }
.LBB2_1:
0xf: {  	[tilespmem:s3], [sflag:$0x1] =	stream.linear.gather [hbm4b:s7+s3], $0x2800, $0x38;
	[tilespmem:$0x13800] =	vst v63  }
0x10: {  	_ =	swait.ge [sflag:s13], $0x2800  }
0x11: {  	[sflag:s13] =	ssyncset.done $0x0  }
0x12: {  	[sflag:s13] =	ssyncadd.s32 $0xFFFFD800  }
0x13: {  	[tilespmem:s14], [sflag:$0x1] =	stream.linear.gather [hbm4b:s8+s3], $0x2800, $0x38;
	[tilespmem:$0x13800] =	vst v63  }
0x14: {  	_ =	swait.ge [sflag:s13], $0x2800  }
0x15: {  	[sflag:s13] =	ssyncset.done $0x0  }
0x16: {  	[sflag:s13] =	ssyncadd.s32 $0xFFFFD800  }
0x17: {  	[tilespmem:s15], [sflag:$0x1] =	stream.linear.gather [hbm4b:s9+s3], $0x2800, $0x38;
	[tilespmem:$0x13800] =	vst v63  }
0x18: {  	_ =	swait.ge [sflag:s13], $0x2800  }
0x19: {  	[sflag:s13] =	ssyncset.done $0x0  }
0x1a: {  	[sflag:s13] =	ssyncadd.s32 $0xFFFFD800  }
0x1b: {  	[spmem:s17], [sflag:s16] =	dma.local [hbm:s6], $0x1400  }
0x1c: {  	_ =	swait.ge [sflag:s13], $0x1400  }
0x1d: {  	[sflag:s13] =	ssyncset.done $0x0  }
0x1e: {  	[sflag:s13] =	ssyncadd.s32 $0xFFFFEC00  }
0x1f: {  	s21 =	simm.s32 $0x0;
	[bflag:$0x0] =	sbarrier.arrive $0xFFFF  }
.LBB2_2:
0x20: {  	s23 =	simm.s32 $0x0  }
0x21: {  	s22 =	sshll.u32 s21, $0x7;
	v1 =	vmov s23  }
0x22: {  	v0 =	vmov s22;
	v1 =	vand.u32 $0x7C, v1  }
0x23: {  	v1 =	vor.u32 v0, v1  }
0x24: {  	v1 =	vbroadcast v1, $0x0  }
0x25: {  	[tilespmem:s19], [sflag:$0x1] =	stream.indirect.gather [hbm4b:s4+s18], $0x40, s22, s18, $0xb8;
	[tilespmem:$0x13800] =	vst v63  }
0x26: {  	_ =	swait.ge [sflag:s13], $0x2000  }
0x27: {  	[sflag:s13] =	ssyncset.done $0x0  }
0x28: {  	s23 =	simm.s32 $0x7880;
	[sflag:s13] =	ssyncadd.s32 $0xFFFFE000  }
0x29: {  	v2 =	vld [tilespmem:s23+$0xFFFFFF80]  }
0x2a: {  	v1 =	vld.idx.msk [tilespmem:v1+s15+$0x0], $0xffff  }
0x2b: {  	s24 =	simm.s32 $0x1;
	v3 =	vld [tilespmem:s23+$0xFFFFFF90]  }
0x2c: {  	v5 =	vmov s24;
	v4 =	vld [tilespmem:s23+$0xFFFFFFB0]  }
0x2d: {  	v5 =	vand.u32 $0x7D, v5;
	v6 =	vld [tilespmem:s23+$0xFFFFFFA0]  }
0x2e: {  	v5 =	vor.u32 v0, v5  }
0x2f: {  	v5 =	vbroadcast v5, $0x0;
	v2 =	vmul.f32 v2, v1  }
0x30: {  	v3 =	vmul.f32 v3, v1  }
0x31: {  	v4 =	vmul.f32 v4, v1;
	[tilespmem:s23+$0xFFFFFF80] =	vst v2  }
0x32: {  	v1 =	vmul.f32 v6, v1;
	[tilespmem:s23+$0xFFFFFF90] =	vst v3  }
0x33: {  	[tilespmem:s23+$0xFFFFFFB0] =	vst v4  }
0x34: {  	[tilespmem:s23+$0xFFFFFFA0] =	vst v1;
	v2 =	vld [tilespmem:s23+$0xFFFFFFC0]  }
0x35: {  	v1 =	vld.idx.msk [tilespmem:v5+s15+$0x0], $0xffff  }
0x36: {  	s30 =	simm.s32 $0x2;
	v3 =	vld [tilespmem:s23+$0xFFFFFFD0]  }
0x37: {  	v4 =	vld [tilespmem:s23+$0xFFFFFFE0];
	v5 =	vmov s30  }
0x38: {  	v6 =	vld [tilespmem:s23+$0xFFFFFFF0];
	v5 =	vand.u32 $0x7E, v5  }
0x39: {  	v5 =	vor.u32 v0, v5  }
0x3a: {  	v5 =	vbroadcast v5, $0x0;
	v2 =	vmul.f32 v2, v1  }
0x3b: {  	v3 =	vmul.f32 v3, v1  }
0x3c: {  	v4 =	vmul.f32 v4, v1;
	[tilespmem:s23+$0xFFFFFFC0] =	vst v2  }
0x3d: {  	v1 =	vmul.f32 v6, v1;
	[tilespmem:s23+$0xFFFFFFD0] =	vst v3  }
0x3e: {  	[tilespmem:s23+$0xFFFFFFE0] =	vst v4  }
0x3f: {  	v2 =	vld [tilespmem:s23+$0x0];
	[tilespmem:s23+$0xFFFFFFF0] =	vst v1  }
0x40: {  	v1 =	vld.idx.msk [tilespmem:v5+s15+$0x0], $0xffff  }
0x41: {  	s31 =	simm.s32 $0x3;
	v3 =	vld [tilespmem:s23+$0x20]  }
0x42: {  	v4 =	vmov s31;
	v5 =	vld [tilespmem:s23+$0x10]  }
0x43: {  	v4 =	vand.u32 $0x7F, v4  }
0x44: {  	v7 =	vor.u32 v0, v4;
	v4 =	vld [tilespmem:s23+$0x30]  }
0x45: {  	s25 =	simm.s32 $0x4;
	s24 =	simm.s32 $0x7880;
	v6 =	vmul.f32 v2, v1;
	v2 =	vbroadcast v7, $0x0  }
.LBB2_3:
0x46: {  	p0 =	sne.s32 s25, $0x7C  }
0x47: {  	v5 =	vmul.f32 v5, v1;
	v3 =	vmul.f32 v3, v1;
	s23 =	sadd.s32 $0x100, s23;
	s26 =	smov.u32 s25;
	s25 =	sadd.s32 $0x4, s25  }
0x48: {  	[tilespmem:s24+$0x0] =	vst v6  }
0x49: {  	v1 =	vmul.f32 v4, v1;
	[tilespmem:s24+$0x10] =	vst v5  }
0x4a: {  	[tilespmem:s24+$0x20] =	vst v3;
	v3 =	vld [tilespmem:s24+$0x70]  }
0x4b: {  	v4 =	vmov s26;
	[tilespmem:s24+$0x30] =	vst v1;
	v1 =	vld [tilespmem:s24+$0x40]  }
0x4c: {  	v4 =	vand.u32 $0x7C, v4;
	v2 =	vld.idx.msk [tilespmem:v2+s15+$0x0], $0xffff  }
0x4d: {  	v4 =	vor.u32 v0, v4;
	v5 =	vld [tilespmem:s24+$0x50]  }
0x4e: {  	v4 =	vbroadcast v4, $0x0;
	v6 =	vld [tilespmem:s24+$0x60];
	_ =	sdelay $0x3  }
0x4f: {  	v1 =	vmul.f32 v1, v2;
	v7 =	vld [tilespmem:s23+$0xFFFFFFA0];
	v5 =	vmul.f32 v5, v2  }
0x50: {  	v8 =	vld [tilespmem:s23+$0xFFFFFFB0];
	v6 =	vmul.f32 v6, v2;
	v2 =	vmul.f32 v3, v2  }
0x51: {  	[tilespmem:s24+$0x40] =	vst v1  }
0x52: {  	[tilespmem:s24+$0x70] =	vst v2  }
0x53: {  	s28 =	sadd.s32 $0x1, s26;
	[tilespmem:s24+$0x60] =	vst v6  }
0x54: {  	v1 =	vmov s28;
	[tilespmem:s24+$0x50] =	vst v5;
	s24 =	smov.u32 s23  }
0x55: {  	v1 =	vand.u32 $0x7D, v1;
	v2 =	vld.idx.msk [tilespmem:v4+s15+$0x0], $0xffff  }
0x56: {  	v1 =	vor.u32 v0, v1;
	v3 =	vld [tilespmem:s23+$0xFFFFFF80]  }
0x57: {  	v1 =	vbroadcast v1, $0x0;
	v4 =	vld [tilespmem:s23+$0xFFFFFF90];
	_ =	sdelay $0x3  }
0x58: {  	v5 =	vmul.f32 v8, v2;
	v3 =	vmul.f32 v3, v2  }
0x59: {  	v4 =	vmul.f32 v4, v2;
	v2 =	vmul.f32 v7, v2  }
0x5a: {  	[tilespmem:s23+$0xFFFFFF80] =	vst v3  }
0x5b: {  	[tilespmem:s23+$0xFFFFFF90] =	vst v4  }
0x5c: {  	[tilespmem:s23+$0xFFFFFFB0] =	vst v5  }
0x5d: {  	[tilespmem:s23+$0xFFFFFFA0] =	vst v2;
	v2 =	vld [tilespmem:s23+$0xFFFFFFE0]  }
0x5e: {  	v1 =	vld.idx.msk [tilespmem:v1+s15+$0x0], $0xffff  }
0x5f: {  	v3 =	vld [tilespmem:s23+$0xFFFFFFC0]  }
0x60: {  	s28 =	sadd.s32 $0x2, s26;
	v4 =	vld [tilespmem:s23+$0xFFFFFFD0]  }
0x61: {  	v5 =	vmov s28  }
0x62: {  	v5 =	vand.u32 $0x7E, v5;
	v6 =	vld [tilespmem:s23+$0xFFFFFFF0]  }
0x63: {  	v5 =	vor.u32 v0, v5  }
0x64: {  	v5 =	vbroadcast v5, $0x0;
	v3 =	vmul.f32 v3, v1  }
0x65: {  	v2 =	vmul.f32 v2, v1;
	v4 =	vmul.f32 v4, v1  }
0x66: {  	[tilespmem:s23+$0xFFFFFFC0] =	vst v3  }
0x67: {  	[tilespmem:s23+$0xFFFFFFD0] =	vst v4;
	v1 =	vmul.f32 v6, v1  }
0x68: {  	[tilespmem:s23+$0xFFFFFFE0] =	vst v2;
	v2 =	vld [tilespmem:s23+$0x0]  }
0x69: {  	[tilespmem:s23+$0xFFFFFFF0] =	vst v1;
	v3 =	vld [tilespmem:s23+$0x20]  }
0x6a: {  	v1 =	vld.idx.msk [tilespmem:v5+s15+$0x0], $0xffff  }
0x6b: {  	v5 =	vld [tilespmem:s23+$0x10]  }
.Ltmp0:
0x6c: {  	s26 =	sadd.s32 $0x3, s26;
	v4 =	vld [tilespmem:s23+$0x30];
	(pc) =	sbr.rel @p0 .LBB2_3-.Ltmp0, $4  }
0x6d: {  	v6 =	vmov s26  }
0x6e: {  	v6 =	vand.u32 $0x7F, v6  }
0x6f: {  	v7 =	vor.u32 v0, v6  }
0x70: {  	v6 =	vmul.f32 v2, v1;
	v2 =	vbroadcast v7, $0x0  }
0x71: {  	v0 =	vmul.f32 v5, v1  }
0x72: {  	v3 =	vmul.f32 v3, v1;
	[tilespmem:s24+$0x0] =	vst v6  }
0x73: {  	v57 =	vmul.f32 v4, v1;
	[tilespmem:s24+$0x10] =	vst v0  }
0x74: {  	[tilespmem:s24+$0x20] =	vst v3  }
0x75: {  	v58 =	vld [tilespmem:s24+$0x40];
	[tilespmem:s24+$0x30] =	vst v57  }
0x76: {  	v59 =	vld.idx.msk [tilespmem:v2+s15+$0x0], $0xffff  }
0x77: {  	v60 =	vld [tilespmem:s24+$0x70]  }
0x78: {  	v61 =	vld [tilespmem:s24+$0x60]  }
0x79: {  	v62 =	vld [tilespmem:s24+$0x50];
	_ =	sdelay $0x1  }
0x7a: {  	v0 =	vmul.f32 v58, v59  }
0x7b: {  	v2 =	vmul.f32 v60, v59  }
0x7c: {  	v3 =	vmul.f32 v61, v59;
	[tilespmem:s24+$0x40] =	vst v0  }
0x7d: {  	s21 =	sadd.s32 $0x1, s21;
	v63 =	vmul.f32 v62, v59;
	[tilespmem:s24+$0x70] =	vst v2  }
0x7e: {  	p0 =	sne.s32 s21, $0x50;
	[tilespmem:s24+$0x60] =	vst v3  }
.Ltmp1:
0x7f: {  	s22 =	sadd.s32 $0x2800, s22;
	[tilespmem:s24+$0x50] =	vst v63;
	(pc) =	sbr.rel @p0 .LBB2_2-.Ltmp1, $4  }
0x80: {  	[spmem:s2] =	stream.indirect.scatter.add.f32 [tilespmem:s19], [sflag:$0x1], $0x40, s22, s18, $0xb8;
	[tilespmem:$0x13800] =	vst v63  }
0x81: {  	_ =	swait.ge [sflag:s13], $0x2000  }
0x82: {  	[sflag:s13] =	ssyncset.done $0x0  }
0x83: {  	[sflag:s13] =	ssyncadd.s32 $0xFFFFE000  }
0x84: {  	[bflag:$0x0] =	sbarrier.arrive $0xFFFF  }
0x85: {  	[hbm:s10], [sflag:s16] =	dma.local [spmem:s17], $0x1400  }
0x86: {  	_ =	swait.ge [sflag:s13], $0x1400  }
0x87: {  	[sflag:s13] =	ssyncset.done $0x0  }
0x88: {  	[sflag:s13] =	ssyncadd.s32 $0xFFFFEC00  }
0x89: {  	[spmem:s17], [sflag:s16] =	dma.local [hbm:s6], $0x1400  }
0x8a: {  	_ =	swait.ge [sflag:s13], $0x1400  }
0x8b: {  	[sflag:s13] =	ssyncset.done $0x0  }
0x8c: {  	[sflag:s13] =	ssyncadd.s32 $0xFFFFEC00  }
0x8d: {  	s21 =	simm.s32 $0x0;
	s22 =	simm.s32 $0x0;
	[bflag:$0x0] =	sbarrier.arrive $0xFFFF  }
.LBB2_6:
0x8e: {  	s23 =	sshll.u32 s22, $0x7;
	v1 =	vmov s21  }
0x8f: {  	v0 =	vmov s23;
	v1 =	vand.u32 $0x7C, v1  }
0x90: {  	v1 =	vor.u32 v0, v1  }
0x91: {  	v1 =	vbroadcast v1, $0x0  }
0x92: {  	[tilespmem:s19], [sflag:$0x1] =	stream.indirect.gather [hbm4b:s5+s18], $0x40, s23, s18, $0xb8;
	[tilespmem:$0x13800] =	vst v63  }
0x93: {  	_ =	swait.ge [sflag:s13], $0x2000  }
0x94: {  	[sflag:s13] =	ssyncset.done $0x0  }
0x95: {  	s24 =	simm.s32 $0x7880;
	[sflag:s13] =	ssyncadd.s32 $0xFFFFE000  }
0x96: {  	v2 =	vld [tilespmem:s24+$0xFFFFFF80]  }
0x97: {  	v1 =	vld.idx.msk [tilespmem:v1+s15+$0x0], $0xffff  }
0x98: {  	s25 =	simm.s32 $0x1;
	v3 =	vld [tilespmem:s24+$0xFFFFFF90]  }
0x99: {  	v5 =	vmov s25;
	v4 =	vld [tilespmem:s24+$0xFFFFFFB0]  }
0x9a: {  	v5 =	vand.u32 $0x7D, v5;
	v6 =	vld [tilespmem:s24+$0xFFFFFFA0]  }
0x9b: {  	v5 =	vor.u32 v0, v5  }
0x9c: {  	v5 =	vbroadcast v5, $0x0;
	v2 =	vmul.f32 v2, v1  }
0x9d: {  	v3 =	vmul.f32 v3, v1  }
0x9e: {  	v4 =	vmul.f32 v4, v1;
	[tilespmem:s24+$0xFFFFFF80] =	vst v2  }
0x9f: {  	v1 =	vmul.f32 v6, v1;
	[tilespmem:s24+$0xFFFFFF90] =	vst v3  }
0xa0: {  	[tilespmem:s24+$0xFFFFFFB0] =	vst v4  }
0xa1: {  	[tilespmem:s24+$0xFFFFFFA0] =	vst v1;
	v2 =	vld [tilespmem:s24+$0xFFFFFFC0]  }
0xa2: {  	v1 =	vld.idx.msk [tilespmem:v5+s15+$0x0], $0xffff  }
0xa3: {  	s30 =	simm.s32 $0x2;
	v3 =	vld [tilespmem:s24+$0xFFFFFFD0]  }
0xa4: {  	v4 =	vld [tilespmem:s24+$0xFFFFFFE0];
	v5 =	vmov s30  }
0xa5: {  	v6 =	vld [tilespmem:s24+$0xFFFFFFF0];
	v5 =	vand.u32 $0x7E, v5  }
0xa6: {  	v5 =	vor.u32 v0, v5  }
0xa7: {  	v5 =	vbroadcast v5, $0x0;
	v2 =	vmul.f32 v2, v1  }
0xa8: {  	v3 =	vmul.f32 v3, v1  }
0xa9: {  	v4 =	vmul.f32 v4, v1;
	[tilespmem:s24+$0xFFFFFFC0] =	vst v2  }
0xaa: {  	v1 =	vmul.f32 v6, v1;
	[tilespmem:s24+$0xFFFFFFD0] =	vst v3  }
0xab: {  	[tilespmem:s24+$0xFFFFFFE0] =	vst v4  }
0xac: {  	v2 =	vld [tilespmem:s24+$0x0];
	[tilespmem:s24+$0xFFFFFFF0] =	vst v1  }
0xad: {  	v1 =	vld.idx.msk [tilespmem:v5+s15+$0x0], $0xffff  }
0xae: {  	s31 =	simm.s32 $0x3;
	v3 =	vld [tilespmem:s24+$0x20]  }
0xaf: {  	v4 =	vmov s31;
	v5 =	vld [tilespmem:s24+$0x10]  }
0xb0: {  	v4 =	vand.u32 $0x7F, v4  }
0xb1: {  	v7 =	vor.u32 v0, v4;
	v4 =	vld [tilespmem:s24+$0x30]  }
0xb2: {  	s26 =	simm.s32 $0x4;
	s25 =	simm.s32 $0x7880;
	v6 =	vmul.f32 v2, v1;
	v2 =	vbroadcast v7, $0x0  }
.LBB2_7:
0xb3: {  	p0 =	sne.s32 s26, $0x7C  }
0xb4: {  	v5 =	vmul.f32 v5, v1;
	v3 =	vmul.f32 v3, v1;
	s24 =	sadd.s32 $0x100, s24;
	s28 =	smov.u32 s26;
	s26 =	sadd.s32 $0x4, s26  }
0xb5: {  	[tilespmem:s25+$0x0] =	vst v6  }
0xb6: {  	v1 =	vmul.f32 v4, v1;
	[tilespmem:s25+$0x10] =	vst v5  }
0xb7: {  	[tilespmem:s25+$0x20] =	vst v3;
	v3 =	vld [tilespmem:s25+$0x70]  }
0xb8: {  	v4 =	vmov s28;
	[tilespmem:s25+$0x30] =	vst v1;
	v1 =	vld [tilespmem:s25+$0x40]  }
0xb9: {  	v4 =	vand.u32 $0x7C, v4;
	v2 =	vld.idx.msk [tilespmem:v2+s15+$0x0], $0xffff  }
0xba: {  	v4 =	vor.u32 v0, v4;
	v5 =	vld [tilespmem:s25+$0x50]  }
0xbb: {  	v4 =	vbroadcast v4, $0x0;
	v6 =	vld [tilespmem:s25+$0x60];
	_ =	sdelay $0x3  }
0xbc: {  	v1 =	vmul.f32 v1, v2;
	v7 =	vld [tilespmem:s24+$0xFFFFFFA0];
	v5 =	vmul.f32 v5, v2  }
0xbd: {  	v8 =	vld [tilespmem:s24+$0xFFFFFFB0];
	v6 =	vmul.f32 v6, v2;
	v2 =	vmul.f32 v3, v2  }
0xbe: {  	[tilespmem:s25+$0x40] =	vst v1  }
0xbf: {  	[tilespmem:s25+$0x70] =	vst v2  }
0xc0: {  	s29 =	sadd.s32 $0x1, s28;
	[tilespmem:s25+$0x60] =	vst v6  }
0xc1: {  	v1 =	vmov s29;
	[tilespmem:s25+$0x50] =	vst v5;
	s25 =	smov.u32 s24  }
0xc2: {  	v1 =	vand.u32 $0x7D, v1;
	v2 =	vld.idx.msk [tilespmem:v4+s15+$0x0], $0xffff  }
0xc3: {  	v1 =	vor.u32 v0, v1;
	v3 =	vld [tilespmem:s24+$0xFFFFFF80]  }
0xc4: {  	v1 =	vbroadcast v1, $0x0;
	v4 =	vld [tilespmem:s24+$0xFFFFFF90];
	_ =	sdelay $0x3  }
0xc5: {  	v5 =	vmul.f32 v8, v2;
	v3 =	vmul.f32 v3, v2  }
0xc6: {  	v4 =	vmul.f32 v4, v2;
	v2 =	vmul.f32 v7, v2  }
0xc7: {  	[tilespmem:s24+$0xFFFFFF80] =	vst v3  }
0xc8: {  	[tilespmem:s24+$0xFFFFFF90] =	vst v4  }
0xc9: {  	[tilespmem:s24+$0xFFFFFFB0] =	vst v5  }
0xca: {  	[tilespmem:s24+$0xFFFFFFA0] =	vst v2;
	v2 =	vld [tilespmem:s24+$0xFFFFFFE0]  }
0xcb: {  	v1 =	vld.idx.msk [tilespmem:v1+s15+$0x0], $0xffff  }
0xcc: {  	v3 =	vld [tilespmem:s24+$0xFFFFFFC0]  }
0xcd: {  	s29 =	sadd.s32 $0x2, s28;
	v4 =	vld [tilespmem:s24+$0xFFFFFFD0]  }
0xce: {  	v5 =	vmov s29  }
0xcf: {  	v5 =	vand.u32 $0x7E, v5;
	v6 =	vld [tilespmem:s24+$0xFFFFFFF0]  }
0xd0: {  	v5 =	vor.u32 v0, v5  }
0xd1: {  	v5 =	vbroadcast v5, $0x0;
	v3 =	vmul.f32 v3, v1  }
0xd2: {  	v2 =	vmul.f32 v2, v1;
	v4 =	vmul.f32 v4, v1  }
0xd3: {  	[tilespmem:s24+$0xFFFFFFC0] =	vst v3  }
0xd4: {  	[tilespmem:s24+$0xFFFFFFD0] =	vst v4;
	v1 =	vmul.f32 v6, v1  }
0xd5: {  	[tilespmem:s24+$0xFFFFFFE0] =	vst v2;
	v2 =	vld [tilespmem:s24+$0x0]  }
0xd6: {  	[tilespmem:s24+$0xFFFFFFF0] =	vst v1;
	v3 =	vld [tilespmem:s24+$0x20]  }
0xd7: {  	v1 =	vld.idx.msk [tilespmem:v5+s15+$0x0], $0xffff  }
0xd8: {  	v5 =	vld [tilespmem:s24+$0x10]  }
.Ltmp2:
0xd9: {  	s28 =	sadd.s32 $0x3, s28;
	v4 =	vld [tilespmem:s24+$0x30];
	(pc) =	sbr.rel @p0 .LBB2_7-.Ltmp2, $4  }
0xda: {  	v6 =	vmov s28  }
0xdb: {  	v6 =	vand.u32 $0x7F, v6  }
0xdc: {  	v7 =	vor.u32 v0, v6  }
0xdd: {  	v6 =	vmul.f32 v2, v1;
	v2 =	vbroadcast v7, $0x0  }
0xde: {  	v0 =	vmul.f32 v5, v1  }
0xdf: {  	v3 =	vmul.f32 v3, v1;
	[tilespmem:s25+$0x0] =	vst v6  }
0xe0: {  	v57 =	vmul.f32 v4, v1;
	[tilespmem:s25+$0x10] =	vst v0  }
0xe1: {  	[tilespmem:s25+$0x20] =	vst v3  }
0xe2: {  	v58 =	vld [tilespmem:s25+$0x40];
	[tilespmem:s25+$0x30] =	vst v57  }
0xe3: {  	v59 =	vld.idx.msk [tilespmem:v2+s15+$0x0], $0xffff  }
0xe4: {  	v60 =	vld [tilespmem:s25+$0x70]  }
0xe5: {  	v61 =	vld [tilespmem:s25+$0x60]  }
0xe6: {  	v62 =	vld [tilespmem:s25+$0x50];
	_ =	sdelay $0x1  }
0xe7: {  	v0 =	vmul.f32 v58, v59  }
0xe8: {  	v2 =	vmul.f32 v60, v59  }
0xe9: {  	v3 =	vmul.f32 v61, v59;
	[tilespmem:s25+$0x40] =	vst v0  }
0xea: {  	s22 =	sadd.s32 $0x1, s22;
	v63 =	vmul.f32 v62, v59;
	[tilespmem:s25+$0x70] =	vst v2  }
0xeb: {  	p0 =	sne.s32 s22, $0x50;
	[tilespmem:s25+$0x60] =	vst v3  }
.Ltmp3:
0xec: {  	s23 =	sadd.s32 $0x2800, s23;
	[tilespmem:s25+$0x50] =	vst v63;
	(pc) =	sbr.rel @p0 .LBB2_6-.Ltmp3, $4  }
0xed: {  	[spmem:s2] =	stream.indirect.scatter.add.f32 [tilespmem:s19], [sflag:$0x1], $0x40, s23, s18, $0xb8;
	[tilespmem:$0x13800] =	vst v63  }
0xee: {  	_ =	swait.ge [sflag:s13], $0x2000  }
0xef: {  	[sflag:s13] =	ssyncset.done $0x0  }
0xf0: {  	[sflag:s13] =	ssyncadd.s32 $0xFFFFE000  }
0xf1: {  	s20 =	sadd.s32 $0x1, s20  }
0xf2: {  	p0 =	sne.s32 s20, s12  }
.Ltmp4:
0xf3: {  	[bflag:$0x0] =	sbarrier.arrive $0xFFFF;
	(pc) =	sbr.rel @p0 .LBB2_1-.Ltmp4, $4  }
0xf4: {  	[hbm:s11], [sflag:s16] =	dma.local [spmem:s17], $0x1400  }
0xf5: {  	_ =	swait.ge [sflag:s13], $0x1400  }
0xf6: {  	[sflag:s13] =	ssyncset.done $0x0  }
0xf7: {  	[sflag:s13] =	ssyncadd.s32 $0xFFFFEC00  }
0xf8: {  	_ =	sfence.sel $0x180000  }
0xf9: {  	[bflag:$0x0] =	sbarrier.arrive $0xFFFF  }
0xfa: {  	p0 =	sne.s32 s0, $0x0;
	_ =	strace $0x9000004A  }
0xfb: {  	s0 =	sadd.s32 @!p0 $0x100000, s1;
	[bflag:$0x2] =	sbarrier.arrive $0xFFFF  }
0xfc: {  	[sflag:s0] =	ssyncadd.tile.s32 @!p0 $0x1;
	_ =	shalt  }
.Lfunc_end2:
_tile_overlayer_lowered:
.L_overlay_start_2:
0xfd: {  	(tag) =	ssettag $0x2  }
0xfe: {  	s0 =	rddreg [dreg:$0x0];
	s2 =	stileid.u32  }
0xff: {  	s1 =	rddreg [dreg:$0x1];
	p0 =	sne.s32 s2, $0x0  }
0x100: {  	s3 =	rddreg [dreg:$0x2];
	[bflag:$0x3] =	sbarrier.arrive $0xFFFF;
	s2 =	simm.s32 @!p0 $0x1C01  }
0x101: {  	[timem:s3], [sflag:s2] =	dma.local @!p0 [hbm:s0], s1  }
0x102: {  	s0 =	simm.s32 @!p0 $0x1  }
0x103: {  	_ =	swait.ge @!p0 [sflag:s0], s1  }
0x104: {  	s1 =	ssub.s32 @!p0 $0x0, s1;
	[sflag:s0] =	ssyncset.done @!p0 $0x0  }
0x105: {  	[sflag:s0] =	ssyncadd.s32 @!p0 s1  }
0x106: {  	[bflag:$0x3] =	sbarrier.arrive $0xFFFF  }
0x107: {  	_ =	shalt  }

// kernel: kernel.14.cloned.1.call-start
scs
__scs_entry_jumppad:
0x0: {  	(pc) =	sbr.rel $0x88, $3  }
0x1: {  	(tag) =	ssettag $0x0;
	lr =	simm.s32 $0x1  }
0x2: {  	[smem:$0x3F95] =	sst lr;
	_ =	strace $0xD0000000  }
0x3: {  	_ = 	snop  }
0x4: {  	_ = 	snop  }
0x5: {  	_ = 	snop  }
0x6: {  	_ = 	snop  }
0x7: {  	_ = 	snop  }
__scs_overlays_trampoline_lowered:
0x8: {  	[smem:$0x3FA4] =	sst s0  }
0x9: {  	[smem:$0x3FA5] =	sst s1  }
0xa: {  	[smem:$0x3FA6] =	sst s2  }
0xb: {  	[smem:$0x3FA7] =	sst s3  }
0xc: {  	[smem:$0x3FA8] =	sst s4  }
0xd: {  	[smem:$0x3FA9] =	sst s5  }
0xe: {  	[smem:$0x3FAA] =	sst s6  }
0xf: {  	[smem:$0x3FAB] =	sst s7  }
0x10: {  	[smem:$0x3FAC] =	sst s8  }
0x11: {  	[smem:$0x3FAD] =	sst s9;
	s0 =	simm.s32 @!p0 $0x0  }
0x12: {  	s1 =	sld [smem:$0x3F93];
	s0 =	simm.s32 @p0 $0x1  }
0x13: {  	[smem:$0x3FAE] =	sst s0;
	s0 =	simm.s32 @!p1 $0x0  }
0x14: {  	s2 =	sld [smem:$0x3F92];
	s0 =	simm.s32 @p1 $0x1  }
0x15: {  	[smem:$0x3FAF] =	sst s0;
	s0 =	simm.s32 @!p2 $0x0  }
0x16: {  	s3 =	sld [smem:$0x3FDB];
	s0 =	simm.s32 @p2 $0x1  }
0x17: {  	s4 =	simm.s32 $0x1BF5;
	[smem:$0x3FB1] =	sst s0  }
0x18: {  	s0 =	sld [smem:$0x3F94];
	_ =	swait.ge [sflag:s4], $0x0  }
0x19: {  	s7 =	sld [smem:$0x3F95]  }
0x1a: {  	s8 =	sadd.s32 $0xFFFFE003, lr  }
0x1b: {  	s9 =	sadd.s32 $0xFFFFFEF7, lr;
	s5 =	simm.s32 $0xFFFFFFFF;
	p2 =	slt.u32 s8, $0xFFFFF086  }
0x1c: {  	p1 =	slt.u32 s9, $0xF7A;
	s5 =	simm.s32 @!p2 $0x0  }
0x1d: {  	s5 =	simm.s32 @p1 $0x1;
	p0 =	seq.s32 s7, s2  }
0x1e: {  	s7 =	smul.u32 @!p0 $0xF7A, s2;
	p2 =	seq.s32 @!p0 s5, $0x0  }
0x1f: {  	s9 =	smul.u32 $0xF7A, s1;
	s8 =	simm.s32 @!p0 $0x1BF5;
	p2 =	por !p2, p0  }
0x20: {  	[sflag:s8] =	ssyncset.s32 @!p0 $0xFFFFF086;
	s6 =	sadd.s32 @!p0 s3, s7;
	s7 =	simm.s32 @!p0 $0x108  }
0x21: {  	s3 =	sadd.s32 s3, s9;
	s6 =	sadd.s32 @!p0 $0x88, s6;
	s7 =	simm.s32 @p2 $0x1082  }
0x22: {  	[simem:s7], [sflag:s8] =	dma.local @!p0 [hbm:s6], $0xF7A  }
0x23: {  	s9 =	sor.u32 $0xD0000000, s2;
	s6 =	simm.s32 $0x108;
	_ =	swait.ge @!p0 [sflag:s8], $0x0  }
0x24: {  	s3 =	sadd.s32 $0x88, s3;
	s6 =	simm.s32 @!p1 $0x1082;
	[sflag:s4] =	ssyncset.s32 $0xFFFFF086  }
0x25: {  	[simem:s6], [sflag:s4] =	dma.local [hbm:s3], $0xF7A  }
0x26: {  	[smem:$0x3F95] =	sst s1;
	(tag) =	ssettag s2;
	_ =	strace s9  }
0x27: {  	s1 =	sld [smem:$0x3FA5]  }
0x28: {  	s2 =	sld [smem:$0x3FA6]  }
0x29: {  	s4 =	sld [smem:$0x3FA8]  }
0x2a: {  	p0 =	seq.s32 s5, $0x0;
	s5 =	sld [smem:$0x3FA9]  }
0x2b: {  	s6 =	sld [smem:$0x3FAA]  }
0x2c: {  	s7 =	sld [smem:$0x3FAB]  }
0x2d: {  	s3 =	simm.s32 $0x108;
	s8 =	sld [smem:$0x3FAC]  }
0x2e: {  	s3 =	simm.s32 @!p0 $0x1082;
	s9 =	sld [smem:$0x3FAD]  }
0x2f: {  	lr =	sadd.s32 s0, s3;
	s0 =	sld [smem:$0x3FA4]  }
0x30: {  	s3 =	sld [smem:$0x3FA7]  }
0x31: {  	[smem:$0x3FB0] =	sst s10  }
0x32: {  	s10 =	sld [smem:$0x3FAE];
	_ =	sdelay $0x3  }
0x33: {  	p0 =	seq.s32 s10, $0x1;
	s10 =	sld [smem:$0x3FB0];
	_ =	sdelay $0x3  }
0x34: {  	[smem:$0x3FB0] =	sst s10  }
0x35: {  	s10 =	sld [smem:$0x3FAF];
	_ =	sdelay $0x3  }
0x36: {  	p1 =	seq.s32 s10, $0x1;
	s10 =	sld [smem:$0x3FB0];
	_ =	sdelay $0x3  }
0x37: {  	[smem:$0x3FB0] =	sst s10  }
0x38: {  	s10 =	sld [smem:$0x3FB1]  }
0x39: {  	_ = 	snop;
	(pc) =	sbr.ind lr, $3  }
0x3a: {  	_ = 	snop  }
0x3b: {  	_ = 	snop  }
0x3c: {  	p2 =	seq.s32 s10, $0x1;
	s10 =	sld [smem:$0x3FB0]  }
0x3d: {  	_ =	shalt  }
0x3e: {  	_ =	shalt  }
0x3f: {  	_ =	shalt  }
0x40: {  	_ =	shalt  }
0x41: {  	_ =	shalt  }
0x42: {  	_ =	shalt  }
0x43: {  	_ =	shalt  }
0x44: {  	_ =	shalt  }
0x45: {  	_ =	shalt  }
0x46: {  	_ =	shalt  }
0x47: {  	_ =	shalt  }
0x48: {  	_ =	shalt  }
0x49: {  	_ =	shalt  }
0x4a: {  	_ =	shalt  }
0x4b: {  	_ =	shalt  }
0x4c: {  	_ =	shalt  }
0x4d: {  	_ =	shalt  }
0x4e: {  	_ =	shalt  }
0x4f: {  	_ =	shalt  }
0x50: {  	_ =	shalt  }
0x51: {  	_ =	shalt  }
0x52: {  	_ =	shalt  }
0x53: {  	_ =	shalt  }
0x54: {  	_ =	shalt  }
0x55: {  	_ =	shalt  }
0x56: {  	_ =	shalt  }
0x57: {  	_ =	shalt  }
0x58: {  	_ =	shalt  }
0x59: {  	_ =	shalt  }
0x5a: {  	_ =	shalt  }
0x5b: {  	_ =	shalt  }
0x5c: {  	_ =	shalt  }
0x5d: {  	_ =	shalt  }
0x5e: {  	_ =	shalt  }
0x5f: {  	_ =	shalt  }
0x60: {  	_ =	shalt  }
0x61: {  	_ =	shalt  }
0x62: {  	_ =	shalt  }
0x63: {  	_ =	shalt  }
0x64: {  	_ =	shalt  }
0x65: {  	_ =	shalt  }
0x66: {  	_ =	shalt  }
0x67: {  	_ =	shalt  }
0x68: {  	_ =	shalt  }
0x69: {  	_ =	shalt  }
0x6a: {  	_ =	shalt  }
0x6b: {  	_ =	shalt  }
0x6c: {  	_ =	shalt  }
0x6d: {  	_ =	shalt  }
0x6e: {  	_ =	shalt  }
0x6f: {  	_ =	shalt  }
0x70: {  	_ =	shalt  }
0x71: {  	_ =	shalt  }
0x72: {  	_ =	shalt  }
0x73: {  	_ =	shalt  }
0x74: {  	_ =	shalt  }
0x75: {  	_ =	shalt  }
0x76: {  	_ =	shalt  }
0x77: {  	_ =	shalt  }
0x78: {  	_ =	shalt  }
0x79: {  	_ =	shalt  }
0x7a: {  	_ =	shalt  }
0x7b: {  	_ =	shalt  }
0x7c: {  	_ =	shalt  }
0x7d: {  	_ =	shalt  }
0x7e: {  	_ =	shalt  }
0x7f: {  	_ =	shalt  }
0x80: {  	_ =	shalt  }
0x81: {  	_ =	shalt  }
0x82: {  	_ =	shalt  }
0x83: {  	_ =	shalt  }
0x84: {  	_ =	shalt  }
0x85: {  	_ =	shalt  }
0x86: {  	_ =	shalt  }
0x87: {  	_ =	shalt  }
.Lfunc_end0:
.L_simem_size_0:
called_computation.2_lowered:
.L_overlay_start_0:
0x88: {  	s2 =	sld [smem:$0x3FD9]  }
0x89: {  	s3 =	sld [smem:$0x3FFE];
	_ =	sdelay $0x1  }
0x8a: {  	s1 =	srdreg.scid  }
0x8b: {  	s0 =	sand.u32 $0x1, s1  }
0x8c: {  	s16 =	sshll.u32 s0, $0xA;
	s2 =	sadd.s32 s3, s2  }
0x8d: {  	s2 =	sadd.s32 s2, s16  }
0x8e: {  	[smem:$0x3FBC] =	sst s2  }
0x8f: {  	_ = 	snop  }
0x90: {  	(tm) =	ssettm $0x1  }
0x91: {  	s17 =	sld [smem:$0x3FFB];
	_ =	sdelay $0x3  }
0x92: {  	_ =	strace s17  }
0x93: {  	s2 =	sld [smem:$0x3FFC];
	_ =	sdelay $0x3  }
0x94: {  	_ =	strace s2  }
0x95: {  	s2 =	sld [smem:$0x3FFD];
	_ =	sdelay $0x3  }
0x96: {  	_ =	strace s2  }
0x97: {  	_ =	strace $0x8FFFFFFF  }
0x98: {  	s18 =	sld [smem:$0x3FDB];
	_ =	sdelay $0x1  }
0x99: {  	s19 =	simm.s32 $_scs_section_size  }
0x9a: {  	s4 =	simm.s32 $_size__tile_overlayer_lowered;
	s5 =	simm.s32 $_tile_overlayer_lowered  }
0x9b: {  	s22 =	simm.s32 $0x1BFF;
	s21 =	sshll.u32 s5, $0x1;
	s2 =	sadd.s32 s19, s18  }
0x9c: {  	s6 =	simm.s32 $0x0;
	s20 =	sshll.u32 s4, $0x1;
	s4 =	sadd.s32 s21, s2  }
0x9d: {  	[timem:s6], [sflag:s22] =	dma.local [hbm:s4], s20  }
0x9e: {  	_ =	swait.ge [sflag:s22], s20  }
0x9f: {  	s3 =	ssub.s32 $0x0, s20;
	[sflag:s22] =	ssyncset.done $0x0  }
0xa0: {  	[sflag:s22] =	ssyncadd.s32 s3;
	_ =	sdelay $0x1  }
0xa1: {  	s23 =	simm.s32 $0x1B8B  }
0xa2: {  	_ =	swait.ge [sflag:s23], $0x1  }
0xa3: {  	[sflag:s23] =	ssyncset.done $0x0  }
0xa4: {  	s25 =	simm.s32 $0x1B8E;
	s24 =	sld [smem:$0x3FFE];
	[sflag:s23] =	ssyncadd.s32 $0xFFFFFFFF  }
0xa5: {  	s26 =	simm.s32 $execute0_lowered;
	[smem:$0x3FD2] =	sst s25  }
0xa6: {  	s4 =	sshll.u32 s26, $0x1;
	_ =	strace $0x8000004C;
	[dreg:$0x1] =	wrdreg $0xFFFFFFFF  }
0xa7: {  	s28 =	simm.s32 $_size_execute0_lowered;
	s2 =	sadd.s32 s2, s4;
	[dreg:$0x0] =	wrdreg $0x0  }
0xa8: {  	s4 =	sshll.u32 s28, $0x1;
	[dreg:$0x2] =	wrdreg s2  }
0xa9: {  	[dreg:$0x3] =	wrdreg s4  }
0xaa: {  	[dreg:$0x4] =	wrdreg $0xC0  }
0xab: {  	_ =	task [dreg:s6], $0x5FFFF  }
0xac: {  	[dreg:$0x1] =	wrdreg $0xFFFFFFFF  }
0xad: {  	[dreg:$0x0] =	wrdreg $0x60  }
0xae: {  	[dreg:$0x2] =	wrdreg s24  }
0xaf: {  	[dreg:$0x3] =	wrdreg $0x98000  }
0xb0: {  	[dreg:$0x4] =	wrdreg $0x9  }
0xb1: {  	_ =	task.clear_ibuf [dreg:s6], $0x5FFFF;
	_ =	strace $0x9000004C  }
0xb2: {  	s29 =	simm.s32 $0x9;
	_ =	strace $0x8000004E  }
0xb3: {  	_ =	swait.ge [sflag:s29], $0x1  }
0xb4: {  	[sflag:s29] =	ssyncadd.s32 $0xFFFFFFFF  }
0xb5: {  	_ =	strace $0x9000004E  }
0xb6: {  	_ =	sfence  }
0xb7: {  	s30 =	sld [smem:$0x0];
	_ =	sdelay $0x2  }
0xb8: {  	s31 =	sshll.u32 s1, $0xD;
	s1 =	sshrl.u32 s1, $0x2  }
0xb9: {  	s3 =	sand.u32 $0x4000, s31;
	s1 =	sadd.s32 s1, s30  }
0xba: {  	s0 =	sor.u32 s3, s0;
	s1 =	sshll.u32 s1, $0x11  }
0xbb: {  	s0 =	sor.u32 s1, s0  }
0xbc: {  	s0 =	sadd.s32 $0x8F2B, s0  }
0xbd: {  	[sflag:s0] =	ssyncadd.remote.s32 $0x1  }
0xbe: {  	_ =	sfence.sel $0xFFFF  }
0xbf: {  	[dreg:$0x0] =	wrdreg $0xFFFFFFFF;
	(pc) =	sbr.abs _section_cstart, $3  }
0xc0: {  	[dreg:$0x1] =	wrdreg $0xFFFFFFFF  }
0xc1: {  	_ =	task.clear_ibuf [dreg:s6], $0x2FFFF;
	_ =	strace $0x9FFFFFFF  }
0xc2: {  	(tm) =	ssettm $0x7FFFFFFF  }
0xc3: {  	_ =	shalt  }
tec
execute0_lowered:
.L_overlay_start_1:
0x0: {  	(tag) =	ssettag $0x1  }
0x1: {  	s7 =	rddreg [dreg:$0x0]  }
0x2: {  	s0 =	srdreg.scid;
	s2 =	rddreg [dreg:$0x1];
	s3 =	simm.s32 $0x0  }
0x3: {  	s14 =	simm.s32 $0x2800;
	s15 =	simm.s32 $0x5000;
	s18 =	simm.s32 $0x80  }
0x4: {  	s19 =	simm.s32 $0x7800;
	s20 =	simm.s32 $0x0;
	s6 =	sand.u32 $0x1, s0  }
0x5: {  	s0 =	stileid.u32;
	[smem:$0x7FF] =	sst s3;
	s4 =	sadd.s32 $0x3E400, s7  }
0x6: {  	s5 =	sadd.s32 $0x2AA00, s7;
	s1 =	sshll.u32 s6, $0x4;
	s10 =	smul.u32 $0xA000, s0  }
0x7: {  	s9 =	smul.u32 $0x140000, s6;
	s31 =	ssub.s32 $0x2, s6;
	s6 =	sadd.s32 $0x16400, s7  }
0x8: {  	s16 =	sshll.u32 s0, $0x6;
	s1 =	sor.u32 s0, s1;
	s12 =	sshrl.u32 s31, $0x1  }
0x9: {  	s16 =	sor.u32 $0x1C01, s16;
	s8 =	smul.u32 $0x500, s1;
	s1 =	rddreg [dreg:$0x2]  }
0xa: {  	_ =	strace $0x8000004D;
	s30 =	sadd.s32 s10, s9;
	s12 =	ssub.s32 s31, s12  }
0xb: {  	s17 =	sadd.s32 s10, s2;
	s11 =	sadd.s32 s8, s7;
	s8 =	sshrl.u32 s30, $0x3  }
0xc: {  	s12 =	smax.u32 s12, $0x1;
	s17 =	sshrl.u32 s17, $0x3;
	s13 =	sadd.s32 s8, s7  }
0xd: {  	s7 =	sadd.s32 $0x20A00, s11;
	s8 =	sadd.s32 $0x2400, s11;
	s9 =	sadd.s32 $0xC400, s11  }
0xe: {  	s10 =	sadd.s32 $0x51E00, s13;
	s11 =	sadd.s32 $0x65E00, s13;
	s13 =	simm.s32 $0x1  }
.LBB2_1:
0xf: {  	[tilespmem:s3], [sflag:$0x1] =	stream.linear.gather [hbm4b:s7+s3], $0x2800, $0x38;
	[tilespmem:$0x13800] =	vst v63  }
0x10: {  	_ =	swait.ge [sflag:s13], $0x2800  }
0x11: {  	[sflag:s13] =	ssyncset.done $0x0  }
0x12: {  	[sflag:s13] =	ssyncadd.s32 $0xFFFFD800  }
0x13: {  	[tilespmem:s14], [sflag:$0x1] =	stream.linear.gather [hbm4b:s8+s3], $0x2800, $0x38;
	[tilespmem:$0x13800] =	vst v63  }
0x14: {  	_ =	swait.ge [sflag:s13], $0x2800  }
0x15: {  	[sflag:s13] =	ssyncset.done $0x0  }
0x16: {  	[sflag:s13] =	ssyncadd.s32 $0xFFFFD800  }
0x17: {  	[tilespmem:s15], [sflag:$0x1] =	stream.linear.gather [hbm4b:s9+s3], $0x2800, $0x38;
	[tilespmem:$0x13800] =	vst v63  }
0x18: {  	_ =	swait.ge [sflag:s13], $0x2800  }
0x19: {  	[sflag:s13] =	ssyncset.done $0x0  }
0x1a: {  	[sflag:s13] =	ssyncadd.s32 $0xFFFFD800  }
0x1b: {  	[spmem:s17], [sflag:s16] =	dma.local [hbm:s6], $0x1400  }
0x1c: {  	_ =	swait.ge [sflag:s13], $0x1400  }
0x1d: {  	[sflag:s13] =	ssyncset.done $0x0  }
0x1e: {  	[sflag:s13] =	ssyncadd.s32 $0xFFFFEC00  }
0x1f: {  	s21 =	simm.s32 $0x0;
	[bflag:$0x0] =	sbarrier.arrive $0xFFFF  }
.LBB2_2:
0x20: {  	s23 =	simm.s32 $0x0  }
0x21: {  	s22 =	sshll.u32 s21, $0x7;
	v1 =	vmov s23  }
0x22: {  	v0 =	vmov s22;
	v1 =	vand.u32 $0x7C, v1  }
0x23: {  	v1 =	vor.u32 v0, v1  }
0x24: {  	v1 =	vbroadcast v1, $0x0  }
0x25: {  	[tilespmem:s19], [sflag:$0x1] =	stream.indirect.gather [hbm4b:s4+s18], $0x40, s22, s18, $0xb8;
	[tilespmem:$0x13800] =	vst v63  }
0x26: {  	_ =	swait.ge [sflag:s13], $0x2000  }
0x27: {  	[sflag:s13] =	ssyncset.done $0x0  }
0x28: {  	s23 =	simm.s32 $0x7880;
	[sflag:s13] =	ssyncadd.s32 $0xFFFFE000  }
0x29: {  	v2 =	vld [tilespmem:s23+$0xFFFFFF80]  }
0x2a: {  	v1 =	vld.idx.msk [tilespmem:v1+s15+$0x0], $0xffff  }
0x2b: {  	s24 =	simm.s32 $0x1;
	v3 =	vld [tilespmem:s23+$0xFFFFFF90]  }
0x2c: {  	v5 =	vmov s24;
	v4 =	vld [tilespmem:s23+$0xFFFFFFB0]  }
0x2d: {  	v5 =	vand.u32 $0x7D, v5;
	v6 =	vld [tilespmem:s23+$0xFFFFFFA0]  }
0x2e: {  	v5 =	vor.u32 v0, v5  }
0x2f: {  	v5 =	vbroadcast v5, $0x0;
	v2 =	vmul.f32 v2, v1  }
0x30: {  	v3 =	vmul.f32 v3, v1  }
0x31: {  	v4 =	vmul.f32 v4, v1;
	[tilespmem:s23+$0xFFFFFF80] =	vst v2  }
0x32: {  	v1 =	vmul.f32 v6, v1;
	[tilespmem:s23+$0xFFFFFF90] =	vst v3  }
0x33: {  	[tilespmem:s23+$0xFFFFFFB0] =	vst v4  }
0x34: {  	[tilespmem:s23+$0xFFFFFFA0] =	vst v1;
	v2 =	vld [tilespmem:s23+$0xFFFFFFC0]  }
0x35: {  	v1 =	vld.idx.msk [tilespmem:v5+s15+$0x0], $0xffff  }
0x36: {  	s30 =	simm.s32 $0x2;
	v3 =	vld [tilespmem:s23+$0xFFFFFFD0]  }
0x37: {  	v4 =	vld [tilespmem:s23+$0xFFFFFFE0];
	v5 =	vmov s30  }
0x38: {  	v6 =	vld [tilespmem:s23+$0xFFFFFFF0];
	v5 =	vand.u32 $0x7E, v5  }
0x39: {  	v5 =	vor.u32 v0, v5  }
0x3a: {  	v5 =	vbroadcast v5, $0x0;
	v2 =	vmul.f32 v2, v1  }
0x3b: {  	v3 =	vmul.f32 v3, v1  }
0x3c: {  	v4 =	vmul.f32 v4, v1;
	[tilespmem:s23+$0xFFFFFFC0] =	vst v2  }
0x3d: {  	v1 =	vmul.f32 v6, v1;
	[tilespmem:s23+$0xFFFFFFD0] =	vst v3  }
0x3e: {  	[tilespmem:s23+$0xFFFFFFE0] =	vst v4  }
0x3f: {  	v2 =	vld [tilespmem:s23+$0x0];
	[tilespmem:s23+$0xFFFFFFF0] =	vst v1  }
0x40: {  	v1 =	vld.idx.msk [tilespmem:v5+s15+$0x0], $0xffff  }
0x41: {  	s31 =	simm.s32 $0x3;
	v3 =	vld [tilespmem:s23+$0x20]  }
0x42: {  	v4 =	vmov s31;
	v5 =	vld [tilespmem:s23+$0x10]  }
0x43: {  	v4 =	vand.u32 $0x7F, v4  }
0x44: {  	v7 =	vor.u32 v0, v4;
	v4 =	vld [tilespmem:s23+$0x30]  }
0x45: {  	s25 =	simm.s32 $0x4;
	s24 =	simm.s32 $0x7880;
	v6 =	vmul.f32 v2, v1;
	v2 =	vbroadcast v7, $0x0  }
.LBB2_3:
0x46: {  	p0 =	sne.s32 s25, $0x7C  }
0x47: {  	v5 =	vmul.f32 v5, v1;
	v3 =	vmul.f32 v3, v1;
	s23 =	sadd.s32 $0x100, s23;
	s26 =	smov.u32 s25;
	s25 =	sadd.s32 $0x4, s25  }
0x48: {  	[tilespmem:s24+$0x0] =	vst v6  }
0x49: {  	v1 =	vmul.f32 v4, v1;
	[tilespmem:s24+$0x10] =	vst v5  }
0x4a: {  	[tilespmem:s24+$0x20] =	vst v3;
	v3 =	vld [tilespmem:s24+$0x70]  }
0x4b: {  	v4 =	vmov s26;
	[tilespmem:s24+$0x30] =	vst v1;
	v1 =	vld [tilespmem:s24+$0x40]  }
0x4c: {  	v4 =	vand.u32 $0x7C, v4;
	v2 =	vld.idx.msk [tilespmem:v2+s15+$0x0], $0xffff  }
0x4d: {  	v4 =	vor.u32 v0, v4;
	v5 =	vld [tilespmem:s24+$0x50]  }
0x4e: {  	v4 =	vbroadcast v4, $0x0;
	v6 =	vld [tilespmem:s24+$0x60];
	_ =	sdelay $0x3  }
0x4f: {  	v1 =	vmul.f32 v1, v2;
	v7 =	vld [tilespmem:s23+$0xFFFFFFA0];
	v5 =	vmul.f32 v5, v2  }
0x50: {  	v8 =	vld [tilespmem:s23+$0xFFFFFFB0];
	v6 =	vmul.f32 v6, v2;
	v2 =	vmul.f32 v3, v2  }
0x51: {  	[tilespmem:s24+$0x40] =	vst v1  }
0x52: {  	[tilespmem:s24+$0x70] =	vst v2  }
0x53: {  	s28 =	sadd.s32 $0x1, s26;
	[tilespmem:s24+$0x60] =	vst v6  }
0x54: {  	v1 =	vmov s28;
	[tilespmem:s24+$0x50] =	vst v5;
	s24 =	smov.u32 s23  }
0x55: {  	v1 =	vand.u32 $0x7D, v1;
	v2 =	vld.idx.msk [tilespmem:v4+s15+$0x0], $0xffff  }
0x56: {  	v1 =	vor.u32 v0, v1;
	v3 =	vld [tilespmem:s23+$0xFFFFFF80]  }
0x57: {  	v1 =	vbroadcast v1, $0x0;
	v4 =	vld [tilespmem:s23+$0xFFFFFF90];
	_ =	sdelay $0x3  }
0x58: {  	v5 =	vmul.f32 v8, v2;
	v3 =	vmul.f32 v3, v2  }
0x59: {  	v4 =	vmul.f32 v4, v2;
	v2 =	vmul.f32 v7, v2  }
0x5a: {  	[tilespmem:s23+$0xFFFFFF80] =	vst v3  }
0x5b: {  	[tilespmem:s23+$0xFFFFFF90] =	vst v4  }
0x5c: {  	[tilespmem:s23+$0xFFFFFFB0] =	vst v5  }
0x5d: {  	[tilespmem:s23+$0xFFFFFFA0] =	vst v2;
	v2 =	vld [tilespmem:s23+$0xFFFFFFE0]  }
0x5e: {  	v1 =	vld.idx.msk [tilespmem:v1+s15+$0x0], $0xffff  }
0x5f: {  	v3 =	vld [tilespmem:s23+$0xFFFFFFC0]  }
0x60: {  	s28 =	sadd.s32 $0x2, s26;
	v4 =	vld [tilespmem:s23+$0xFFFFFFD0]  }
0x61: {  	v5 =	vmov s28  }
0x62: {  	v5 =	vand.u32 $0x7E, v5;
	v6 =	vld [tilespmem:s23+$0xFFFFFFF0]  }
0x63: {  	v5 =	vor.u32 v0, v5  }
0x64: {  	v5 =	vbroadcast v5, $0x0;
	v3 =	vmul.f32 v3, v1  }
0x65: {  	v2 =	vmul.f32 v2, v1;
	v4 =	vmul.f32 v4, v1  }
0x66: {  	[tilespmem:s23+$0xFFFFFFC0] =	vst v3  }
0x67: {  	[tilespmem:s23+$0xFFFFFFD0] =	vst v4;
	v1 =	vmul.f32 v6, v1  }
0x68: {  	[tilespmem:s23+$0xFFFFFFE0] =	vst v2;
	v2 =	vld [tilespmem:s23+$0x0]  }
0x69: {  	[tilespmem:s23+$0xFFFFFFF0] =	vst v1;
	v3 =	vld [tilespmem:s23+$0x20]  }
0x6a: {  	v1 =	vld.idx.msk [tilespmem:v5+s15+$0x0], $0xffff  }
0x6b: {  	v5 =	vld [tilespmem:s23+$0x10]  }
.Ltmp0:
0x6c: {  	s26 =	sadd.s32 $0x3, s26;
	v4 =	vld [tilespmem:s23+$0x30];
	(pc) =	sbr.rel @p0 .LBB2_3-.Ltmp0, $4  }
0x6d: {  	v6 =	vmov s26  }
0x6e: {  	v6 =	vand.u32 $0x7F, v6  }
0x6f: {  	v7 =	vor.u32 v0, v6  }
0x70: {  	v6 =	vmul.f32 v2, v1;
	v2 =	vbroadcast v7, $0x0  }
0x71: {  	v0 =	vmul.f32 v5, v1  }
0x72: {  	v3 =	vmul.f32 v3, v1;
	[tilespmem:s24+$0x0] =	vst v6  }
0x73: {  	v57 =	vmul.f32 v4, v1;
	[tilespmem:s24+$0x10] =	vst v0  }
0x74: {  	[tilespmem:s24+$0x20] =	vst v3  }
0x75: {  	v58 =	vld [tilespmem:s24+$0x40];
	[tilespmem:s24+$0x30] =	vst v57  }
0x76: {  	v59 =	vld.idx.msk [tilespmem:v2+s15+$0x0], $0xffff  }
0x77: {  	v60 =	vld [tilespmem:s24+$0x70]  }
0x78: {  	v61 =	vld [tilespmem:s24+$0x60]  }
0x79: {  	v62 =	vld [tilespmem:s24+$0x50];
	_ =	sdelay $0x1  }
0x7a: {  	v0 =	vmul.f32 v58, v59  }
0x7b: {  	v2 =	vmul.f32 v60, v59  }
0x7c: {  	v3 =	vmul.f32 v61, v59;
	[tilespmem:s24+$0x40] =	vst v0  }
0x7d: {  	s21 =	sadd.s32 $0x1, s21;
	v63 =	vmul.f32 v62, v59;
	[tilespmem:s24+$0x70] =	vst v2  }
0x7e: {  	p0 =	sne.s32 s21, $0x50;
	[tilespmem:s24+$0x60] =	vst v3  }
.Ltmp1:
0x7f: {  	s22 =	sadd.s32 $0x2800, s22;
	[tilespmem:s24+$0x50] =	vst v63;
	(pc) =	sbr.rel @p0 .LBB2_2-.Ltmp1, $4  }
0x80: {  	[spmem:s2] =	stream.indirect.scatter.add.f32 [tilespmem:s19], [sflag:$0x1], $0x40, s22, s18, $0xb8;
	[tilespmem:$0x13800] =	vst v63  }
0x81: {  	_ =	swait.ge [sflag:s13], $0x2000  }
0x82: {  	[sflag:s13] =	ssyncset.done $0x0  }
0x83: {  	[sflag:s13] =	ssyncadd.s32 $0xFFFFE000  }
0x84: {  	[bflag:$0x0] =	sbarrier.arrive $0xFFFF  }
0x85: {  	[hbm:s10], [sflag:s16] =	dma.local [spmem:s17], $0x1400  }
0x86: {  	_ =	swait.ge [sflag:s13], $0x1400  }
0x87: {  	[sflag:s13] =	ssyncset.done $0x0  }
0x88: {  	[sflag:s13] =	ssyncadd.s32 $0xFFFFEC00  }
0x89: {  	[spmem:s17], [sflag:s16] =	dma.local [hbm:s6], $0x1400  }
0x8a: {  	_ =	swait.ge [sflag:s13], $0x1400  }
0x8b: {  	[sflag:s13] =	ssyncset.done $0x0  }
0x8c: {  	[sflag:s13] =	ssyncadd.s32 $0xFFFFEC00  }
0x8d: {  	s21 =	simm.s32 $0x0;
	s22 =	simm.s32 $0x0;
	[bflag:$0x0] =	sbarrier.arrive $0xFFFF  }
.LBB2_6:
0x8e: {  	s23 =	sshll.u32 s22, $0x7;
	v1 =	vmov s21  }
0x8f: {  	v0 =	vmov s23;
	v1 =	vand.u32 $0x7C, v1  }
0x90: {  	v1 =	vor.u32 v0, v1  }
0x91: {  	v1 =	vbroadcast v1, $0x0  }
0x92: {  	[tilespmem:s19], [sflag:$0x1] =	stream.indirect.gather [hbm4b:s5+s18], $0x40, s23, s18, $0xb8;
	[tilespmem:$0x13800] =	vst v63  }
0x93: {  	_ =	swait.ge [sflag:s13], $0x2000  }
0x94: {  	[sflag:s13] =	ssyncset.done $0x0  }
0x95: {  	s24 =	simm.s32 $0x7880;
	[sflag:s13] =	ssyncadd.s32 $0xFFFFE000  }
0x96: {  	v2 =	vld [tilespmem:s24+$0xFFFFFF80]  }
0x97: {  	v1 =	vld.idx.msk [tilespmem:v1+s15+$0x0], $0xffff  }
0x98: {  	s25 =	simm.s32 $0x1;
	v3 =	vld [tilespmem:s24+$0xFFFFFF90]  }
0x99: {  	v5 =	vmov s25;
	v4 =	vld [tilespmem:s24+$0xFFFFFFB0]  }
0x9a: {  	v5 =	vand.u32 $0x7D, v5;
	v6 =	vld [tilespmem:s24+$0xFFFFFFA0]  }
0x9b: {  	v5 =	vor.u32 v0, v5  }
0x9c: {  	v5 =	vbroadcast v5, $0x0;
	v2 =	vmul.f32 v2, v1  }
0x9d: {  	v3 =	vmul.f32 v3, v1  }
0x9e: {  	v4 =	vmul.f32 v4, v1;
	[tilespmem:s24+$0xFFFFFF80] =	vst v2  }
0x9f: {  	v1 =	vmul.f32 v6, v1;
	[tilespmem:s24+$0xFFFFFF90] =	vst v3  }
0xa0: {  	[tilespmem:s24+$0xFFFFFFB0] =	vst v4  }
0xa1: {  	[tilespmem:s24+$0xFFFFFFA0] =	vst v1;
	v2 =	vld [tilespmem:s24+$0xFFFFFFC0]  }
0xa2: {  	v1 =	vld.idx.msk [tilespmem:v5+s15+$0x0], $0xffff  }
0xa3: {  	s30 =	simm.s32 $0x2;
	v3 =	vld [tilespmem:s24+$0xFFFFFFD0]  }
0xa4: {  	v4 =	vld [tilespmem:s24+$0xFFFFFFE0];
	v5 =	vmov s30  }
0xa5: {  	v6 =	vld [tilespmem:s24+$0xFFFFFFF0];
	v5 =	vand.u32 $0x7E, v5  }
0xa6: {  	v5 =	vor.u32 v0, v5  }
0xa7: {  	v5 =	vbroadcast v5, $0x0;
	v2 =	vmul.f32 v2, v1  }
0xa8: {  	v3 =	vmul.f32 v3, v1  }
0xa9: {  	v4 =	vmul.f32 v4, v1;
	[tilespmem:s24+$0xFFFFFFC0] =	vst v2  }
0xaa: {  	v1 =	vmul.f32 v6, v1;
	[tilespmem:s24+$0xFFFFFFD0] =	vst v3  }
0xab: {  	[tilespmem:s24+$0xFFFFFFE0] =	vst v4  }
0xac: {  	v2 =	vld [tilespmem:s24+$0x0];
	[tilespmem:s24+$0xFFFFFFF0] =	vst v1  }
0xad: {  	v1 =	vld.idx.msk [tilespmem:v5+s15+$0x0], $0xffff  }
0xae: {  	s31 =	simm.s32 $0x3;
	v3 =	vld [tilespmem:s24+$0x20]  }
0xaf: {  	v4 =	vmov s31;
	v5 =	vld [tilespmem:s24+$0x10]  }
0xb0: {  	v4 =	vand.u32 $0x7F, v4  }
0xb1: {  	v7 =	vor.u32 v0, v4;
	v4 =	vld [tilespmem:s24+$0x30]  }
0xb2: {  	s26 =	simm.s32 $0x4;
	s25 =	simm.s32 $0x7880;
	v6 =	vmul.f32 v2, v1;
	v2 =	vbroadcast v7, $0x0  }
.LBB2_7:
0xb3: {  	p0 =	sne.s32 s26, $0x7C  }
0xb4: {  	v5 =	vmul.f32 v5, v1;
	v3 =	vmul.f32 v3, v1;
	s24 =	sadd.s32 $0x100, s24;
	s28 =	smov.u32 s26;
	s26 =	sadd.s32 $0x4, s26  }
0xb5: {  	[tilespmem:s25+$0x0] =	vst v6  }
0xb6: {  	v1 =	vmul.f32 v4, v1;
	[tilespmem:s25+$0x10] =	vst v5  }
0xb7: {  	[tilespmem:s25+$0x20] =	vst v3;
	v3 =	vld [tilespmem:s25+$0x70]  }
0xb8: {  	v4 =	vmov s28;
	[tilespmem:s25+$0x30] =	vst v1;
	v1 =	vld [tilespmem:s25+$0x40]  }
0xb9: {  	v4 =	vand.u32 $0x7C, v4;
	v2 =	vld.idx.msk [tilespmem:v2+s15+$0x0], $0xffff  }
0xba: {  	v4 =	vor.u32 v0, v4;
	v5 =	vld [tilespmem:s25+$0x50]  }
0xbb: {  	v4 =	vbroadcast v4, $0x0;
	v6 =	vld [tilespmem:s25+$0x60];
	_ =	sdelay $0x3  }
0xbc: {  	v1 =	vmul.f32 v1, v2;
	v7 =	vld [tilespmem:s24+$0xFFFFFFA0];
	v5 =	vmul.f32 v5, v2  }
0xbd: {  	v8 =	vld [tilespmem:s24+$0xFFFFFFB0];
	v6 =	vmul.f32 v6, v2;
	v2 =	vmul.f32 v3, v2  }
0xbe: {  	[tilespmem:s25+$0x40] =	vst v1  }
0xbf: {  	[tilespmem:s25+$0x70] =	vst v2  }
0xc0: {  	s29 =	sadd.s32 $0x1, s28;
	[tilespmem:s25+$0x60] =	vst v6  }
0xc1: {  	v1 =	vmov s29;
	[tilespmem:s25+$0x50] =	vst v5;
	s25 =	smov.u32 s24  }
0xc2: {  	v1 =	vand.u32 $0x7D, v1;
	v2 =	vld.idx.msk [tilespmem:v4+s15+$0x0], $0xffff  }
0xc3: {  	v1 =	vor.u32 v0, v1;
	v3 =	vld [tilespmem:s24+$0xFFFFFF80]  }
0xc4: {  	v1 =	vbroadcast v1, $0x0;
	v4 =	vld [tilespmem:s24+$0xFFFFFF90];
	_ =	sdelay $0x3  }
0xc5: {  	v5 =	vmul.f32 v8, v2;
	v3 =	vmul.f32 v3, v2  }
0xc6: {  	v4 =	vmul.f32 v4, v2;
	v2 =	vmul.f32 v7, v2  }
0xc7: {  	[tilespmem:s24+$0xFFFFFF80] =	vst v3  }
0xc8: {  	[tilespmem:s24+$0xFFFFFF90] =	vst v4  }
0xc9: {  	[tilespmem:s24+$0xFFFFFFB0] =	vst v5  }
0xca: {  	[tilespmem:s24+$0xFFFFFFA0] =	vst v2;
	v2 =	vld [tilespmem:s24+$0xFFFFFFE0]  }
0xcb: {  	v1 =	vld.idx.msk [tilespmem:v1+s15+$0x0], $0xffff  }
0xcc: {  	v3 =	vld [tilespmem:s24+$0xFFFFFFC0]  }
0xcd: {  	s29 =	sadd.s32 $0x2, s28;
	v4 =	vld [tilespmem:s24+$0xFFFFFFD0]  }
0xce: {  	v5 =	vmov s29  }
0xcf: {  	v5 =	vand.u32 $0x7E, v5;
	v6 =	vld [tilespmem:s24+$0xFFFFFFF0]  }
0xd0: {  	v5 =	vor.u32 v0, v5  }
0xd1: {  	v5 =	vbroadcast v5, $0x0;
	v3 =	vmul.f32 v3, v1  }
0xd2: {  	v2 =	vmul.f32 v2, v1;
	v4 =	vmul.f32 v4, v1  }
0xd3: {  	[tilespmem:s24+$0xFFFFFFC0] =	vst v3  }
0xd4: {  	[tilespmem:s24+$0xFFFFFFD0] =	vst v4;
	v1 =	vmul.f32 v6, v1  }
0xd5: {  	[tilespmem:s24+$0xFFFFFFE0] =	vst v2;
	v2 =	vld [tilespmem:s24+$0x0]  }
0xd6: {  	[tilespmem:s24+$0xFFFFFFF0] =	vst v1;
	v3 =	vld [tilespmem:s24+$0x20]  }
0xd7: {  	v1 =	vld.idx.msk [tilespmem:v5+s15+$0x0], $0xffff  }
0xd8: {  	v5 =	vld [tilespmem:s24+$0x10]  }
.Ltmp2:
0xd9: {  	s28 =	sadd.s32 $0x3, s28;
	v4 =	vld [tilespmem:s24+$0x30];
	(pc) =	sbr.rel @p0 .LBB2_7-.Ltmp2, $4  }
0xda: {  	v6 =	vmov s28  }
0xdb: {  	v6 =	vand.u32 $0x7F, v6  }
0xdc: {  	v7 =	vor.u32 v0, v6  }
0xdd: {  	v6 =	vmul.f32 v2, v1;
	v2 =	vbroadcast v7, $0x0  }
0xde: {  	v0 =	vmul.f32 v5, v1  }
0xdf: {  	v3 =	vmul.f32 v3, v1;
	[tilespmem:s25+$0x0] =	vst v6  }
0xe0: {  	v57 =	vmul.f32 v4, v1;
	[tilespmem:s25+$0x10] =	vst v0  }
0xe1: {  	[tilespmem:s25+$0x20] =	vst v3  }
0xe2: {  	v58 =	vld [tilespmem:s25+$0x40];
	[tilespmem:s25+$0x30] =	vst v57  }
0xe3: {  	v59 =	vld.idx.msk [tilespmem:v2+s15+$0x0], $0xffff  }
0xe4: {  	v60 =	vld [tilespmem:s25+$0x70]  }
0xe5: {  	v61 =	vld [tilespmem:s25+$0x60]  }
0xe6: {  	v62 =	vld [tilespmem:s25+$0x50];
	_ =	sdelay $0x1  }
0xe7: {  	v0 =	vmul.f32 v58, v59  }
0xe8: {  	v2 =	vmul.f32 v60, v59  }
0xe9: {  	v3 =	vmul.f32 v61, v59;
	[tilespmem:s25+$0x40] =	vst v0  }
0xea: {  	s22 =	sadd.s32 $0x1, s22;
	v63 =	vmul.f32 v62, v59;
	[tilespmem:s25+$0x70] =	vst v2  }
0xeb: {  	p0 =	sne.s32 s22, $0x50;
	[tilespmem:s25+$0x60] =	vst v3  }
.Ltmp3:
0xec: {  	s23 =	sadd.s32 $0x2800, s23;
	[tilespmem:s25+$0x50] =	vst v63;
	(pc) =	sbr.rel @p0 .LBB2_6-.Ltmp3, $4  }
0xed: {  	[spmem:s2] =	stream.indirect.scatter.add.f32 [tilespmem:s19], [sflag:$0x1], $0x40, s23, s18, $0xb8;
	[tilespmem:$0x13800] =	vst v63  }
0xee: {  	_ =	swait.ge [sflag:s13], $0x2000  }
0xef: {  	[sflag:s13] =	ssyncset.done $0x0  }
0xf0: {  	[sflag:s13] =	ssyncadd.s32 $0xFFFFE000  }
0xf1: {  	s20 =	sadd.s32 $0x1, s20  }
0xf2: {  	p0 =	sne.s32 s20, s12  }
.Ltmp4:
0xf3: {  	[bflag:$0x0] =	sbarrier.arrive $0xFFFF;
	(pc) =	sbr.rel @p0 .LBB2_1-.Ltmp4, $4  }
0xf4: {  	[hbm:s11], [sflag:s16] =	dma.local [spmem:s17], $0x1400  }
0xf5: {  	_ =	swait.ge [sflag:s13], $0x1400  }
0xf6: {  	[sflag:s13] =	ssyncset.done $0x0  }
0xf7: {  	[sflag:s13] =	ssyncadd.s32 $0xFFFFEC00  }
0xf8: {  	_ =	sfence.sel $0x180000  }
0xf9: {  	[bflag:$0x0] =	sbarrier.arrive $0xFFFF  }
0xfa: {  	p0 =	sne.s32 s0, $0x0;
	_ =	strace $0x9000004D  }
0xfb: {  	s0 =	sadd.s32 @!p0 $0x100000, s1;
	[bflag:$0x2] =	sbarrier.arrive $0xFFFF  }
0xfc: {  	[sflag:s0] =	ssyncadd.tile.s32 @!p0 $0x1;
	_ =	shalt  }
.Lfunc_end2:
_tile_overlayer_lowered:
.L_overlay_start_2:
0xfd: {  	(tag) =	ssettag $0x2  }
0xfe: {  	s0 =	rddreg [dreg:$0x0];
	s2 =	stileid.u32  }
0xff: {  	s1 =	rddreg [dreg:$0x1];
	p0 =	sne.s32 s2, $0x0  }
0x100: {  	s3 =	rddreg [dreg:$0x2];
	[bflag:$0x3] =	sbarrier.arrive $0xFFFF;
	s2 =	simm.s32 @!p0 $0x1C01  }
0x101: {  	[timem:s3], [sflag:s2] =	dma.local @!p0 [hbm:s0], s1  }
0x102: {  	s0 =	simm.s32 @!p0 $0x1  }
0x103: {  	_ =	swait.ge @!p0 [sflag:s0], s1  }
0x104: {  	s1 =	ssub.s32 @!p0 $0x0, s1;
	[sflag:s0] =	ssyncset.done @!p0 $0x0  }
0x105: {  	[sflag:s0] =	ssyncadd.s32 @!p0 s1  }
0x106: {  	[bflag:$0x3] =	sbarrier.arrive $0xFFFF  }
0x107: {  	_ =	shalt  }

// kernel: kernel.8.cloned.1.call-start
scs
__scs_entry_jumppad:
0x0: {  	(pc) =	sbr.rel $0x88, $3  }
0x1: {  	(tag) =	ssettag $0x0;
	lr =	simm.s32 $0x1  }
0x2: {  	[smem:$0x3F95] =	sst lr;
	_ =	strace $0xD0000000  }
0x3: {  	_ = 	snop  }
0x4: {  	_ = 	snop  }
0x5: {  	_ = 	snop  }
0x6: {  	_ = 	snop  }
0x7: {  	_ = 	snop  }
__scs_overlays_trampoline_lowered:
0x8: {  	[smem:$0x3FA4] =	sst s0  }
0x9: {  	[smem:$0x3FA5] =	sst s1  }
0xa: {  	[smem:$0x3FA6] =	sst s2  }
0xb: {  	[smem:$0x3FA7] =	sst s3  }
0xc: {  	[smem:$0x3FA8] =	sst s4  }
0xd: {  	[smem:$0x3FA9] =	sst s5  }
0xe: {  	[smem:$0x3FAA] =	sst s6  }
0xf: {  	[smem:$0x3FAB] =	sst s7  }
0x10: {  	[smem:$0x3FAC] =	sst s8  }
0x11: {  	[smem:$0x3FAD] =	sst s9;
	s0 =	simm.s32 @!p0 $0x0  }
0x12: {  	s1 =	sld [smem:$0x3F93];
	s0 =	simm.s32 @p0 $0x1  }
0x13: {  	[smem:$0x3FAE] =	sst s0;
	s0 =	simm.s32 @!p1 $0x0  }
0x14: {  	s2 =	sld [smem:$0x3F92];
	s0 =	simm.s32 @p1 $0x1  }
0x15: {  	[smem:$0x3FAF] =	sst s0;
	s0 =	simm.s32 @!p2 $0x0  }
0x16: {  	s3 =	sld [smem:$0x3FDB];
	s0 =	simm.s32 @p2 $0x1  }
0x17: {  	s4 =	simm.s32 $0x1BF5;
	[smem:$0x3FB1] =	sst s0  }
0x18: {  	s0 =	sld [smem:$0x3F94];
	_ =	swait.ge [sflag:s4], $0x0  }
0x19: {  	s7 =	sld [smem:$0x3F95]  }
0x1a: {  	s8 =	sadd.s32 $0xFFFFE003, lr  }
0x1b: {  	s9 =	sadd.s32 $0xFFFFFEF7, lr;
	s5 =	simm.s32 $0xFFFFFFFF;
	p2 =	slt.u32 s8, $0xFFFFF086  }
0x1c: {  	p1 =	slt.u32 s9, $0xF7A;
	s5 =	simm.s32 @!p2 $0x0  }
0x1d: {  	s5 =	simm.s32 @p1 $0x1;
	p0 =	seq.s32 s7, s2  }
0x1e: {  	s7 =	smul.u32 @!p0 $0xF7A, s2;
	p2 =	seq.s32 @!p0 s5, $0x0  }
0x1f: {  	s9 =	smul.u32 $0xF7A, s1;
	s8 =	simm.s32 @!p0 $0x1BF5;
	p2 =	por !p2, p0  }
0x20: {  	[sflag:s8] =	ssyncset.s32 @!p0 $0xFFFFF086;
	s6 =	sadd.s32 @!p0 s3, s7;
	s7 =	simm.s32 @!p0 $0x108  }
0x21: {  	s3 =	sadd.s32 s3, s9;
	s6 =	sadd.s32 @!p0 $0x88, s6;
	s7 =	simm.s32 @p2 $0x1082  }
0x22: {  	[simem:s7], [sflag:s8] =	dma.local @!p0 [hbm:s6], $0xF7A  }
0x23: {  	s9 =	sor.u32 $0xD0000000, s2;
	s6 =	simm.s32 $0x108;
	_ =	swait.ge @!p0 [sflag:s8], $0x0  }
0x24: {  	s3 =	sadd.s32 $0x88, s3;
	s6 =	simm.s32 @!p1 $0x1082;
	[sflag:s4] =	ssyncset.s32 $0xFFFFF086  }
0x25: {  	[simem:s6], [sflag:s4] =	dma.local [hbm:s3], $0xF7A  }
0x26: {  	[smem:$0x3F95] =	sst s1;
	(tag) =	ssettag s2;
	_ =	strace s9  }
0x27: {  	s1 =	sld [smem:$0x3FA5]  }
0x28: {  	s2 =	sld [smem:$0x3FA6]  }
0x29: {  	s4 =	sld [smem:$0x3FA8]  }
0x2a: {  	p0 =	seq.s32 s5, $0x0;
	s5 =	sld [smem:$0x3FA9]  }
0x2b: {  	s6 =	sld [smem:$0x3FAA]  }
0x2c: {  	s7 =	sld [smem:$0x3FAB]  }
0x2d: {  	s3 =	simm.s32 $0x108;
	s8 =	sld [smem:$0x3FAC]  }
0x2e: {  	s3 =	simm.s32 @!p0 $0x1082;
	s9 =	sld [smem:$0x3FAD]  }
0x2f: {  	lr =	sadd.s32 s0, s3;
	s0 =	sld [smem:$0x3FA4]  }
0x30: {  	s3 =	sld [smem:$0x3FA7]  }
0x31: {  	[smem:$0x3FB0] =	sst s10  }
0x32: {  	s10 =	sld [smem:$0x3FAE];
	_ =	sdelay $0x3  }
0x33: {  	p0 =	seq.s32 s10, $0x1;
	s10 =	sld [smem:$0x3FB0];
	_ =	sdelay $0x3  }
0x34: {  	[smem:$0x3FB0] =	sst s10  }
0x35: {  	s10 =	sld [smem:$0x3FAF];
	_ =	sdelay $0x3  }
0x36: {  	p1 =	seq.s32 s10, $0x1;
	s10 =	sld [smem:$0x3FB0];
	_ =	sdelay $0x3  }
0x37: {  	[smem:$0x3FB0] =	sst s10  }
0x38: {  	s10 =	sld [smem:$0x3FB1]  }
0x39: {  	_ = 	snop;
	(pc) =	sbr.ind lr, $3  }
0x3a: {  	_ = 	snop  }
0x3b: {  	_ = 	snop  }
0x3c: {  	p2 =	seq.s32 s10, $0x1;
	s10 =	sld [smem:$0x3FB0]  }
0x3d: {  	_ =	shalt  }
0x3e: {  	_ =	shalt  }
0x3f: {  	_ =	shalt  }
0x40: {  	_ =	shalt  }
0x41: {  	_ =	shalt  }
0x42: {  	_ =	shalt  }
0x43: {  	_ =	shalt  }
0x44: {  	_ =	shalt  }
0x45: {  	_ =	shalt  }
0x46: {  	_ =	shalt  }
0x47: {  	_ =	shalt  }
0x48: {  	_ =	shalt  }
0x49: {  	_ =	shalt  }
0x4a: {  	_ =	shalt  }
0x4b: {  	_ =	shalt  }
0x4c: {  	_ =	shalt  }
0x4d: {  	_ =	shalt  }
0x4e: {  	_ =	shalt  }
0x4f: {  	_ =	shalt  }
0x50: {  	_ =	shalt  }
0x51: {  	_ =	shalt  }
0x52: {  	_ =	shalt  }
0x53: {  	_ =	shalt  }
0x54: {  	_ =	shalt  }
0x55: {  	_ =	shalt  }
0x56: {  	_ =	shalt  }
0x57: {  	_ =	shalt  }
0x58: {  	_ =	shalt  }
0x59: {  	_ =	shalt  }
0x5a: {  	_ =	shalt  }
0x5b: {  	_ =	shalt  }
0x5c: {  	_ =	shalt  }
0x5d: {  	_ =	shalt  }
0x5e: {  	_ =	shalt  }
0x5f: {  	_ =	shalt  }
0x60: {  	_ =	shalt  }
0x61: {  	_ =	shalt  }
0x62: {  	_ =	shalt  }
0x63: {  	_ =	shalt  }
0x64: {  	_ =	shalt  }
0x65: {  	_ =	shalt  }
0x66: {  	_ =	shalt  }
0x67: {  	_ =	shalt  }
0x68: {  	_ =	shalt  }
0x69: {  	_ =	shalt  }
0x6a: {  	_ =	shalt  }
0x6b: {  	_ =	shalt  }
0x6c: {  	_ =	shalt  }
0x6d: {  	_ =	shalt  }
0x6e: {  	_ =	shalt  }
0x6f: {  	_ =	shalt  }
0x70: {  	_ =	shalt  }
0x71: {  	_ =	shalt  }
0x72: {  	_ =	shalt  }
0x73: {  	_ =	shalt  }
0x74: {  	_ =	shalt  }
0x75: {  	_ =	shalt  }
0x76: {  	_ =	shalt  }
0x77: {  	_ =	shalt  }
0x78: {  	_ =	shalt  }
0x79: {  	_ =	shalt  }
0x7a: {  	_ =	shalt  }
0x7b: {  	_ =	shalt  }
0x7c: {  	_ =	shalt  }
0x7d: {  	_ =	shalt  }
0x7e: {  	_ =	shalt  }
0x7f: {  	_ =	shalt  }
0x80: {  	_ =	shalt  }
0x81: {  	_ =	shalt  }
0x82: {  	_ =	shalt  }
0x83: {  	_ =	shalt  }
0x84: {  	_ =	shalt  }
0x85: {  	_ =	shalt  }
0x86: {  	_ =	shalt  }
0x87: {  	_ =	shalt  }
.Lfunc_end0:
.L_simem_size_0:
called_computation_lowered:
.L_overlay_start_0:
0x88: {  	s2 =	sld [smem:$0x3FD9]  }
0x89: {  	s3 =	sld [smem:$0x3FFE];
	_ =	sdelay $0x1  }
0x8a: {  	s1 =	srdreg.scid  }
0x8b: {  	s0 =	sand.u32 $0x1, s1  }
0x8c: {  	s16 =	sshll.u32 s0, $0xA;
	s2 =	sadd.s32 s3, s2  }
0x8d: {  	s2 =	sadd.s32 s2, s16  }
0x8e: {  	[smem:$0x3FBC] =	sst s2  }
0x8f: {  	_ = 	snop  }
0x90: {  	(tm) =	ssettm $0x1  }
0x91: {  	s17 =	sld [smem:$0x3FFB];
	_ =	sdelay $0x3  }
0x92: {  	_ =	strace s17  }
0x93: {  	s2 =	sld [smem:$0x3FFC];
	_ =	sdelay $0x3  }
0x94: {  	_ =	strace s2  }
0x95: {  	s2 =	sld [smem:$0x3FFD];
	_ =	sdelay $0x3  }
0x96: {  	_ =	strace s2  }
0x97: {  	_ =	strace $0x8FFFFFFF  }
0x98: {  	s18 =	sld [smem:$0x3FDB];
	_ =	sdelay $0x1  }
0x99: {  	s19 =	simm.s32 $_scs_section_size  }
0x9a: {  	s4 =	simm.s32 $_size__tile_overlayer_lowered;
	s5 =	simm.s32 $_tile_overlayer_lowered  }
0x9b: {  	s22 =	simm.s32 $0x1BFF;
	s21 =	sshll.u32 s5, $0x1;
	s2 =	sadd.s32 s19, s18  }
0x9c: {  	s6 =	simm.s32 $0x0;
	s20 =	sshll.u32 s4, $0x1;
	s4 =	sadd.s32 s21, s2  }
0x9d: {  	[timem:s6], [sflag:s22] =	dma.local [hbm:s4], s20  }
0x9e: {  	_ =	swait.ge [sflag:s22], s20  }
0x9f: {  	s3 =	ssub.s32 $0x0, s20;
	[sflag:s22] =	ssyncset.done $0x0  }
0xa0: {  	[sflag:s22] =	ssyncadd.s32 s3;
	_ =	sdelay $0x1  }
0xa1: {  	s23 =	simm.s32 $0x1B8B  }
0xa2: {  	_ =	swait.ge [sflag:s23], $0x1  }
0xa3: {  	[sflag:s23] =	ssyncset.done $0x0  }
0xa4: {  	s25 =	simm.s32 $0x1B8E;
	s24 =	sld [smem:$0x3FFE];
	[sflag:s23] =	ssyncadd.s32 $0xFFFFFFFF  }
0xa5: {  	s26 =	simm.s32 $execute0_lowered;
	[smem:$0x3FD2] =	sst s25  }
0xa6: {  	s4 =	sshll.u32 s26, $0x1;
	_ =	strace $0x80000046;
	[dreg:$0x1] =	wrdreg $0xFFFFFFFF  }
0xa7: {  	s28 =	simm.s32 $_size_execute0_lowered;
	s2 =	sadd.s32 s2, s4;
	[dreg:$0x0] =	wrdreg $0x0  }
0xa8: {  	s4 =	sshll.u32 s28, $0x1;
	[dreg:$0x2] =	wrdreg s2  }
0xa9: {  	[dreg:$0x3] =	wrdreg s4  }
0xaa: {  	[dreg:$0x4] =	wrdreg $0xC0  }
0xab: {  	_ =	task [dreg:s6], $0x5FFFF  }
0xac: {  	[dreg:$0x1] =	wrdreg $0xFFFFFFFF  }
0xad: {  	[dreg:$0x0] =	wrdreg $0x60  }
0xae: {  	[dreg:$0x2] =	wrdreg s24  }
0xaf: {  	[dreg:$0x3] =	wrdreg $0x58000  }
0xb0: {  	[dreg:$0x4] =	wrdreg $0x9  }
0xb1: {  	_ =	task.clear_ibuf [dreg:s6], $0x5FFFF;
	_ =	strace $0x90000046  }
0xb2: {  	s29 =	simm.s32 $0x9;
	_ =	strace $0x80000048  }
0xb3: {  	_ =	swait.ge [sflag:s29], $0x1  }
0xb4: {  	[sflag:s29] =	ssyncadd.s32 $0xFFFFFFFF  }
0xb5: {  	_ =	strace $0x90000048  }
0xb6: {  	_ =	sfence  }
0xb7: {  	s30 =	sld [smem:$0x0];
	_ =	sdelay $0x2  }
0xb8: {  	s31 =	sshll.u32 s1, $0xD;
	s1 =	sshrl.u32 s1, $0x2  }
0xb9: {  	s3 =	sand.u32 $0x4000, s31;
	s1 =	sadd.s32 s1, s30  }
0xba: {  	s0 =	sor.u32 s3, s0;
	s1 =	sshll.u32 s1, $0x11  }
0xbb: {  	s0 =	sor.u32 s1, s0  }
0xbc: {  	s0 =	sadd.s32 $0x8F2B, s0  }
0xbd: {  	[sflag:s0] =	ssyncadd.remote.s32 $0x1  }
0xbe: {  	_ =	sfence.sel $0xFFFF  }
0xbf: {  	[dreg:$0x0] =	wrdreg $0xFFFFFFFF;
	(pc) =	sbr.abs _section_cstart, $3  }
0xc0: {  	[dreg:$0x1] =	wrdreg $0xFFFFFFFF  }
0xc1: {  	_ =	task.clear_ibuf [dreg:s6], $0x2FFFF;
	_ =	strace $0x9FFFFFFF  }
0xc2: {  	(tm) =	ssettm $0x7FFFFFFF  }
0xc3: {  	_ =	shalt  }
tec
execute0_lowered:
.L_overlay_start_1:
0x0: {  	(tag) =	ssettag $0x1  }
0x1: {  	s0 =	srdreg.scid;
	s5 =	rddreg [dreg:$0x0]  }
0x2: {  	s2 =	rddreg [dreg:$0x1];
	s3 =	simm.s32 $0x0;
	s13 =	simm.s32 $0x80  }
0x3: {  	s14 =	simm.s32 $0x5000;
	s4 =	sand.u32 $0x1, s0;
	s0 =	stileid.u32  }
0x4: {  	s15 =	simm.s32 $0x0;
	[smem:$0x7FF] =	sst s3;
	s7 =	smul.u32 $0x2800, s0  }
0x5: {  	s1 =	sshll.u32 s4, $0x4;
	s8 =	smul.u32 $0x28000, s4;
	s30 =	ssub.s32 $0x2, s4  }
0x6: {  	s4 =	sadd.s32 $0x16400, s5;
	s31 =	sshll.u32 s0, $0x6;
	s1 =	sor.u32 s0, s1  }
0x7: {  	s10 =	sshrl.u32 s30, $0x1;
	s6 =	smul.u32 $0x500, s1;
	s1 =	rddreg [dreg:$0x2]  }
0x8: {  	_ =	strace $0x80000047;
	s29 =	sadd.s32 s7, s8;
	s10 =	ssub.s32 s30, s10  }
0x9: {  	s12 =	sadd.s32 s7, s2;
	s9 =	sadd.s32 s6, s5;
	s6 =	sshrl.u32 s29, $0x3  }
0xa: {  	s11 =	sadd.s32 s6, s5;
	s5 =	sor.u32 $0x1C01, s31;
	s6 =	sadd.s32 $0x2400, s9  }
0xb: {  	s7 =	sadd.s32 $0xC400, s9;
	s9 =	smax.u32 s10, $0x1;
	s10 =	sshrl.u32 s12, $0x3  }
0xc: {  	s12 =	simm.s32 $0x2800;
	s8 =	sadd.s32 $0x16A00, s11;
	s11 =	simm.s32 $0x1  }
.LBB2_1:
0xd: {  	[spmem:s10], [sflag:s5] =	dma.local [hbm:s4], $0x500  }
0xe: {  	_ =	swait.ge [sflag:s11], $0x500  }
0xf: {  	[sflag:s11] =	ssyncset.done $0x0  }
0x10: {  	[sflag:s11] =	ssyncadd.s32 $0xFFFFFB00  }
0x11: {  	[tilespmem:s3], [sflag:$0x1] =	stream.linear.gather [hbm4b:s6+s3], $0x2800, $0x38;
	[tilespmem:$0x8000] =	vst v63  }
0x12: {  	_ =	swait.ge [sflag:s11], $0x2800  }
0x13: {  	[sflag:s11] =	ssyncset.done $0x0  }
0x14: {  	[sflag:s11] =	ssyncadd.s32 $0xFFFFD800  }
0x15: {  	[tilespmem:s12], [sflag:$0x1] =	stream.linear.gather [hbm4b:s7+s3], $0x2800, $0x38;
	[tilespmem:$0x8000] =	vst v63  }
0x16: {  	_ =	swait.ge [sflag:s11], $0x2800  }
0x17: {  	[sflag:s11] =	ssyncset.done $0x0  }
0x18: {  	[sflag:s11] =	ssyncadd.s32 $0xFFFFD800  }
0x19: {  	s16 =	simm.s32 $0x0;
	[bflag:$0x0] =	sbarrier.arrive $0xFFFF  }
.LBB2_2:
0x1a: {  	s18 =	simm.s32 $0x0  }
0x1b: {  	s17 =	sshll.u32 s16, $0x7;
	v1 =	vmov s18  }
0x1c: {  	v0 =	vmov s17;
	v1 =	vand.u32 $0x7F, v1  }
0x1d: {  	v1 =	vor.u32 v0, v1  }
0x1e: {  	v1 =	vbroadcast v1, $0x0;
	_ =	sdelay $0x1  }
0x1f: {  	s31 =	simm.s32 $0x1  }
0x20: {  	v2 =	vmov s31  }
0x21: {  	v2 =	vand.u32 $0x7F, v2  }
0x22: {  	v3 =	vor.u32 v0, v2  }
0x23: {  	v2 =	vld.idx.msk [tilespmem:v1+s12+$0x0], $0xffff;
	v1 =	vbroadcast v3, $0x0;
	_ =	sdelay $0x2  }
0x24: {  	s19 =	simm.s32 $0x2  }
0x25: {  	s18 =	simm.s32 $0x5000;
	v3 =	vmov s19;
	s19 =	simm.s32 $0x3  }
.LBB2_3:
0x26: {  	p0 =	sne.s32 s19, $0x7F;
	v3 =	vand.u32 $0x7F, v3;
	[tilespmem:s18+$0x0] =	vst v2  }
0x27: {  	v3 =	vor.u32 v0, v3;
	v2 =	vld.idx.msk [tilespmem:v1+s12+$0x0], $0xffff  }
.Ltmp0:
0x28: {  	v1 =	vbroadcast v3, $0x0;
	(pc) =	sbr.rel @p0 .LBB2_3-.Ltmp0, $2  }
0x29: {  	_ =	sdelay $0x2  }
0x2a: {  	s18 =	sadd.s32 $0x10, s18;
	v3 =	vmov s19;
	s19 =	sadd.s32 $0x1, s19  }
0x2b: {  	_ =	sdelay $0x1  }
0x2c: {  	v3 =	vand.u32 $0x7F, v3  }
0x2d: {  	[tilespmem:s18+$0x0] =	vst v2;
	v0 =	vor.u32 v0, v3  }
0x2e: {  	v1 =	vld.idx.msk [tilespmem:v1+s12+$0x0], $0xffff;
	v0 =	vbroadcast v0, $0x0;
	_ =	sdelay $0x3  }
0x2f: {  	s31 =	sadd.s32 $0x10, s18  }
0x30: {  	[tilespmem:s31+$0x0] =	vst v1  }
0x31: {  	v0 =	vld.idx.msk [tilespmem:v0+s12+$0x0], $0xffff;
	_ =	sdelay $0x2  }
0x32: {  	s16 =	sadd.s32 $0x1, s16  }
0x33: {  	s18 =	sadd.s32 $0x10, s31;
	p0 =	sne.s32 s16, $0x50  }
.Ltmp1:
0x34: {  	s17 =	sand.u32 $0x3FFFFF80, s17;
	[tilespmem:s18+$0x0] =	vst v0;
	(pc) =	sbr.rel @p0 .LBB2_2-.Ltmp1, $4  }
0x35: {  	[spmem:s2] =	stream.indirect.scatter.add.f32 [tilespmem:s14], [sflag:$0x1], $0x10, s17, s13, $0xb8;
	[tilespmem:$0x8000] =	vst v63  }
0x36: {  	_ =	swait.ge [sflag:s11], $0x800  }
0x37: {  	[sflag:s11] =	ssyncset.done $0x0  }
0x38: {  	[sflag:s11] =	ssyncadd.s32 $0xFFFFF800  }
0x39: {  	s15 =	sadd.s32 $0x1, s15  }
0x3a: {  	p0 =	sne.s32 s15, s9  }
.Ltmp2:
0x3b: {  	[bflag:$0x0] =	sbarrier.arrive $0xFFFF;
	(pc) =	sbr.rel @p0 .LBB2_1-.Ltmp2, $4  }
0x3c: {  	[hbm:s8], [sflag:s5] =	dma.local [spmem:s10], $0x500  }
0x3d: {  	_ =	swait.ge [sflag:s11], $0x500  }
0x3e: {  	[sflag:s11] =	ssyncset.done $0x0  }
0x3f: {  	[sflag:s11] =	ssyncadd.s32 $0xFFFFFB00  }
0x40: {  	_ =	sfence.sel $0x180000  }
0x41: {  	[bflag:$0x0] =	sbarrier.arrive $0xFFFF  }
0x42: {  	p0 =	sne.s32 s0, $0x0;
	_ =	strace $0x90000047  }
0x43: {  	s0 =	sadd.s32 @!p0 $0x100000, s1;
	[bflag:$0x2] =	sbarrier.arrive $0xFFFF  }
0x44: {  	[sflag:s0] =	ssyncadd.tile.s32 @!p0 $0x1;
	_ =	shalt  }
.Lfunc_end2:
_tile_overlayer_lowered:
.L_overlay_start_2:
0x45: {  	(tag) =	ssettag $0x2  }
0x46: {  	s0 =	rddreg [dreg:$0x0];
	s2 =	stileid.u32  }
0x47: {  	s1 =	rddreg [dreg:$0x1];
	p0 =	sne.s32 s2, $0x0  }
0x48: {  	s3 =	rddreg [dreg:$0x2];
	[bflag:$0x3] =	sbarrier.arrive $0xFFFF;
	s2 =	simm.s32 @!p0 $0x1C01  }
0x49: {  	[timem:s3], [sflag:s2] =	dma.local @!p0 [hbm:s0], s1  }
0x4a: {  	s0 =	simm.s32 @!p0 $0x1  }
0x4b: {  	_ =	swait.ge @!p0 [sflag:s0], s1  }
0x4c: {  	s1 =	ssub.s32 @!p0 $0x0, s1;
	[sflag:s0] =	ssyncset.done @!p0 $0x0  }
0x4d: {  	[sflag:s0] =	ssyncadd.s32 @!p0 s1  }
0x4e: {  	[bflag:$0x3] =	sbarrier.arrive $0xFFFF  }
0x4f: {  	_ =	shalt  }

</sc_bundles>
